<compile_context>
chip_gen: v7x
topology: tpu7x:2x2x1
jax: 0.10.2.dev20260603
libtpu: 0.0.44.dev20260713+nightly
codegen_flags: <defaults>
</compile_context>

<pallas_src>
import dataclasses
import functools

import jax
import jax.numpy as jnp
from jax import lax
from jax.experimental import pallas as pl
from jax.experimental.pallas import tpu as pltpu
from jax.experimental.pallas import tpu_sc as plsc

NC = 2
NS = 16
L = 16
K1 = 80
K2 = 200
NBUF = 5
BN = 2000

_MESH = plsc.VectorSubcoreMesh(
    core_axis_name="c", subcore_axis_name="s", num_cores=NC, num_subcores=NS
)

_LINEAR = dataclasses.replace(
    pltpu.CompilerParams(), use_tc_tiling_on_sc=False)
_NO_LAYOUT = _LINEAR
if "needs_layout_passes" in pltpu.CompilerParams.__dataclass_fields__:
    _NO_LAYOUT = dataclasses.replace(_LINEAR, needs_layout_passes=False)


def _f32(*shape):
    return jax.ShapeDtypeStruct(shape, jnp.float32)


def _sc_degree(edge_index, n):
    e = edge_index.shape[1]
    epw = e // (NC * NS)

    @functools.partial(
        pl.kernel,
        out_type=_f32(NC * NS, n),
        mesh=_MESH,
        scratch_types=[
            pltpu.VMEM((epw,), jnp.int32),
            pltpu.VMEM((n,), jnp.float32),
        ],
        compiler_params=_NO_LAYOUT,
    )
    def deg_kernel(ei_hbm, hist_hbm, dstv, histv):
        c = lax.axis_index("c")
        s = lax.axis_index("s")
        wid = c * NS + s
        pltpu.sync_copy(ei_hbm.at[1, pl.ds(wid * epw, epw)], dstv)

        @pl.loop(0, n // L)
        def _zero(i):
            histv[pl.ds(i * L, L)] = jnp.zeros((L,), jnp.float32)

        ones = jnp.ones((L,), jnp.float32)

        @pl.loop(0, epw // L)
        def _acc(t):
            idx = dstv[pl.ds(t * L, L)]
            plsc.addupdate_scatter(histv, [idx], ones)

        pltpu.sync_copy(histv, hist_hbm.at[wid])

    return deg_kernel(edge_index)


def _ring_spmm(tbl, out, ei, base, epw, kk,
               srcv, dstv, rows, sems, acc, s, rpt):
    ch = epw // kk

    pltpu.sync_copy(tbl.at[pl.ds(s * rpt, rpt)],
                    acc.at[pl.ds(s * rpt, rpt)])
    plsc.subcore_barrier()
    pltpu.sync_copy(ei.at[0, pl.ds(base, epw)], srcv)
    pltpu.sync_copy(ei.at[1, pl.ds(base, epw)], dstv)

    def fire(k, b):
        pltpu.async_copy(
            tbl.at[srcv.at[pl.ds(k * kk, kk)]], rows[b], sems.at[b])

    def drain(k, b):
        pltpu.make_async_copy(
            tbl.at[srcv.at[pl.ds(k * kk, kk)]], rows[b], sems.at[b]).wait()

    def scat(k, b):
        pltpu.sync_copy(rows[b], acc.at[dstv.at[pl.ds(k * kk, kk)]],
                        add=True)

    for b in range(NBUF):
        fire(b, b)

    @pl.loop(0, ch // NBUF - 1)
    def _group(m):
        for b in range(NBUF):
            k = m * NBUF + b
            drain(k, b)
            scat(k, b)
            fire(k + NBUF, b)

    for b in range(NBUF):
        k = ch - NBUF + b
        drain(k, b)
        scat(k, b)

    plsc.subcore_barrier()
    pltpu.sync_copy(acc.at[pl.ds(s * rpt, rpt)],
                    out.at[pl.ds(s * rpt, rpt)])


def _sc_spmm1(za, zb, edge_index):
    n, f = za.shape
    e = edge_index.shape[1]
    epw = e // NS
    rpt = n // NS

    @functools.partial(
        pl.kernel,
        out_type=(_f32(n, f), _f32(n, f)),
        mesh=_MESH,
        scratch_types=[
            pltpu.VMEM((epw,), jnp.int32),
            pltpu.VMEM((epw,), jnp.int32),
            [pltpu.VMEM((K1, f), jnp.float32) for _ in range(NBUF)],
            pltpu.SemaphoreType.DMA((NBUF,)),
            pltpu.VMEM_SHARED((n, f), jnp.float32),
        ],
        compiler_params=_LINEAR,
    )
    def spmm1_kernel(za_hbm, zb_hbm, ei_hbm, oa_hbm, ob_hbm,
                     srcv, dstv, rows, sems, acc):
        c = lax.axis_index("c")
        s = lax.axis_index("s")

        @pl.when(c == 0)
        def _():
            _ring_spmm(za_hbm, oa_hbm, ei_hbm, s * epw, epw, K1,
                       srcv, dstv, rows, sems, acc, s, rpt)

        @pl.when(c == 1)
        def _():
            _ring_spmm(zb_hbm, ob_hbm, ei_hbm, s * epw, epw, K1,
                       srcv, dstv, rows, sems, acc, s, rpt)

    return spmm1_kernel(za, zb, edge_index)


def _sc_spmm2(y2, edge_index):
    n, f = y2.shape
    e = edge_index.shape[1]
    epw = e // (NC * NS)
    rpt = n // NS

    @functools.partial(
        pl.kernel,
        out_type=_f32(NC, n, f),
        mesh=_MESH,
        scratch_types=[
            pltpu.VMEM((epw,), jnp.int32),
            pltpu.VMEM((epw,), jnp.int32),
            [pltpu.VMEM((K2, f), jnp.float32) for _ in range(NBUF)],
            pltpu.SemaphoreType.DMA((NBUF,)),
            pltpu.VMEM_SHARED((n, f), jnp.float32),
        ],
        compiler_params=_LINEAR,
    )
    def spmm2_kernel(y_hbm, ei_hbm, o_hbm, srcv, dstv, rows, sems, acc):
        c = lax.axis_index("c")
        s = lax.axis_index("s")
        wid = c * NS + s
        _ring_spmm(y_hbm, o_hbm.at[c], ei_hbm, wid * epw, epw, K2,
                   srcv, dstv, rows, sems, acc, s, rpt)

    return spmm2_kernel(y2, edge_index)


def _tc_dinv(hist):
    nw, n = hist.shape

    def body(hist_ref, dinv_ref):
        deg = jnp.sum(hist_ref[...], axis=0) + 1.0
        dinv_ref[...] = lax.rsqrt(deg)[:, None]

    return pl.pallas_call(body, out_shape=_f32(n, 1))(hist)


def _tc_scale_split(x, dinv):
    n, h = x.shape
    f = h // 2

    def body(x_ref, dinv_ref, za_ref, zb_ref):
        z = x_ref[...] * dinv_ref[...]
        za_ref[...] = z[:, :f]
        zb_ref[...] = z[:, f:]

    return pl.pallas_call(
        body,
        grid=(n // BN,),
        in_specs=[
            pl.BlockSpec((BN, h), lambda i: (i, 0)),
            pl.BlockSpec((BN, 1), lambda i: (i, 0)),
        ],
        out_specs=[
            pl.BlockSpec((BN, f), lambda i: (i, 0)),
            pl.BlockSpec((BN, f), lambda i: (i, 0)),
        ],
        out_shape=(_f32(n, f), _f32(n, f)),
    )(x, dinv)


def _tc_mid(oa, ob, dinv, w1, b1, w2p):
    n, f = oa.shape
    h = w1.shape[1]
    fp = w2p.shape[1]

    def body(oa_ref, ob_ref, dinv_ref, w1_ref, b1_ref, w2_ref, y2_ref):
        agg = jnp.concatenate([oa_ref[...], ob_ref[...]], axis=1)
        dinv = dinv_ref[...]
        g1 = lax.dot_general(
            agg * dinv, w1_ref[...], (((1,), (0,)), ((), ())),
            precision=lax.Precision.HIGHEST,
            preferred_element_type=jnp.float32)
        hval = jnp.maximum(g1 + b1_ref[...], 0.0)
        y2 = lax.dot_general(
            hval, w2_ref[...], (((1,), (0,)), ((), ())),
            precision=lax.Precision.HIGHEST,
            preferred_element_type=jnp.float32)
        y2_ref[...] = y2 * dinv

    return pl.pallas_call(
        body,
        grid=(n // BN,),
        in_specs=[
            pl.BlockSpec((BN, f), lambda i: (i, 0)),
            pl.BlockSpec((BN, f), lambda i: (i, 0)),
            pl.BlockSpec((BN, 1), lambda i: (i, 0)),
            pl.BlockSpec((f * 2, h), lambda i: (0, 0)),
            pl.BlockSpec((1, h), lambda i: (0, 0)),
            pl.BlockSpec((h, fp), lambda i: (0, 0)),
        ],
        out_specs=pl.BlockSpec((BN, fp), lambda i: (i, 0)),
        out_shape=_f32(n, fp),
    )(oa, ob, dinv, w1, b1, w2p)


def _tc_final(o2, y2, dinv, b2p, c_out):
    n, fp = y2.shape

    def body(o2_ref, y2_ref, dinv_ref, b2_ref, out_ref):
        agg = o2_ref[0] + o2_ref[1] - y2_ref[...]
        res = agg * dinv_ref[...] + b2_ref[...]
        out_ref[...] = res[:, :c_out]

    return pl.pallas_call(
        body,
        grid=(n // BN,),
        in_specs=[
            pl.BlockSpec((NC, BN, fp), lambda i: (0, i, 0)),
            pl.BlockSpec((BN, fp), lambda i: (i, 0)),
            pl.BlockSpec((BN, 1), lambda i: (i, 0)),
            pl.BlockSpec((1, fp), lambda i: (0, 0)),
        ],
        out_specs=pl.BlockSpec((BN, c_out), lambda i: (i, 0)),
        out_shape=_f32(n, c_out),
    )(o2, y2, dinv, b2p)


def kernel(x, edge_index, W1, b1, W2, b2):
    n, d = x.shape
    h = W1.shape[1]
    c_out = W2.shape[1]
    fp = 16

    w2p = jnp.pad(W2, ((0, 0), (0, fp - c_out)))
    b1r = b1.reshape(1, h)
    b2p = jnp.pad(b2, (0, fp - c_out)).reshape(1, fp)

    hist = _sc_degree(edge_index, n)
    dinv = _tc_dinv(hist)
    za, zb = _tc_scale_split(x, dinv)
    oa, ob = _sc_spmm1(za, zb, edge_index)
    y2 = _tc_mid(oa, ob, dinv, W1, b1r, w2p)
    o2 = _sc_spmm2(y2, edge_index)
    out = _tc_final(o2, y2, dinv, b2p, c_out)
    return out, edge_index

# --- scband reference (transcript-rebuilt; emitter-appended) ---
"""Pipeline reference for scband-gcnconvolution-88055419503314 (READ-ONLY COPY).

The authoritative reference and input builder live on the scoring server;
editing this copy changes nothing except your own understanding.
"""

import jax, jax.numpy as jnp
import numpy as np

N = 10000
E = 320000
D = 128
H = 128
C = 10


def setup_inputs(seed: int = 0) -> dict:
    key = jax.random.key(seed)
    k1, k2, k3, k4 = jax.random.split(key, 4)
    x = jax.random.normal(k1, (N, D), dtype=jnp.float32)
    edge_index = jax.random.randint(k2, (2, E), 0, N, dtype=jnp.int32)
    W1 = jax.random.normal(k3, (D, H), dtype=jnp.float32) * 0.05
    b1 = jnp.zeros((H,), dtype=jnp.float32)
    W2 = jax.random.normal(k4, (H, C), dtype=jnp.float32) * 0.05
    b2 = jnp.zeros((C,), dtype=jnp.float32)
    return {"x": x, "edge_index": edge_index, "W1": W1, "b1": b1, "W2": W2, "b2": b2}


def _gcn_conv(x, src, dst, W, b, n):
    # linear transform
    xw = x @ W
    # symmetric normalization D^{-1/2} A D^{-1/2} (self-loops already included in src/dst)
    ones = jnp.ones((src.shape[0],), dtype=x.dtype)
    deg = jnp.zeros((n,), dtype=x.dtype).at[dst].add(ones)
    dinv = jnp.where(deg > 0, 1.0 / jnp.sqrt(deg), 0.0)
    norm = dinv[src] * dinv[dst]
    # gather messages from source nodes, scale, scatter-add to destination nodes
    msgs = xw[src] * norm[:, None]
    out = jnp.zeros((n, W.shape[1]), dtype=x.dtype).at[dst].add(msgs)
    return out + b


def reference(x, edge_index, W1, b1, W2, b2):
    n = x.shape[0]
    loop = jnp.arange(n, dtype=edge_index.dtype)
    src = jnp.concatenate([edge_index[0], loop])
    dst = jnp.concatenate([edge_index[1], loop])
    h = jax.nn.relu(_gcn_conv(x, src, dst, W1, b1, n))
    # F.dropout with training=False is identity (eval mode)
    out = _gcn_conv(h, src, dst, W2, b2, n)
    return (out, edge_index)

if __name__ == "__main__":
    import jax
    _d = setup_inputs()
    print(jax.jit(kernel)(*tuple(_d.values())))

</pallas_src>

<mosaic_0001>
#map = affine_map<(d0, d1) -> (0, 0)>
module attributes {stable_mosaic.version = 14 : i64} {
  func.func @deg_kernel(%arg0: i32, %arg1: i32, %arg2: memref<2x320000xi32, #tpu.memory_space<hbm>>, %arg3: memref<32x10000xf32, #tpu.memory_space<hbm>>, %arg4: memref<10000xi32, #tpu.memory_space<vmem>>, %arg5: memref<10000xf32, #tpu.memory_space<vmem>>) attributes {dimension_semantics = [#tpu.dimension_semantics<core_parallel>, #tpu.dimension_semantics<subcore_parallel>], iteration_bounds = array<i64: 2, 16>, scalar_prefetch = 0 : i64, scratch_operands = 2 : i64, tpu.core_type = #tpu.core_type<sc_vector_subcore>, window_params = [{transform_indices = #map}, {transform_indices = #map}]} {
    %mul3A = arith.constant 16 : i32
    %mul3A_0 = arith.muli %arg0, %mul3A : i32
    %add3A = arith.addi %mul3A_0, %arg1 : i32
    %mul3A_1 = arith.constant 10000 : i32
    %mul3A_2 = arith.muli %add3A, %mul3A_1 : i32
    %run_scoped3A = arith.constant 1 : i32
    "tpu.region"() ({
      %run_scoped3A_13 = tpu.sem_alloc : memref<!tpu.dma_semaphore, #tpu.memory_space<semaphore_mem>>
      %dma_start3A = tpu.memref_slice %arg2[%run_scoped3A, %mul3A_2] : memref<2x320000xi32, #tpu.memory_space<hbm>> -> memref<1x10000xi32, #tpu.memory_space<hbm>>
      %dma_start3A_14 = tpu.memref_squeeze %dma_start3A : memref<1x10000xi32, #tpu.memory_space<hbm>> -> memref<10000xi32, #tpu.memory_space<hbm>>
      %dma_start3A_15 = tpu.memref_slice %arg2[%run_scoped3A, %mul3A_2] : memref<2x320000xi32, #tpu.memory_space<hbm>> -> memref<1x10000xi32, #tpu.memory_space<hbm>>
      %dma_start3A_16 = tpu.memref_squeeze %dma_start3A_15 : memref<1x10000xi32, #tpu.memory_space<hbm>> -> memref<10000xi32, #tpu.memory_space<hbm>>
      tpu.enqueue_dma source(%dma_start3A_16 : memref<10000xi32, #tpu.memory_space<hbm>>) target(%arg4 : memref<10000xi32, #tpu.memory_space<vmem>>) target_semaphore(%run_scoped3A_13 : memref<!tpu.dma_semaphore, #tpu.memory_space<semaphore_mem>>)
      %dma_wait3A = tpu.memref_slice %arg2[%run_scoped3A, %mul3A_2] : memref<2x320000xi32, #tpu.memory_space<hbm>> -> memref<1x10000xi32, #tpu.memory_space<hbm>>
      %dma_wait3A_17 = tpu.memref_squeeze %dma_wait3A : memref<1x10000xi32, #tpu.memory_space<hbm>> -> memref<10000xi32, #tpu.memory_space<hbm>>
      %dma_wait3A_18 = tpu.memref_slice %arg2[%run_scoped3A, %mul3A_2] : memref<2x320000xi32, #tpu.memory_space<hbm>> -> memref<1x10000xi32, #tpu.memory_space<hbm>>
      %dma_wait3A_19 = tpu.memref_squeeze %dma_wait3A_18 : memref<1x10000xi32, #tpu.memory_space<hbm>> -> memref<10000xi32, #tpu.memory_space<hbm>>
      tpu.wait_dma2 semaphore(%run_scoped3A_13 : memref<!tpu.dma_semaphore, #tpu.memory_space<semaphore_mem>>) src(%dma_wait3A_19 : memref<10000xi32, #tpu.memory_space<hbm>>) dst(%arg4 : memref<10000xi32, #tpu.memory_space<vmem>>)
      tpu.yield
    }) : () -> ()
    %scan3A = arith.constant 0 : i32
    %scan3A_3 = arith.constant 625 : i32
    %scan3A_4 = arith.addi %scan3A, %scan3A_3 : i32
    %scan3A_5 = arith.constant 1 : i32
    scf.for %scan3A_13 = %scan3A to %scan3A_4 step %scan3A_5  : i32 {
      %mul3A_14 = arith.constant 1 : i32
      %mul3A_15 = arith.muli %scan3A_13, %mul3A_14 : i32
      %add3A_16 = arith.constant 0 : i32
      %add3A_17 = arith.addi %add3A_16, %mul3A_15 : i32
      %broadcast_in_dim3A_18 = arith.constant 0.000000e+00 : f32
      %broadcast_in_dim3A_19 = vector.broadcast %broadcast_in_dim3A_18 : f32 to vector<16xf32>
      %mul3A_20 = arith.constant 16 : i32
      %mul3A_21 = arith.muli %add3A_17, %mul3A_20 : i32
      %swap3A = arith.index_cast %mul3A_21 : i32 to index
      %swap3A_22 = tpu.vector_load %arg5[%swap3A] {strides = array<i32>} : memref<10000xf32, #tpu.memory_space<vmem>>, vector<16xf32>,
      tpu.vector_store %arg5[%swap3A], %broadcast_in_dim3A_19 {strides = array<i32>} : memref<10000xf32, #tpu.memory_space<vmem>>, vector<16xf32>,
    }
    %scan3A_6 = arith.constant 625 : i32
    %broadcast_in_dim3A = arith.constant 1.000000e+00 : f32
    %broadcast_in_dim3A_7 = vector.broadcast %broadcast_in_dim3A : f32 to vector<16xf32>
    %scan3A_8 = arith.constant 0 : i32
    %scan3A_9 = arith.constant 625 : i32
    %scan3A_10 = arith.addi %scan3A_8, %scan3A_9 : i32
    %scan3A_11 = arith.constant 1 : i32
    scf.for %scan3A_13 = %scan3A_8 to %scan3A_10 step %scan3A_11  : i32 {
      %mul3A_14 = arith.constant 1 : i32
      %mul3A_15 = arith.muli %scan3A_13, %mul3A_14 : i32
      %add3A_16 = arith.constant 0 : i32
      %add3A_17 = arith.addi %add3A_16, %mul3A_15 : i32
      %mul3A_18 = arith.constant 16 : i32
      %mul3A_19 = arith.muli %add3A_17, %mul3A_18 : i32
      %get3A = arith.index_cast %mul3A_19 : i32 to index
      %get3A_20 = tpu.vector_load %arg4[%get3A] {strides = array<i32>} : memref<10000xi32, #tpu.memory_space<vmem>>, vector<16xi32>,
      tpu.vector_store_idx %arg5[%get3A_20], %broadcast_in_dim3A_7 {add = true} : memref<10000xf32, #tpu.memory_space<vmem>>[vector<16xi32>], vector<16xf32>,
    }
    %scan3A_12 = arith.constant 625 : i32
    "tpu.region"() ({
      %run_scoped3A_13 = tpu.sem_alloc : memref<!tpu.dma_semaphore, #tpu.memory_space<semaphore_mem>>
      %dma_start3A = arith.constant 0 : i32
      %dma_start3A_14 = tpu.memref_slice %arg3[%add3A, %dma_start3A] : memref<32x10000xf32, #tpu.memory_space<hbm>> -> memref<1x10000xf32, #tpu.memory_space<hbm>>
      %dma_start3A_15 = tpu.memref_squeeze %dma_start3A_14 : memref<1x10000xf32, #tpu.memory_space<hbm>> -> memref<10000xf32, #tpu.memory_space<hbm>>
      %dma_start3A_16 = arith.constant 0 : i32
      %dma_start3A_17 = tpu.memref_slice %arg3[%add3A, %dma_start3A_16] : memref<32x10000xf32, #tpu.memory_space<hbm>> -> memref<1x10000xf32, #tpu.memory_space<hbm>>
      %dma_start3A_18 = tpu.memref_squeeze %dma_start3A_17 : memref<1x10000xf32, #tpu.memory_space<hbm>> -> memref<10000xf32, #tpu.memory_space<hbm>>
      tpu.enqueue_dma source(%arg5 : memref<10000xf32, #tpu.memory_space<vmem>>) target(%dma_start3A_18 : memref<10000xf32, #tpu.memory_space<hbm>>) target_semaphore(%run_scoped3A_13 : memref<!tpu.dma_semaphore, #tpu.memory_space<semaphore_mem>>)
      %dma_wait3A = arith.constant 0 : i32
      %dma_wait3A_19 = tpu.memref_slice %arg3[%add3A, %dma_wait3A] : memref<32x10000xf32, #tpu.memory_space<hbm>> -> memref<1x10000xf32, #tpu.memory_space<hbm>>
      %dma_wait3A_20 = tpu.memref_squeeze %dma_wait3A_19 : memref<1x10000xf32, #tpu.memory_space<hbm>> -> memref<10000xf32, #tpu.memory_space<hbm>>
      %dma_wait3A_21 = arith.constant 0 : i32
      %dma_wait3A_22 = tpu.memref_slice %arg3[%add3A, %dma_wait3A_21] : memref<32x10000xf32, #tpu.memory_space<hbm>> -> memref<1x10000xf32, #tpu.memory_space<hbm>>
      %dma_wait3A_23 = tpu.memref_squeeze %dma_wait3A_22 : memref<1x10000xf32, #tpu.memory_space<hbm>> -> memref<10000xf32, #tpu.memory_space<hbm>>
      tpu.wait_dma2 semaphore(%run_scoped3A_13 : memref<!tpu.dma_semaphore, #tpu.memory_space<semaphore_mem>>) src(%arg5 : memref<10000xf32, #tpu.memory_space<vmem>>) dst(%dma_wait3A_23 : memref<10000xf32, #tpu.memory_space<hbm>>)
      tpu.yield
    }) : () -> ()
    return
  }
}

#map = affine_map<(d0, d1) -> (0, 0)>
#map1 = affine_map<(d0, d1) -> (0, 0, 0)>
module attributes {stable_mosaic.version = 14 : i64} {
  func.func @spmm2_kernel(%arg0: i32, %arg1: i32, %arg2: memref<10000x16xf32, #tpu.memory_space<hbm>>, %arg3: memref<2x320000xi32, #tpu.memory_space<hbm>>, %arg4: memref<2x10000x16xf32, #tpu.memory_space<hbm>>, %arg5: memref<10000xi32, #tpu.memory_space<vmem>>, %arg6: memref<10000xi32, #tpu.memory_space<vmem>>, %arg7: memref<200x16xf32, #tpu.memory_space<vmem>>, %arg8: memref<200x16xf32, #tpu.memory_space<vmem>>, %arg9: memref<200x16xf32, #tpu.memory_space<vmem>>, %arg10: memref<200x16xf32, #tpu.memory_space<vmem>>, %arg11: memref<200x16xf32, #tpu.memory_space<vmem>>, %arg12: memref<5x!tpu.dma_semaphore, #tpu.memory_space<semaphore_mem>>, %arg13: memref<10000x16xf32, #tpu.memory_space<vmem_shared>>) attributes {dimension_semantics = [#tpu.dimension_semantics<core_parallel>, #tpu.dimension_semantics<subcore_parallel>], iteration_bounds = array<i64: 2, 16>, scalar_prefetch = 0 : i64, scratch_operands = 9 : i64, tpu.core_type = #tpu.core_type<sc_vector_subcore>, window_params = [{transform_indices = #map}, {transform_indices = #map}, {transform_indices = #map1}]} {
    %mul3A = arith.constant 16 : i32
    %mul3A_0 = arith.muli %arg0, %mul3A : i32
    %add3A = arith.addi %mul3A_0, %arg1 : i32
    %mul3A_1 = arith.constant 10000 : i32
    %mul3A_2 = arith.muli %add3A, %mul3A_1 : i32
    %mul3A_3 = arith.constant 625 : i32
    %mul3A_4 = arith.muli %arg1, %mul3A_3 : i32
    %mul3A_5 = arith.constant 625 : i32
    %mul3A_6 = arith.muli %arg1, %mul3A_5 : i32
    "tpu.region"() ({
      %run_scoped3A_95 = tpu.sem_alloc : memref<!tpu.dma_semaphore, #tpu.memory_space<semaphore_mem>>
      %dma_start3A_96 = arith.constant 0 : i32
      %dma_start3A_97 = tpu.memref_slice %arg13[%mul3A_6, %dma_start3A_96] : memref<10000x16xf32, #tpu.memory_space<vmem_shared>> -> memref<625x16xf32, #tpu.memory_space<vmem_shared>>
      %dma_start3A_98 = arith.constant 0 : i32
      %dma_start3A_99 = tpu.memref_slice %arg2[%mul3A_4, %dma_start3A_98] : memref<10000x16xf32, #tpu.memory_space<hbm>> -> memref<625x16xf32, #tpu.memory_space<hbm>>
      tpu.enqueue_dma source(%dma_start3A_99 : memref<625x16xf32, #tpu.memory_space<hbm>>) target(%dma_start3A_97 : memref<625x16xf32, #tpu.memory_space<vmem_shared>>) target_semaphore(%run_scoped3A_95 : memref<!tpu.dma_semaphore, #tpu.memory_space<semaphore_mem>>)
      %dma_wait3A_100 = arith.constant 0 : i32
      %dma_wait3A_101 = tpu.memref_slice %arg13[%mul3A_6, %dma_wait3A_100] : memref<10000x16xf32, #tpu.memory_space<vmem_shared>> -> memref<625x16xf32, #tpu.memory_space<vmem_shared>>
      %dma_wait3A_102 = arith.constant 0 : i32
      %dma_wait3A_103 = tpu.memref_slice %arg2[%mul3A_4, %dma_wait3A_102] : memref<10000x16xf32, #tpu.memory_space<hbm>> -> memref<625x16xf32, #tpu.memory_space<hbm>>
      tpu.wait_dma2 semaphore(%run_scoped3A_95 : memref<!tpu.dma_semaphore, #tpu.memory_space<semaphore_mem>>) src(%dma_wait3A_103 : memref<625x16xf32, #tpu.memory_space<hbm>>) dst(%dma_wait3A_101 : memref<625x16xf32, #tpu.memory_space<vmem_shared>>)
      tpu.yield
    }) : () -> ()
    %barrier3A = arith.constant 0 : index
    tpu.barrier barrier_id(%barrier3A)
    %run_scoped3A = arith.constant 0 : i32
    "tpu.region"() ({
      %run_scoped3A_95 = tpu.sem_alloc : memref<!tpu.dma_semaphore, #tpu.memory_space<semaphore_mem>>
      %dma_start3A_96 = tpu.memref_slice %arg3[%run_scoped3A, %mul3A_2] : memref<2x320000xi32, #tpu.memory_space<hbm>> -> memref<1x10000xi32, #tpu.memory_space<hbm>>
      %dma_start3A_97 = tpu.memref_squeeze %dma_start3A_96 : memref<1x10000xi32, #tpu.memory_space<hbm>> -> memref<10000xi32, #tpu.memory_space<hbm>>
      %dma_start3A_98 = tpu.memref_slice %arg3[%run_scoped3A, %mul3A_2] : memref<2x320000xi32, #tpu.memory_space<hbm>> -> memref<1x10000xi32, #tpu.memory_space<hbm>>
      %dma_start3A_99 = tpu.memref_squeeze %dma_start3A_98 : memref<1x10000xi32, #tpu.memory_space<hbm>> -> memref<10000xi32, #tpu.memory_space<hbm>>
      tpu.enqueue_dma source(%dma_start3A_99 : memref<10000xi32, #tpu.memory_space<hbm>>) target(%arg5 : memref<10000xi32, #tpu.memory_space<vmem>>) target_semaphore(%run_scoped3A_95 : memref<!tpu.dma_semaphore, #tpu.memory_space<semaphore_mem>>)
      %dma_wait3A_100 = tpu.memref_slice %arg3[%run_scoped3A, %mul3A_2] : memref<2x320000xi32, #tpu.memory_space<hbm>> -> memref<1x10000xi32, #tpu.memory_space<hbm>>
      %dma_wait3A_101 = tpu.memref_squeeze %dma_wait3A_100 : memref<1x10000xi32, #tpu.memory_space<hbm>> -> memref<10000xi32, #tpu.memory_space<hbm>>
      %dma_wait3A_102 = tpu.memref_slice %arg3[%run_scoped3A, %mul3A_2] : memref<2x320000xi32, #tpu.memory_space<hbm>> -> memref<1x10000xi32, #tpu.memory_space<hbm>>
      %dma_wait3A_103 = tpu.memref_squeeze %dma_wait3A_102 : memref<1x10000xi32, #tpu.memory_space<hbm>> -> memref<10000xi32, #tpu.memory_space<hbm>>
      tpu.wait_dma2 semaphore(%run_scoped3A_95 : memref<!tpu.dma_semaphore, #tpu.memory_space<semaphore_mem>>) src(%dma_wait3A_103 : memref<10000xi32, #tpu.memory_space<hbm>>) dst(%arg5 : memref<10000xi32, #tpu.memory_space<vmem>>)
      tpu.yield
    }) : () -> ()
    %run_scoped3A_7 = arith.constant 1 : i32
    "tpu.region"() ({
      %run_scoped3A_95 = tpu.sem_alloc : memref<!tpu.dma_semaphore, #tpu.memory_space<semaphore_mem>>
      %dma_start3A_96 = tpu.memref_slice %arg3[%run_scoped3A_7, %mul3A_2] : memref<2x320000xi32, #tpu.memory_space<hbm>> -> memref<1x10000xi32, #tpu.memory_space<hbm>>
      %dma_start3A_97 = tpu.memref_squeeze %dma_start3A_96 : memref<1x10000xi32, #tpu.memory_space<hbm>> -> memref<10000xi32, #tpu.memory_space<hbm>>
      %dma_start3A_98 = tpu.memref_slice %arg3[%run_scoped3A_7, %mul3A_2] : memref<2x320000xi32, #tpu.memory_space<hbm>> -> memref<1x10000xi32, #tpu.memory_space<hbm>>
      %dma_start3A_99 = tpu.memref_squeeze %dma_start3A_98 : memref<1x10000xi32, #tpu.memory_space<hbm>> -> memref<10000xi32, #tpu.memory_space<hbm>>
      tpu.enqueue_dma source(%dma_start3A_99 : memref<10000xi32, #tpu.memory_space<hbm>>) target(%arg6 : memref<10000xi32, #tpu.memory_space<vmem>>) target_semaphore(%run_scoped3A_95 : memref<!tpu.dma_semaphore, #tpu.memory_space<semaphore_mem>>)
      %dma_wait3A_100 = tpu.memref_slice %arg3[%run_scoped3A_7, %mul3A_2] : memref<2x320000xi32, #tpu.memory_space<hbm>> -> memref<1x10000xi32, #tpu.memory_space<hbm>>
      %dma_wait3A_101 = tpu.memref_squeeze %dma_wait3A_100 : memref<1x10000xi32, #tpu.memory_space<hbm>> -> memref<10000xi32, #tpu.memory_space<hbm>>
      %dma_wait3A_102 = tpu.memref_slice %arg3[%run_scoped3A_7, %mul3A_2] : memref<2x320000xi32, #tpu.memory_space<hbm>> -> memref<1x10000xi32, #tpu.memory_space<hbm>>
      %dma_wait3A_103 = tpu.memref_squeeze %dma_wait3A_102 : memref<1x10000xi32, #tpu.memory_space<hbm>> -> memref<10000xi32, #tpu.memory_space<hbm>>
      tpu.wait_dma2 semaphore(%run_scoped3A_95 : memref<!tpu.dma_semaphore, #tpu.memory_space<semaphore_mem>>) src(%dma_wait3A_103 : memref<10000xi32, #tpu.memory_space<hbm>>) dst(%arg6 : memref<10000xi32, #tpu.memory_space<vmem>>)
      tpu.yield
    }) : () -> ()
    %dma_start3A = arith.constant 0 : i32
    %dma_start3A_8 = arith.constant 0 : i32
    %dma_start3A_9 = tpu.memref_slice %arg5[%dma_start3A_8] : memref<10000xi32, #tpu.memory_space<vmem>> -> memref<200xi32, #tpu.memory_space<vmem>>
    %dma_start3A_10 = arith.constant 0 : i32
    %dma_start3A_11 = arith.constant 0 : i32
    %dma_start3A_12 = tpu.memref_slice %arg2[%dma_start3A_10, %dma_start3A_11] : memref<10000x16xf32, #tpu.memory_space<hbm>> -> memref<10000x16xf32, #tpu.memory_space<hbm>>
    %dma_start3A_13 = tpu.memref_slice %arg12[%dma_start3A] : memref<5x!tpu.dma_semaphore, #tpu.memory_space<semaphore_mem>> -> memref<1x!tpu.dma_semaphore, #tpu.memory_space<semaphore_mem>>
    %dma_start3A_14 = tpu.memref_squeeze %dma_start3A_13 : memref<1x!tpu.dma_semaphore, #tpu.memory_space<semaphore_mem>> -> memref<!tpu.dma_semaphore, #tpu.memory_space<semaphore_mem>>
    tpu.enqueue_indirect_dma source(%dma_start3A_12 : memref<10000x16xf32, #tpu.memory_space<hbm>>) target(%arg7 : memref<200x16xf32, #tpu.memory_space<vmem>>) offsets(%dma_start3A_9 : memref<200xi32, #tpu.memory_space<vmem>>) semaphore(%dma_start3A_14 : memref<!tpu.dma_semaphore, #tpu.memory_space<semaphore_mem>>)
    %dma_start3A_15 = arith.constant 1 : i32
    %dma_start3A_16 = arith.constant 200 : i32
    %dma_start3A_17 = tpu.memref_slice %arg5[%dma_start3A_16] : memref<10000xi32, #tpu.memory_space<vmem>> -> memref<200xi32, #tpu.memory_space<vmem>>
    %dma_start3A_18 = arith.constant 0 : i32
    %dma_start3A_19 = arith.constant 0 : i32
    %dma_start3A_20 = tpu.memref_slice %arg2[%dma_start3A_18, %dma_start3A_19] : memref<10000x16xf32, #tpu.memory_space<hbm>> -> memref<10000x16xf32, #tpu.memory_space<hbm>>
    %dma_start3A_21 = tpu.memref_slice %arg12[%dma_start3A_15] : memref<5x!tpu.dma_semaphore, #tpu.memory_space<semaphore_mem>> -> memref<1x!tpu.dma_semaphore, #tpu.memory_space<semaphore_mem>>
    %dma_start3A_22 = tpu.memref_squeeze %dma_start3A_21 : memref<1x!tpu.dma_semaphore, #tpu.memory_space<semaphore_mem>> -> memref<!tpu.dma_semaphore, #tpu.memory_space<semaphore_mem>>
    tpu.enqueue_indirect_dma source(%dma_start3A_20 : memref<10000x16xf32, #tpu.memory_space<hbm>>) target(%arg8 : memref<200x16xf32, #tpu.memory_space<vmem>>) offsets(%dma_start3A_17 : memref<200xi32, #tpu.memory_space<vmem>>) semaphore(%dma_start3A_22 : memref<!tpu.dma_semaphore, #tpu.memory_space<semaphore_mem>>)
    %dma_start3A_23 = arith.constant 2 : i32
    %dma_start3A_24 = arith.constant 400 : i32
    %dma_start3A_25 = tpu.memref_slice %arg5[%dma_start3A_24] : memref<10000xi32, #tpu.memory_space<vmem>> -> memref<200xi32, #tpu.memory_space<vmem>>
    %dma_start3A_26 = arith.constant 0 : i32
    %dma_start3A_27 = arith.constant 0 : i32
    %dma_start3A_28 = tpu.memref_slice %arg2[%dma_start3A_26, %dma_start3A_27] : memref<10000x16xf32, #tpu.memory_space<hbm>> -> memref<10000x16xf32, #tpu.memory_space<hbm>>
    %dma_start3A_29 = tpu.memref_slice %arg12[%dma_start3A_23] : memref<5x!tpu.dma_semaphore, #tpu.memory_space<semaphore_mem>> -> memref<1x!tpu.dma_semaphore, #tpu.memory_space<semaphore_mem>>
    %dma_start3A_30 = tpu.memref_squeeze %dma_start3A_29 : memref<1x!tpu.dma_semaphore, #tpu.memory_space<semaphore_mem>> -> memref<!tpu.dma_semaphore, #tpu.memory_space<semaphore_mem>>
    tpu.enqueue_indirect_dma source(%dma_start3A_28 : memref<10000x16xf32, #tpu.memory_space<hbm>>) target(%arg9 : memref<200x16xf32, #tpu.memory_space<vmem>>) offsets(%dma_start3A_25 : memref<200xi32, #tpu.memory_space<vmem>>) semaphore(%dma_start3A_30 : memref<!tpu.dma_semaphore, #tpu.memory_space<semaphore_mem>>)
    %dma_start3A_31 = arith.constant 3 : i32
    %dma_start3A_32 = arith.constant 600 : i32
    %dma_start3A_33 = tpu.memref_slice %arg5[%dma_start3A_32] : memref<10000xi32, #tpu.memory_space<vmem>> -> memref<200xi32, #tpu.memory_space<vmem>>
    %dma_start3A_34 = arith.constant 0 : i32
    %dma_start3A_35 = arith.constant 0 : i32
    %dma_start3A_36 = tpu.memref_slice %arg2[%dma_start3A_34, %dma_start3A_35] : memref<10000x16xf32, #tpu.memory_space<hbm>> -> memref<10000x16xf32, #tpu.memory_space<hbm>>
    %dma_start3A_37 = tpu.memref_slice %arg12[%dma_start3A_31] : memref<5x!tpu.dma_semaphore, #tpu.memory_space<semaphore_mem>> -> memref<1x!tpu.dma_semaphore, #tpu.memory_space<semaphore_mem>>
    %dma_start3A_38 = tpu.memref_squeeze %dma_start3A_37 : memref<1x!tpu.dma_semaphore, #tpu.memory_space<semaphore_mem>> -> memref<!tpu.dma_semaphore, #tpu.memory_space<semaphore_mem>>
    tpu.enqueue_indirect_dma source(%dma_start3A_36 : memref<10000x16xf32, #tpu.memory_space<hbm>>) target(%arg10 : memref<200x16xf32, #tpu.memory_space<vmem>>) offsets(%dma_start3A_33 : memref<200xi32, #tpu.memory_space<vmem>>) semaphore(%dma_start3A_38 : memref<!tpu.dma_semaphore, #tpu.memory_space<semaphore_mem>>)
    %dma_start3A_39 = arith.constant 4 : i32
    %dma_start3A_40 = arith.constant 800 : i32
    %dma_start3A_41 = tpu.memref_slice %arg5[%dma_start3A_40] : memref<10000xi32, #tpu.memory_space<vmem>> -> memref<200xi32, #tpu.memory_space<vmem>>
    %dma_start3A_42 = arith.constant 0 : i32
    %dma_start3A_43 = arith.constant 0 : i32
    %dma_start3A_44 = tpu.memref_slice %arg2[%dma_start3A_42, %dma_start3A_43] : memref<10000x16xf32, #tpu.memory_space<hbm>> -> memref<10000x16xf32, #tpu.memory_space<hbm>>
    %dma_start3A_45 = tpu.memref_slice %arg12[%dma_start3A_39] : memref<5x!tpu.dma_semaphore, #tpu.memory_space<semaphore_mem>> -> memref<1x!tpu.dma_semaphore, #tpu.memory_space<semaphore_mem>>
    %dma_start3A_46 = tpu.memref_squeeze %dma_start3A_45 : memref<1x!tpu.dma_semaphore, #tpu.memory_space<semaphore_mem>> -> memref<!tpu.dma_semaphore, #tpu.memory_space<semaphore_mem>>
    tpu.enqueue_indirect_dma source(%dma_start3A_44 : memref<10000x16xf32, #tpu.memory_space<hbm>>) target(%arg11 : memref<200x16xf32, #tpu.memory_space<vmem>>) offsets(%dma_start3A_41 : memref<200xi32, #tpu.memory_space<vmem>>) semaphore(%dma_start3A_46 : memref<!tpu.dma_semaphore, #tpu.memory_space<semaphore_mem>>)
    %scan3A = arith.constant 0 : i32
    %scan3A_47 = arith.constant 9 : i32
    %scan3A_48 = arith.addi %scan3A, %scan3A_47 : i32
    %scan3A_49 = arith.constant 1 : i32
    scf.for %scan3A_95 = %scan3A to %scan3A_48 step %scan3A_49  : i32 {
      %mul3A_96 = arith.constant 1 : i32
      %mul3A_97 = arith.muli %scan3A_95, %mul3A_96 : i32
      %add3A_98 = arith.constant 0 : i32
      %add3A_99 = arith.addi %add3A_98, %mul3A_97 : i32
      %mul3A_100 = arith.constant 5 : i32
      %mul3A_101 = arith.muli %add3A_99, %mul3A_100 : i32
      %add3A_102 = arith.constant 0 : i32
      %add3A_103 = arith.addi %mul3A_101, %add3A_102 : i32
      %mul3A_104 = arith.constant 200 : i32
      %mul3A_105 = arith.muli %add3A_103, %mul3A_104 : i32
      %dma_wait3A_106 = arith.constant 0 : i32
      %dma_wait3A_107 = tpu.memref_slice %arg5[%mul3A_105] : memref<10000xi32, #tpu.memory_space<vmem>> -> memref<200xi32, #tpu.memory_space<vmem>>
      %dma_wait3A_108 = arith.constant 0 : i32
      %dma_wait3A_109 = arith.constant 0 : i32
      %dma_wait3A_110 = tpu.memref_slice %arg2[%dma_wait3A_108, %dma_wait3A_109] : memref<10000x16xf32, #tpu.memory_space<hbm>> -> memref<10000x16xf32, #tpu.memory_space<hbm>>
      %dma_wait3A_111 = tpu.memref_slice %arg12[%dma_wait3A_106] : memref<5x!tpu.dma_semaphore, #tpu.memory_space<semaphore_mem>> -> memref<1x!tpu.dma_semaphore, #tpu.memory_space<semaphore_mem>>
      %dma_wait3A_112 = tpu.memref_squeeze %dma_wait3A_111 : memref<1x!tpu.dma_semaphore, #tpu.memory_space<semaphore_mem>> -> memref<!tpu.dma_semaphore, #tpu.memory_space<semaphore_mem>>
      tpu.wait_indirect_dma semaphore(%dma_wait3A_112 : memref<!tpu.dma_semaphore, #tpu.memory_space<semaphore_mem>>) src(%dma_wait3A_110 : memref<10000x16xf32, #tpu.memory_space<hbm>>) dst(%arg7 : memref<200x16xf32, #tpu.memory_space<vmem>>)
      %mul3A_113 = arith.constant 200 : i32
      %mul3A_114 = arith.muli %add3A_103, %mul3A_113 : i32
      "tpu.region"() ({
        %run_scoped3A_230 = tpu.sem_alloc : memref<!tpu.dma_semaphore, #tpu.memory_space<semaphore_mem>>
        %dma_start3A_231 = tpu.memref_slice %arg6[%mul3A_114] : memref<10000xi32, #tpu.memory_space<vmem>> -> memref<200xi32, #tpu.memory_space<vmem>>
        %dma_start3A_232 = arith.constant 0 : i32
        %dma_start3A_233 = arith.constant 0 : i32
        %dma_start3A_234 = tpu.memref_slice %arg13[%dma_start3A_232, %dma_start3A_233] : memref<10000x16xf32, #tpu.memory_space<vmem_shared>> -> memref<10000x16xf32, #tpu.memory_space<vmem_shared>>
        tpu.enqueue_indirect_dma source(%arg7 : memref<200x16xf32, #tpu.memory_space<vmem>>) target(%dma_start3A_234 : memref<10000x16xf32, #tpu.memory_space<vmem_shared>>) offsets(%dma_start3A_231 : memref<200xi32, #tpu.memory_space<vmem>>) semaphore(%run_scoped3A_230 : memref<!tpu.dma_semaphore, #tpu.memory_space<semaphore_mem>>) {add = true}
        %dma_wait3A_235 = tpu.memref_slice %arg6[%mul3A_114] : memref<10000xi32, #tpu.memory_space<vmem>> -> memref<200xi32, #tpu.memory_space<vmem>>
        %dma_wait3A_236 = arith.constant 0 : i32
        %dma_wait3A_237 = arith.constant 0 : i32
        %dma_wait3A_238 = tpu.memref_slice %arg13[%dma_wait3A_236, %dma_wait3A_237] : memref<10000x16xf32, #tpu.memory_space<vmem_shared>> -> memref<10000x16xf32, #tpu.memory_space<vmem_shared>>
        tpu.wait_indirect_dma semaphore(%run_scoped3A_230 : memref<!tpu.dma_semaphore, #tpu.memory_space<semaphore_mem>>) src(%arg7 : memref<200x16xf32, #tpu.memory_space<vmem>>) dst(%dma_wait3A_238 : memref<10000x16xf32, #tpu.memory_space<vmem_shared>>)
        tpu.yield
      }) : () -> ()
      %add3A_115 = arith.constant 5 : i32
      %add3A_116 = arith.addi %add3A_103, %add3A_115 : i32
      %mul3A_117 = arith.constant 200 : i32
      %mul3A_118 = arith.muli %add3A_116, %mul3A_117 : i32
      %dma_start3A_119 = arith.constant 0 : i32
      %dma_start3A_120 = tpu.memref_slice %arg5[%mul3A_118] : memref<10000xi32, #tpu.memory_space<vmem>> -> memref<200xi32, #tpu.memory_space<vmem>>
      %dma_start3A_121 = arith.constant 0 : i32
      %dma_start3A_122 = arith.constant 0 : i32
      %dma_start3A_123 = tpu.memref_slice %arg2[%dma_start3A_121, %dma_start3A_122] : memref<10000x16xf32, #tpu.memory_space<hbm>> -> memref<10000x16xf32, #tpu.memory_space<hbm>>
      %dma_start3A_124 = tpu.memref_slice %arg12[%dma_start3A_119] : memref<5x!tpu.dma_semaphore, #tpu.memory_space<semaphore_mem>> -> memref<1x!tpu.dma_semaphore, #tpu.memory_space<semaphore_mem>>
      %dma_start3A_125 = tpu.memref_squeeze %dma_start3A_124 : memref<1x!tpu.dma_semaphore, #tpu.memory_space<semaphore_mem>> -> memref<!tpu.dma_semaphore, #tpu.memory_space<semaphore_mem>>
      tpu.enqueue_indirect_dma source(%dma_start3A_123 : memref<10000x16xf32, #tpu.memory_space<hbm>>) target(%arg7 : memref<200x16xf32, #tpu.memory_space<vmem>>) offsets(%dma_start3A_120 : memref<200xi32, #tpu.memory_space<vmem>>) semaphore(%dma_start3A_125 : memref<!tpu.dma_semaphore, #tpu.memory_space<semaphore_mem>>)
      %mul3A_126 = arith.constant 5 : i32
      %mul3A_127 = arith.muli %add3A_99, %mul3A_126 : i32
      %add3A_128 = arith.constant 1 : i32
      %add3A_129 = arith.addi %mul3A_127, %add3A_128 : i32
      %mul3A_130 = arith.constant 200 : i32
      %mul3A_131 = arith.muli %add3A_129, %mul3A_130 : i32
      %dma_wait3A_132 = arith.constant 1 : i32
      %dma_wait3A_133 = tpu.memref_slice %arg5[%mul3A_131] : memref<10000xi32, #tpu.memory_space<vmem>> -> memref<200xi32, #tpu.memory_space<vmem>>
      %dma_wait3A_134 = arith.constant 0 : i32
      %dma_wait3A_135 = arith.constant 0 : i32
      %dma_wait3A_136 = tpu.memref_slice %arg2[%dma_wait3A_134, %dma_wait3A_135] : memref<10000x16xf32, #tpu.memory_space<hbm>> -> memref<10000x16xf32, #tpu.memory_space<hbm>>
      %dma_wait3A_137 = tpu.memref_slice %arg12[%dma_wait3A_132] : memref<5x!tpu.dma_semaphore, #tpu.memory_space<semaphore_mem>> -> memref<1x!tpu.dma_semaphore, #tpu.memory_space<semaphore_mem>>
      %dma_wait3A_138 = tpu.memref_squeeze %dma_wait3A_137 : memref<1x!tpu.dma_semaphore, #tpu.memory_space<semaphore_mem>> -> memref<!tpu.dma_semaphore, #tpu.memory_space<semaphore_mem>>
      tpu.wait_indirect_dma semaphore(%dma_wait3A_138 : memref<!tpu.dma_semaphore, #tpu.memory_space<semaphore_mem>>) src(%dma_wait3A_136 : memref<10000x16xf32, #tpu.memory_space<hbm>>) dst(%arg8 : memref<200x16xf32, #tpu.memory_space<vmem>>)
      %mul3A_139 = arith.constant 200 : i32
      %mul3A_140 = arith.muli %add3A_129, %mul3A_139 : i32
      "tpu.region"() ({
        %run_scoped3A_230 = tpu.sem_alloc : memref<!tpu.dma_semaphore, #tpu.memory_space<semaphore_mem>>
        %dma_start3A_231 = tpu.memref_slice %arg6[%mul3A_140] : memref<10000xi32, #tpu.memory_space<vmem>> -> memref<200xi32, #tpu.memory_space<vmem>>
        %dma_start3A_232 = arith.constant 0 : i32
        %dma_start3A_233 = arith.constant 0 : i32
        %dma_start3A_234 = tpu.memref_slice %arg13[%dma_start3A_232, %dma_start3A_233] : memref<10000x16xf32, #tpu.memory_space<vmem_shared>> -> memref<10000x16xf32, #tpu.memory_space<vmem_shared>>
        tpu.enqueue_indirect_dma source(%arg8 : memref<200x16xf32, #tpu.memory_space<vmem>>) target(%dma_start3A_234 : memref<10000x16xf32, #tpu.memory_space<vmem_shared>>) offsets(%dma_start3A_231 : memref<200xi32, #tpu.memory_space<vmem>>) semaphore(%run_scoped3A_230 : memref<!tpu.dma_semaphore, #tpu.memory_space<semaphore_mem>>) {add = true}
        %dma_wait3A_235 = tpu.memref_slice %arg6[%mul3A_140] : memref<10000xi32, #tpu.memory_space<vmem>> -> memref<200xi32, #tpu.memory_space<vmem>>
        %dma_wait3A_236 = arith.constant 0 : i32
        %dma_wait3A_237 = arith.constant 0 : i32
        %dma_wait3A_238 = tpu.memref_slice %arg13[%dma_wait3A_236, %dma_wait3A_237] : memref<10000x16xf32, #tpu.memory_space<vmem_shared>> -> memref<10000x16xf32, #tpu.memory_space<vmem_shared>>
        tpu.wait_indirect_dma semaphore(%run_scoped3A_230 : memref<!tpu.dma_semaphore, #tpu.memory_space<semaphore_mem>>) src(%arg8 : memref<200x16xf32, #tpu.memory_space<vmem>>) dst(%dma_wait3A_238 : memref<10000x16xf32, #tpu.memory_space<vmem_shared>>)
        tpu.yield
      }) : () -> ()
      %add3A_141 = arith.constant 5 : i32
      %add3A_142 = arith.addi %add3A_129, %add3A_141 : i32
      %mul3A_143 = arith.constant 200 : i32
      %mul3A_144 = arith.muli %add3A_142, %mul3A_143 : i32
      %dma_start3A_145 = arith.constant 1 : i32
      %dma_start3A_146 = tpu.memref_slice %arg5[%mul3A_144] : memref<10000xi32, #tpu.memory_space<vmem>> -> memref<200xi32, #tpu.memory_space<vmem>>
      %dma_start3A_147 = arith.constant 0 : i32
      %dma_start3A_148 = arith.constant 0 : i32
      %dma_start3A_149 = tpu.memref_slice %arg2[%dma_start3A_147, %dma_start3A_148] : memref<10000x16xf32, #tpu.memory_space<hbm>> -> memref<10000x16xf32, #tpu.memory_space<hbm>>
      %dma_start3A_150 = tpu.memref_slice %arg12[%dma_start3A_145] : memref<5x!tpu.dma_semaphore, #tpu.memory_space<semaphore_mem>> -> memref<1x!tpu.dma_semaphore, #tpu.memory_space<semaphore_mem>>
      %dma_start3A_151 = tpu.memref_squeeze %dma_start3A_150 : memref<1x!tpu.dma_semaphore, #tpu.memory_space<semaphore_mem>> -> memref<!tpu.dma_semaphore, #tpu.memory_space<semaphore_mem>>
      tpu.enqueue_indirect_dma source(%dma_start3A_149 : memref<10000x16xf32, #tpu.memory_space<hbm>>) target(%arg8 : memref<200x16xf32, #tpu.memory_space<vmem>>) offsets(%dma_start3A_146 : memref<200xi32, #tpu.memory_space<vmem>>) semaphore(%dma_start3A_151 : memref<!tpu.dma_semaphore, #tpu.memory_space<semaphore_mem>>)
      %mul3A_152 = arith.constant 5 : i32
      %mul3A_153 = arith.muli %add3A_99, %mul3A_152 : i32
      %add3A_154 = arith.constant 2 : i32
      %add3A_155 = arith.addi %mul3A_153, %add3A_154 : i32
      %mul3A_156 = arith.constant 200 : i32
      %mul3A_157 = arith.muli %add3A_155, %mul3A_156 : i32
      %dma_wait3A_158 = arith.constant 2 : i32
      %dma_wait3A_159 = tpu.memref_slice %arg5[%mul3A_157] : memref<10000xi32, #tpu.memory_space<vmem>> -> memref<200xi32, #tpu.memory_space<vmem>>
      %dma_wait3A_160 = arith.constant 0 : i32
      %dma_wait3A_161 = arith.constant 0 : i32
      %dma_wait3A_162 = tpu.memref_slice %arg2[%dma_wait3A_160, %dma_wait3A_161] : memref<10000x16xf32, #tpu.memory_space<hbm>> -> memref<10000x16xf32, #tpu.memory_space<hbm>>
      %dma_wait3A_163 = tpu.memref_slice %arg12[%dma_wait3A_158] : memref<5x!tpu.dma_semaphore, #tpu.memory_space<semaphore_mem>> -> memref<1x!tpu.dma_semaphore, #tpu.memory_space<semaphore_mem>>
      %dma_wait3A_164 = tpu.memref_squeeze %dma_wait3A_163 : memref<1x!tpu.dma_semaphore, #tpu.memory_space<semaphore_mem>> -> memref<!tpu.dma_semaphore, #tpu.memory_space<semaphore_mem>>
      tpu.wait_indirect_dma semaphore(%dma_wait3A_164 : memref<!tpu.dma_semaphore, #tpu.memory_space<semaphore_mem>>) src(%dma_wait3A_162 : memref<10000x16xf32, #tpu.memory_space<hbm>>) dst(%arg9 : memref<200x16xf32, #tpu.memory_space<vmem>>)
      %mul3A_165 = arith.constant 200 : i32
      %mul3A_166 = arith.muli %add3A_155, %mul3A_165 : i32
      "tpu.region"() ({
        %run_scoped3A_230 = tpu.sem_alloc : memref<!tpu.dma_semaphore, #tpu.memory_space<semaphore_mem>>
        %dma_start3A_231 = tpu.memref_slice %arg6[%mul3A_166] : memref<10000xi32, #tpu.memory_space<vmem>> -> memref<200xi32, #tpu.memory_space<vmem>>
        %dma_start3A_232 = arith.constant 0 : i32
        %dma_start3A_233 = arith.constant 0 : i32
        %dma_start3A_234 = tpu.memref_slice %arg13[%dma_start3A_232, %dma_start3A_233] : memref<10000x16xf32, #tpu.memory_space<vmem_shared>> -> memref<10000x16xf32, #tpu.memory_space<vmem_shared>>
        tpu.enqueue_indirect_dma source(%arg9 : memref<200x16xf32, #tpu.memory_space<vmem>>) target(%dma_start3A_234 : memref<10000x16xf32, #tpu.memory_space<vmem_shared>>) offsets(%dma_start3A_231 : memref<200xi32, #tpu.memory_space<vmem>>) semaphore(%run_scoped3A_230 : memref<!tpu.dma_semaphore, #tpu.memory_space<semaphore_mem>>) {add = true}
        %dma_wait3A_235 = tpu.memref_slice %arg6[%mul3A_166] : memref<10000xi32, #tpu.memory_space<vmem>> -> memref<200xi32, #tpu.memory_space<vmem>>
        %dma_wait3A_236 = arith.constant 0 : i32
        %dma_wait3A_237 = arith.constant 0 : i32
        %dma_wait3A_238 = tpu.memref_slice %arg13[%dma_wait3A_236, %dma_wait3A_237] : memref<10000x16xf32, #tpu.memory_space<vmem_shared>> -> memref<10000x16xf32, #tpu.memory_space<vmem_shared>>
        tpu.wait_indirect_dma semaphore(%run_scoped3A_230 : memref<!tpu.dma_semaphore, #tpu.memory_space<semaphore_mem>>) src(%arg9 : memref<200x16xf32, #tpu.memory_space<vmem>>) dst(%dma_wait3A_238 : memref<10000x16xf32, #tpu.memory_space<vmem_shared>>)
        tpu.yield
      }) : () -> ()
      %add3A_167 = arith.constant 5 : i32
      %add3A_168 = arith.addi %add3A_155, %add3A_167 : i32
      %mul3A_169 = arith.constant 200 : i32
      %mul3A_170 = arith.muli %add3A_168, %mul3A_169 : i32
      %dma_start3A_171 = arith.constant 2 : i32
      %dma_start3A_172 = tpu.memref_slice %arg5[%mul3A_170] : memref<10000xi32, #tpu.memory_space<vmem>> -> memref<200xi32, #tpu.memory_space<vmem>>
      %dma_start3A_173 = arith.constant 0 : i32
      %dma_start3A_174 = arith.constant 0 : i32
      %dma_start3A_175 = tpu.memref_slice %arg2[%dma_start3A_173, %dma_start3A_174] : memref<10000x16xf32, #tpu.memory_space<hbm>> -> memref<10000x16xf32, #tpu.memory_space<hbm>>
      %dma_start3A_176 = tpu.memref_slice %arg12[%dma_start3A_171] : memref<5x!tpu.dma_semaphore, #tpu.memory_space<semaphore_mem>> -> memref<1x!tpu.dma_semaphore, #tpu.memory_space<semaphore_mem>>
      %dma_start3A_177 = tpu.memref_squeeze %dma_start3A_176 : memref<1x!tpu.dma_semaphore, #tpu.memory_space<semaphore_mem>> -> memref<!tpu.dma_semaphore, #tpu.memory_space<semaphore_mem>>
      tpu.enqueue_indirect_dma source(%dma_start3A_175 : memref<10000x16xf32, #tpu.memory_space<hbm>>) target(%arg9 : memref<200x16xf32, #tpu.memory_space<vmem>>) offsets(%dma_start3A_172 : memref<200xi32, #tpu.memory_space<vmem>>) semaphore(%dma_start3A_177 : memref<!tpu.dma_semaphore, #tpu.memory_space<semaphore_mem>>)
      %mul3A_178 = arith.constant 5 : i32
      %mul3A_179 = arith.muli %add3A_99, %mul3A_178 : i32
      %add3A_180 = arith.constant 3 : i32
      %add3A_181 = arith.addi %mul3A_179, %add3A_180 : i32
      %mul3A_182 = arith.constant 200 : i32
      %mul3A_183 = arith.muli %add3A_181, %mul3A_182 : i32
      %dma_wait3A_184 = arith.constant 3 : i32
      %dma_wait3A_185 = tpu.memref_slice %arg5[%mul3A_183] : memref<10000xi32, #tpu.memory_space<vmem>> -> memref<200xi32, #tpu.memory_space<vmem>>
      %dma_wait3A_186 = arith.constant 0 : i32
      %dma_wait3A_187 = arith.constant 0 : i32
      %dma_wait3A_188 = tpu.memref_slice %arg2[%dma_wait3A_186, %dma_wait3A_187] : memref<10000x16xf32, #tpu.memory_space<hbm>> -> memref<10000x16xf32, #tpu.memory_space<hbm>>
      %dma_wait3A_189 = tpu.memref_slice %arg12[%dma_wait3A_184] : memref<5x!tpu.dma_semaphore, #tpu.memory_space<semaphore_mem>> -> memref<1x!tpu.dma_semaphore, #tpu.memory_space<semaphore_mem>>
      %dma_wait3A_190 = tpu.memref_squeeze %dma_wait3A_189 : memref<1x!tpu.dma_semaphore, #tpu.memory_space<semaphore_mem>> -> memref<!tpu.dma_semaphore, #tpu.memory_space<semaphore_mem>>
      tpu.wait_indirect_dma semaphore(%dma_wait3A_190 : memref<!tpu.dma_semaphore, #tpu.memory_space<semaphore_mem>>) src(%dma_wait3A_188 : memref<10000x16xf32, #tpu.memory_space<hbm>>) dst(%arg10 : memref<200x16xf32, #tpu.memory_space<vmem>>)
      %mul3A_191 = arith.constant 200 : i32
      %mul3A_192 = arith.muli %add3A_181, %mul3A_191 : i32
      "tpu.region"() ({
        %run_scoped3A_230 = tpu.sem_alloc : memref<!tpu.dma_semaphore, #tpu.memory_space<semaphore_mem>>
        %dma_start3A_231 = tpu.memref_slice %arg6[%mul3A_192] : memref<10000xi32, #tpu.memory_space<vmem>> -> memref<200xi32, #tpu.memory_space<vmem>>
        %dma_start3A_232 = arith.constant 0 : i32
        %dma_start3A_233 = arith.constant 0 : i32
        %dma_start3A_234 = tpu.memref_slice %arg13[%dma_start3A_232, %dma_start3A_233] : memref<10000x16xf32, #tpu.memory_space<vmem_shared>> -> memref<10000x16xf32, #tpu.memory_space<vmem_shared>>
        tpu.enqueue_indirect_dma source(%arg10 : memref<200x16xf32, #tpu.memory_space<vmem>>) target(%dma_start3A_234 : memref<10000x16xf32, #tpu.memory_space<vmem_shared>>) offsets(%dma_start3A_231 : memref<200xi32, #tpu.memory_space<vmem>>) semaphore(%run_scoped3A_230 : memref<!tpu.dma_semaphore, #tpu.memory_space<semaphore_mem>>) {add = true}
        %dma_wait3A_235 = tpu.memref_slice %arg6[%mul3A_192] : memref<10000xi32, #tpu.memory_space<vmem>> -> memref<200xi32, #tpu.memory_space<vmem>>
        %dma_wait3A_236 = arith.constant 0 : i32
        %dma_wait3A_237 = arith.constant 0 : i32
        %dma_wait3A_238 = tpu.memref_slice %arg13[%dma_wait3A_236, %dma_wait3A_237] : memref<10000x16xf32, #tpu.memory_space<vmem_shared>> -> memref<10000x16xf32, #tpu.memory_space<vmem_shared>>
        tpu.wait_indirect_dma semaphore(%run_scoped3A_230 : memref<!tpu.dma_semaphore, #tpu.memory_space<semaphore_mem>>) src(%arg10 : memref<200x16xf32, #tpu.memory_space<vmem>>) dst(%dma_wait3A_238 : memref<10000x16xf32, #tpu.memory_space<vmem_shared>>)
        tpu.yield
      }) : () -> ()
      %add3A_193 = arith.constant 5 : i32
      %add3A_194 = arith.addi %add3A_181, %add3A_193 : i32
      %mul3A_195 = arith.constant 200 : i32
      %mul3A_196 = arith.muli %add3A_194, %mul3A_195 : i32
      %dma_start3A_197 = arith.constant 3 : i32
      %dma_start3A_198 = tpu.memref_slice %arg5[%mul3A_196] : memref<10000xi32, #tpu.memory_space<vmem>> -> memref<200xi32, #tpu.memory_space<vmem>>
      %dma_start3A_199 = arith.constant 0 : i32
      %dma_start3A_200 = arith.constant 0 : i32
      %dma_start3A_201 = tpu.memref_slice %arg2[%dma_start3A_199, %dma_start3A_200] : memref<10000x16xf32, #tpu.memory_space<hbm>> -> memref<10000x16xf32, #tpu.memory_space<hbm>>
      %dma_start3A_202 = tpu.memref_slice %arg12[%dma_start3A_197] : memref<5x!tpu.dma_semaphore, #tpu.memory_space<semaphore_mem>> -> memref<1x!tpu.dma_semaphore, #tpu.memory_space<semaphore_mem>>
      %dma_start3A_203 = tpu.memref_squeeze %dma_start3A_202 : memref<1x!tpu.dma_semaphore, #tpu.memory_space<semaphore_mem>> -> memref<!tpu.dma_semaphore, #tpu.memory_space<semaphore_mem>>
      tpu.enqueue_indirect_dma source(%dma_start3A_201 : memref<10000x16xf32, #tpu.memory_space<hbm>>) target(%arg10 : memref<200x16xf32, #tpu.memory_space<vmem>>) offsets(%dma_start3A_198 : memref<200xi32, #tpu.memory_space<vmem>>) semaphore(%dma_start3A_203 : memref<!tpu.dma_semaphore, #tpu.memory_space<semaphore_mem>>)
      %mul3A_204 = arith.constant 5 : i32
      %mul3A_205 = arith.muli %add3A_99, %mul3A_204 : i32
      %add3A_206 = arith.constant 4 : i32
      %add3A_207 = arith.addi %mul3A_205, %add3A_206 : i32
      %mul3A_208 = arith.constant 200 : i32
      %mul3A_209 = arith.muli %add3A_207, %mul3A_208 : i32
      %dma_wait3A_210 = arith.constant 4 : i32
      %dma_wait3A_211 = tpu.memref_slice %arg5[%mul3A_209] : memref<10000xi32, #tpu.memory_space<vmem>> -> memref<200xi32, #tpu.memory_space<vmem>>
      %dma_wait3A_212 = arith.constant 0 : i32
      %dma_wait3A_213 = arith.constant 0 : i32
      %dma_wait3A_214 = tpu.memref_slice %arg2[%dma_wait3A_212, %dma_wait3A_213] : memref<10000x16xf32, #tpu.memory_space<hbm>> -> memref<10000x16xf32, #tpu.memory_space<hbm>>
      %dma_wait3A_215 = tpu.memref_slice %arg12[%dma_wait3A_210] : memref<5x!tpu.dma_semaphore, #tpu.memory_space<semaphore_mem>> -> memref<1x!tpu.dma_semaphore, #tpu.memory_space<semaphore_mem>>
      %dma_wait3A_216 = tpu.memref_squeeze %dma_wait3A_215 : memref<1x!tpu.dma_semaphore, #tpu.memory_space<semaphore_mem>> -> memref<!tpu.dma_semaphore, #tpu.memory_space<semaphore_mem>>
      tpu.wait_indirect_dma semaphore(%dma_wait3A_216 : memref<!tpu.dma_semaphore, #tpu.memory_space<semaphore_mem>>) src(%dma_wait3A_214 : memref<10000x16xf32, #tpu.memory_space<hbm>>) dst(%arg11 : memref<200x16xf32, #tpu.memory_space<vmem>>)
      %mul3A_217 = arith.constant 200 : i32
      %mul3A_218 = arith.muli %add3A_207, %mul3A_217 : i32
      "tpu.region"() ({
        %run_scoped3A_230 = tpu.sem_alloc : memref<!tpu.dma_semaphore, #tpu.memory_space<semaphore_mem>>
        %dma_start3A_231 = tpu.memref_slice %arg6[%mul3A_218] : memref<10000xi32, #tpu.memory_space<vmem>> -> memref<200xi32, #tpu.memory_space<vmem>>
        %dma_start3A_232 = arith.constant 0 : i32
        %dma_start3A_233 = arith.constant 0 : i32
        %dma_start3A_234 = tpu.memref_slice %arg13[%dma_start3A_232, %dma_start3A_233] : memref<10000x16xf32, #tpu.memory_space<vmem_shared>> -> memref<10000x16xf32, #tpu.memory_space<vmem_shared>>
        tpu.enqueue_indirect_dma source(%arg11 : memref<200x16xf32, #tpu.memory_space<vmem>>) target(%dma_start3A_234 : memref<10000x16xf32, #tpu.memory_space<vmem_shared>>) offsets(%dma_start3A_231 : memref<200xi32, #tpu.memory_space<vmem>>) semaphore(%run_scoped3A_230 : memref<!tpu.dma_semaphore, #tpu.memory_space<semaphore_mem>>) {add = true}
        %dma_wait3A_235 = tpu.memref_slice %arg6[%mul3A_218] : memref<10000xi32, #tpu.memory_space<vmem>> -> memref<200xi32, #tpu.memory_space<vmem>>
        %dma_wait3A_236 = arith.constant 0 : i32
        %dma_wait3A_237 = arith.constant 0 : i32
        %dma_wait3A_238 = tpu.memref_slice %arg13[%dma_wait3A_236, %dma_wait3A_237] : memref<10000x16xf32, #tpu.memory_space<vmem_shared>> -> memref<10000x16xf32, #tpu.memory_space<vmem_shared>>
        tpu.wait_indirect_dma semaphore(%run_scoped3A_230 : memref<!tpu.dma_semaphore, #tpu.memory_space<semaphore_mem>>) src(%arg11 : memref<200x16xf32, #tpu.memory_space<vmem>>) dst(%dma_wait3A_238 : memref<10000x16xf32, #tpu.memory_space<vmem_shared>>)
        tpu.yield
      }) : () -> ()
      %add3A_219 = arith.constant 5 : i32
      %add3A_220 = arith.addi %add3A_207, %add3A_219 : i32
      %mul3A_221 = arith.constant 200 : i32
      %mul3A_222 = arith.muli %add3A_220, %mul3A_221 : i32
      %dma_start3A_223 = arith.constant 4 : i32
      %dma_start3A_224 = tpu.memref_slice %arg5[%mul3A_222] : memref<10000xi32, #tpu.memory_space<vmem>> -> memref<200xi32, #tpu.memory_space<vmem>>
      %dma_start3A_225 = arith.constant 0 : i32
      %dma_start3A_226 = arith.constant 0 : i32
      %dma_start3A_227 = tpu.memref_slice %arg2[%dma_start3A_225, %dma_start3A_226] : memref<10000x16xf32, #tpu.memory_space<hbm>> -> memref<10000x16xf32, #tpu.memory_space<hbm>>
      %dma_start3A_228 = tpu.memref_slice %arg12[%dma_start3A_223] : memref<5x!tpu.dma_semaphore, #tpu.memory_space<semaphore_mem>> -> memref<1x!tpu.dma_semaphore, #tpu.memory_space<semaphore_mem>>
      %dma_start3A_229 = tpu.memref_squeeze %dma_start3A_228 : memref<1x!tpu.dma_semaphore, #tpu.memory_space<semaphore_mem>> -> memref<!tpu.dma_semaphore, #tpu.memory_space<semaphore_mem>>
      tpu.enqueue_indirect_dma source(%dma_start3A_227 : memref<10000x16xf32, #tpu.memory_space<hbm>>) target(%arg11 : memref<200x16xf32, #tpu.memory_space<vmem>>) offsets(%dma_start3A_224 : memref<200xi32, #tpu.memory_space<vmem>>) semaphore(%dma_start3A_229 : memref<!tpu.dma_semaphore, #tpu.memory_space<semaphore_mem>>)
    }
    %scan3A_50 = arith.constant 9 : i32
    %dma_wait3A = arith.constant 0 : i32
    %dma_wait3A_51 = arith.constant 9000 : i32
    %dma_wait3A_52 = tpu.memref_slice %arg5[%dma_wait3A_51] : memref<10000xi32, #tpu.memory_space<vmem>> -> memref<200xi32, #tpu.memory_space<vmem>>
    %dma_wait3A_53 = arith.constant 0 : i32
    %dma_wait3A_54 = arith.constant 0 : i32
    %dma_wait3A_55 = tpu.memref_slice %arg2[%dma_wait3A_53, %dma_wait3A_54] : memref<10000x16xf32, #tpu.memory_space<hbm>> -> memref<10000x16xf32, #tpu.memory_space<hbm>>
    %dma_wait3A_56 = tpu.memref_slice %arg12[%dma_wait3A] : memref<5x!tpu.dma_semaphore, #tpu.memory_space<semaphore_mem>> -> memref<1x!tpu.dma_semaphore, #tpu.memory_space<semaphore_mem>>
    %dma_wait3A_57 = tpu.memref_squeeze %dma_wait3A_56 : memref<1x!tpu.dma_semaphore, #tpu.memory_space<semaphore_mem>> -> memref<!tpu.dma_semaphore, #tpu.memory_space<semaphore_mem>>
    tpu.wait_indirect_dma semaphore(%dma_wait3A_57 : memref<!tpu.dma_semaphore, #tpu.memory_space<semaphore_mem>>) src(%dma_wait3A_55 : memref<10000x16xf32, #tpu.memory_space<hbm>>) dst(%arg7 : memref<200x16xf32, #tpu.memory_space<vmem>>)
    "tpu.region"() ({
      %run_scoped3A_95 = tpu.sem_alloc : memref<!tpu.dma_semaphore, #tpu.memory_space<semaphore_mem>>
      %dma_start3A_96 = arith.constant 9000 : i32
      %dma_start3A_97 = tpu.memref_slice %arg6[%dma_start3A_96] : memref<10000xi32, #tpu.memory_space<vmem>> -> memref<200xi32, #tpu.memory_space<vmem>>
      %dma_start3A_98 = arith.constant 0 : i32
      %dma_start3A_99 = arith.constant 0 : i32
      %dma_start3A_100 = tpu.memref_slice %arg13[%dma_start3A_98, %dma_start3A_99] : memref<10000x16xf32, #tpu.memory_space<vmem_shared>> -> memref<10000x16xf32, #tpu.memory_space<vmem_shared>>
      tpu.enqueue_indirect_dma source(%arg7 : memref<200x16xf32, #tpu.memory_space<vmem>>) target(%dma_start3A_100 : memref<10000x16xf32, #tpu.memory_space<vmem_shared>>) offsets(%dma_start3A_97 : memref<200xi32, #tpu.memory_space<vmem>>) semaphore(%run_scoped3A_95 : memref<!tpu.dma_semaphore, #tpu.memory_space<semaphore_mem>>) {add = true}
      %dma_wait3A_101 = arith.constant 9000 : i32
      %dma_wait3A_102 = tpu.memref_slice %arg6[%dma_wait3A_101] : memref<10000xi32, #tpu.memory_space<vmem>> -> memref<200xi32, #tpu.memory_space<vmem>>
      %dma_wait3A_103 = arith.constant 0 : i32
      %dma_wait3A_104 = arith.constant 0 : i32
      %dma_wait3A_105 = tpu.memref_slice %arg13[%dma_wait3A_103, %dma_wait3A_104] : memref<10000x16xf32, #tpu.memory_space<vmem_shared>> -> memref<10000x16xf32, #tpu.memory_space<vmem_shared>>
      tpu.wait_indirect_dma semaphore(%run_scoped3A_95 : memref<!tpu.dma_semaphore, #tpu.memory_space<semaphore_mem>>) src(%arg7 : memref<200x16xf32, #tpu.memory_space<vmem>>) dst(%dma_wait3A_105 : memref<10000x16xf32, #tpu.memory_space<vmem_shared>>)
      tpu.yield
    }) : () -> ()
    %dma_wait3A_58 = arith.constant 1 : i32
    %dma_wait3A_59 = arith.constant 9200 : i32
    %dma_wait3A_60 = tpu.memref_slice %arg5[%dma_wait3A_59] : memref<10000xi32, #tpu.memory_space<vmem>> -> memref<200xi32, #tpu.memory_space<vmem>>
    %dma_wait3A_61 = arith.constant 0 : i32
    %dma_wait3A_62 = arith.constant 0 : i32
    %dma_wait3A_63 = tpu.memref_slice %arg2[%dma_wait3A_61, %dma_wait3A_62] : memref<10000x16xf32, #tpu.memory_space<hbm>> -> memref<10000x16xf32, #tpu.memory_space<hbm>>
    %dma_wait3A_64 = tpu.memref_slice %arg12[%dma_wait3A_58] : memref<5x!tpu.dma_semaphore, #tpu.memory_space<semaphore_mem>> -> memref<1x!tpu.dma_semaphore, #tpu.memory_space<semaphore_mem>>
    %dma_wait3A_65 = tpu.memref_squeeze %dma_wait3A_64 : memref<1x!tpu.dma_semaphore, #tpu.memory_space<semaphore_mem>> -> memref<!tpu.dma_semaphore, #tpu.memory_space<semaphore_mem>>
    tpu.wait_indirect_dma semaphore(%dma_wait3A_65 : memref<!tpu.dma_semaphore, #tpu.memory_space<semaphore_mem>>) src(%dma_wait3A_63 : memref<10000x16xf32, #tpu.memory_space<hbm>>) dst(%arg8 : memref<200x16xf32, #tpu.memory_space<vmem>>)
    "tpu.region"() ({
      %run_scoped3A_95 = tpu.sem_alloc : memref<!tpu.dma_semaphore, #tpu.memory_space<semaphore_mem>>
      %dma_start3A_96 = arith.constant 9200 : i32
      %dma_start3A_97 = tpu.memref_slice %arg6[%dma_start3A_96] : memref<10000xi32, #tpu.memory_space<vmem>> -> memref<200xi32, #tpu.memory_space<vmem>>
      %dma_start3A_98 = arith.constant 0 : i32
      %dma_start3A_99 = arith.constant 0 : i32
      %dma_start3A_100 = tpu.memref_slice %arg13[%dma_start3A_98, %dma_start3A_99] : memref<10000x16xf32, #tpu.memory_space<vmem_shared>> -> memref<10000x16xf32, #tpu.memory_space<vmem_shared>>
      tpu.enqueue_indirect_dma source(%arg8 : memref<200x16xf32, #tpu.memory_space<vmem>>) target(%dma_start3A_100 : memref<10000x16xf32, #tpu.memory_space<vmem_shared>>) offsets(%dma_start3A_97 : memref<200xi32, #tpu.memory_space<vmem>>) semaphore(%run_scoped3A_95 : memref<!tpu.dma_semaphore, #tpu.memory_space<semaphore_mem>>) {add = true}
      %dma_wait3A_101 = arith.constant 9200 : i32
      %dma_wait3A_102 = tpu.memref_slice %arg6[%dma_wait3A_101] : memref<10000xi32, #tpu.memory_space<vmem>> -> memref<200xi32, #tpu.memory_space<vmem>>
      %dma_wait3A_103 = arith.constant 0 : i32
      %dma_wait3A_104 = arith.constant 0 : i32
      %dma_wait3A_105 = tpu.memref_slice %arg13[%dma_wait3A_103, %dma_wait3A_104] : memref<10000x16xf32, #tpu.memory_space<vmem_shared>> -> memref<10000x16xf32, #tpu.memory_space<vmem_shared>>
      tpu.wait_indirect_dma semaphore(%run_scoped3A_95 : memref<!tpu.dma_semaphore, #tpu.memory_space<semaphore_mem>>) src(%arg8 : memref<200x16xf32, #tpu.memory_space<vmem>>) dst(%dma_wait3A_105 : memref<10000x16xf32, #tpu.memory_space<vmem_shared>>)
      tpu.yield
    }) : () -> ()
    %dma_wait3A_66 = arith.constant 2 : i32
    %dma_wait3A_67 = arith.constant 9400 : i32
    %dma_wait3A_68 = tpu.memref_slice %arg5[%dma_wait3A_67] : memref<10000xi32, #tpu.memory_space<vmem>> -> memref<200xi32, #tpu.memory_space<vmem>>
    %dma_wait3A_69 = arith.constant 0 : i32
    %dma_wait3A_70 = arith.constant 0 : i32
    %dma_wait3A_71 = tpu.memref_slice %arg2[%dma_wait3A_69, %dma_wait3A_70] : memref<10000x16xf32, #tpu.memory_space<hbm>> -> memref<10000x16xf32, #tpu.memory_space<hbm>>
    %dma_wait3A_72 = tpu.memref_slice %arg12[%dma_wait3A_66] : memref<5x!tpu.dma_semaphore, #tpu.memory_space<semaphore_mem>> -> memref<1x!tpu.dma_semaphore, #tpu.memory_space<semaphore_mem>>
    %dma_wait3A_73 = tpu.memref_squeeze %dma_wait3A_72 : memref<1x!tpu.dma_semaphore, #tpu.memory_space<semaphore_mem>> -> memref<!tpu.dma_semaphore, #tpu.memory_space<semaphore_mem>>
    tpu.wait_indirect_dma semaphore(%dma_wait3A_73 : memref<!tpu.dma_semaphore, #tpu.memory_space<semaphore_mem>>) src(%dma_wait3A_71 : memref<10000x16xf32, #tpu.memory_space<hbm>>) dst(%arg9 : memref<200x16xf32, #tpu.memory_space<vmem>>)
    "tpu.region"() ({
      %run_scoped3A_95 = tpu.sem_alloc : memref<!tpu.dma_semaphore, #tpu.memory_space<semaphore_mem>>
      %dma_start3A_96 = arith.constant 9400 : i32
      %dma_start3A_97 = tpu.memref_slice %arg6[%dma_start3A_96] : memref<10000xi32, #tpu.memory_space<vmem>> -> memref<200xi32, #tpu.memory_space<vmem>>
      %dma_start3A_98 = arith.constant 0 : i32
      %dma_start3A_99 = arith.constant 0 : i32
      %dma_start3A_100 = tpu.memref_slice %arg13[%dma_start3A_98, %dma_start3A_99] : memref<10000x16xf32, #tpu.memory_space<vmem_shared>> -> memref<10000x16xf32, #tpu.memory_space<vmem_shared>>
      tpu.enqueue_indirect_dma source(%arg9 : memref<200x16xf32, #tpu.memory_space<vmem>>) target(%dma_start3A_100 : memref<10000x16xf32, #tpu.memory_space<vmem_shared>>) offsets(%dma_start3A_97 : memref<200xi32, #tpu.memory_space<vmem>>) semaphore(%run_scoped3A_95 : memref<!tpu.dma_semaphore, #tpu.memory_space<semaphore_mem>>) {add = true}
      %dma_wait3A_101 = arith.constant 9400 : i32
      %dma_wait3A_102 = tpu.memref_slice %arg6[%dma_wait3A_101] : memref<10000xi32, #tpu.memory_space<vmem>> -> memref<200xi32, #tpu.memory_space<vmem>>
      %dma_wait3A_103 = arith.constant 0 : i32
      %dma_wait3A_104 = arith.constant 0 : i32
      %dma_wait3A_105 = tpu.memref_slice %arg13[%dma_wait3A_103, %dma_wait3A_104] : memref<10000x16xf32, #tpu.memory_space<vmem_shared>> -> memref<10000x16xf32, #tpu.memory_space<vmem_shared>>
      tpu.wait_indirect_dma semaphore(%run_scoped3A_95 : memref<!tpu.dma_semaphore, #tpu.memory_space<semaphore_mem>>) src(%arg9 : memref<200x16xf32, #tpu.memory_space<vmem>>) dst(%dma_wait3A_105 : memref<10000x16xf32, #tpu.memory_space<vmem_shared>>)
      tpu.yield
    }) : () -> ()
    %dma_wait3A_74 = arith.constant 3 : i32
    %dma_wait3A_75 = arith.constant 9600 : i32
    %dma_wait3A_76 = tpu.memref_slice %arg5[%dma_wait3A_75] : memref<10000xi32, #tpu.memory_space<vmem>> -> memref<200xi32, #tpu.memory_space<vmem>>
    %dma_wait3A_77 = arith.constant 0 : i32
    %dma_wait3A_78 = arith.constant 0 : i32
    %dma_wait3A_79 = tpu.memref_slice %arg2[%dma_wait3A_77, %dma_wait3A_78] : memref<10000x16xf32, #tpu.memory_space<hbm>> -> memref<10000x16xf32, #tpu.memory_space<hbm>>
    %dma_wait3A_80 = tpu.memref_slice %arg12[%dma_wait3A_74] : memref<5x!tpu.dma_semaphore, #tpu.memory_space<semaphore_mem>> -> memref<1x!tpu.dma_semaphore, #tpu.memory_space<semaphore_mem>>
    %dma_wait3A_81 = tpu.memref_squeeze %dma_wait3A_80 : memref<1x!tpu.dma_semaphore, #tpu.memory_space<semaphore_mem>> -> memref<!tpu.dma_semaphore, #tpu.memory_space<semaphore_mem>>
    tpu.wait_indirect_dma semaphore(%dma_wait3A_81 : memref<!tpu.dma_semaphore, #tpu.memory_space<semaphore_mem>>) src(%dma_wait3A_79 : memref<10000x16xf32, #tpu.memory_space<hbm>>) dst(%arg10 : memref<200x16xf32, #tpu.memory_space<vmem>>)
    "tpu.region"() ({
      %run_scoped3A_95 = tpu.sem_alloc : memref<!tpu.dma_semaphore, #tpu.memory_space<semaphore_mem>>
      %dma_start3A_96 = arith.constant 9600 : i32
      %dma_start3A_97 = tpu.memref_slice %arg6[%dma_start3A_96] : memref<10000xi32, #tpu.memory_space<vmem>> -> memref<200xi32, #tpu.memory_space<vmem>>
      %dma_start3A_98 = arith.constant 0 : i32
      %dma_start3A_99 = arith.constant 0 : i32
      %dma_start3A_100 = tpu.memref_slice %arg13[%dma_start3A_98, %dma_start3A_99] : memref<10000x16xf32, #tpu.memory_space<vmem_shared>> -> memref<10000x16xf32, #tpu.memory_space<vmem_shared>>
      tpu.enqueue_indirect_dma source(%arg10 : memref<200x16xf32, #tpu.memory_space<vmem>>) target(%dma_start3A_100 : memref<10000x16xf32, #tpu.memory_space<vmem_shared>>) offsets(%dma_start3A_97 : memref<200xi32, #tpu.memory_space<vmem>>) semaphore(%run_scoped3A_95 : memref<!tpu.dma_semaphore, #tpu.memory_space<semaphore_mem>>) {add = true}
      %dma_wait3A_101 = arith.constant 9600 : i32
      %dma_wait3A_102 = tpu.memref_slice %arg6[%dma_wait3A_101] : memref<10000xi32, #tpu.memory_space<vmem>> -> memref<200xi32, #tpu.memory_space<vmem>>
      %dma_wait3A_103 = arith.constant 0 : i32
      %dma_wait3A_104 = arith.constant 0 : i32
      %dma_wait3A_105 = tpu.memref_slice %arg13[%dma_wait3A_103, %dma_wait3A_104] : memref<10000x16xf32, #tpu.memory_space<vmem_shared>> -> memref<10000x16xf32, #tpu.memory_space<vmem_shared>>
      tpu.wait_indirect_dma semaphore(%run_scoped3A_95 : memref<!tpu.dma_semaphore, #tpu.memory_space<semaphore_mem>>) src(%arg10 : memref<200x16xf32, #tpu.memory_space<vmem>>) dst(%dma_wait3A_105 : memref<10000x16xf32, #tpu.memory_space<vmem_shared>>)
      tpu.yield
    }) : () -> ()
    %dma_wait3A_82 = arith.constant 4 : i32
    %dma_wait3A_83 = arith.constant 9800 : i32
    %dma_wait3A_84 = tpu.memref_slice %arg5[%dma_wait3A_83] : memref<10000xi32, #tpu.memory_space<vmem>> -> memref<200xi32, #tpu.memory_space<vmem>>
    %dma_wait3A_85 = arith.constant 0 : i32
    %dma_wait3A_86 = arith.constant 0 : i32
    %dma_wait3A_87 = tpu.memref_slice %arg2[%dma_wait3A_85, %dma_wait3A_86] : memref<10000x16xf32, #tpu.memory_space<hbm>> -> memref<10000x16xf32, #tpu.memory_space<hbm>>
    %dma_wait3A_88 = tpu.memref_slice %arg12[%dma_wait3A_82] : memref<5x!tpu.dma_semaphore, #tpu.memory_space<semaphore_mem>> -> memref<1x!tpu.dma_semaphore, #tpu.memory_space<semaphore_mem>>
    %dma_wait3A_89 = tpu.memref_squeeze %dma_wait3A_88 : memref<1x!tpu.dma_semaphore, #tpu.memory_space<semaphore_mem>> -> memref<!tpu.dma_semaphore, #tpu.memory_space<semaphore_mem>>
    tpu.wait_indirect_dma semaphore(%dma_wait3A_89 : memref<!tpu.dma_semaphore, #tpu.memory_space<semaphore_mem>>) src(%dma_wait3A_87 : memref<10000x16xf32, #tpu.memory_space<hbm>>) dst(%arg11 : memref<200x16xf32, #tpu.memory_space<vmem>>)
    "tpu.region"() ({
      %run_scoped3A_95 = tpu.sem_alloc : memref<!tpu.dma_semaphore, #tpu.memory_space<semaphore_mem>>
      %dma_start3A_96 = arith.constant 9800 : i32
      %dma_start3A_97 = tpu.memref_slice %arg6[%dma_start3A_96] : memref<10000xi32, #tpu.memory_space<vmem>> -> memref<200xi32, #tpu.memory_space<vmem>>
      %dma_start3A_98 = arith.constant 0 : i32
      %dma_start3A_99 = arith.constant 0 : i32
      %dma_start3A_100 = tpu.memref_slice %arg13[%dma_start3A_98, %dma_start3A_99] : memref<10000x16xf32, #tpu.memory_space<vmem_shared>> -> memref<10000x16xf32, #tpu.memory_space<vmem_shared>>
      tpu.enqueue_indirect_dma source(%arg11 : memref<200x16xf32, #tpu.memory_space<vmem>>) target(%dma_start3A_100 : memref<10000x16xf32, #tpu.memory_space<vmem_shared>>) offsets(%dma_start3A_97 : memref<200xi32, #tpu.memory_space<vmem>>) semaphore(%run_scoped3A_95 : memref<!tpu.dma_semaphore, #tpu.memory_space<semaphore_mem>>) {add = true}
      %dma_wait3A_101 = arith.constant 9800 : i32
      %dma_wait3A_102 = tpu.memref_slice %arg6[%dma_wait3A_101] : memref<10000xi32, #tpu.memory_space<vmem>> -> memref<200xi32, #tpu.memory_space<vmem>>
      %dma_wait3A_103 = arith.constant 0 : i32
      %dma_wait3A_104 = arith.constant 0 : i32
      %dma_wait3A_105 = tpu.memref_slice %arg13[%dma_wait3A_103, %dma_wait3A_104] : memref<10000x16xf32, #tpu.memory_space<vmem_shared>> -> memref<10000x16xf32, #tpu.memory_space<vmem_shared>>
      tpu.wait_indirect_dma semaphore(%run_scoped3A_95 : memref<!tpu.dma_semaphore, #tpu.memory_space<semaphore_mem>>) src(%arg11 : memref<200x16xf32, #tpu.memory_space<vmem>>) dst(%dma_wait3A_105 : memref<10000x16xf32, #tpu.memory_space<vmem_shared>>)
      tpu.yield
    }) : () -> ()
    %barrier3A_90 = arith.constant 0 : index
    tpu.barrier barrier_id(%barrier3A_90)
    %mul3A_91 = arith.constant 625 : i32
    %mul3A_92 = arith.muli %arg1, %mul3A_91 : i32
    %mul3A_93 = arith.constant 625 : i32
    %mul3A_94 = arith.muli %arg1, %mul3A_93 : i32
    "tpu.region"() ({
      %run_scoped3A_95 = tpu.sem_alloc : memref<!tpu.dma_semaphore, #tpu.memory_space<semaphore_mem>>
      %dma_start3A_96 = arith.constant 0 : i32
      %dma_start3A_97 = arith.constant 0 : i32
      %dma_start3A_98 = tpu.memref_slice %arg4[%arg0, %dma_start3A_96, %dma_start3A_97] : memref<2x10000x16xf32, #tpu.memory_space<hbm>> -> memref<1x10000x16xf32, #tpu.memory_space<hbm>>
      %dma_start3A_99 = tpu.memref_squeeze %dma_start3A_98 : memref<1x10000x16xf32, #tpu.memory_space<hbm>> -> memref<10000x16xf32, #tpu.memory_space<hbm>>
      %dma_start3A_100 = arith.constant 0 : i32
      %dma_start3A_101 = tpu.memref_slice %dma_start3A_99[%mul3A_94, %dma_start3A_100] : memref<10000x16xf32, #tpu.memory_space<hbm>> -> memref<625x16xf32, #tpu.memory_space<hbm>>
      %dma_start3A_102 = arith.constant 0 : i32
      %dma_start3A_103 = tpu.memref_slice %arg13[%mul3A_92, %dma_start3A_102] : memref<10000x16xf32, #tpu.memory_space<vmem_shared>> -> memref<625x16xf32, #tpu.memory_space<vmem_shared>>
      tpu.enqueue_dma source(%dma_start3A_103 : memref<625x16xf32, #tpu.memory_space<vmem_shared>>) target(%dma_start3A_101 : memref<625x16xf32, #tpu.memory_space<hbm>>) target_semaphore(%run_scoped3A_95 : memref<!tpu.dma_semaphore, #tpu.memory_space<semaphore_mem>>)
      %dma_wait3A_104 = arith.constant 0 : i32
      %dma_wait3A_105 = arith.constant 0 : i32
      %dma_wait3A_106 = tpu.memref_slice %arg4[%arg0, %dma_wait3A_104, %dma_wait3A_105] : memref<2x10000x16xf32, #tpu.memory_space<hbm>> -> memref<1x10000x16xf32, #tpu.memory_space<hbm>>
      %dma_wait3A_107 = tpu.memref_squeeze %dma_wait3A_106 : memref<1x10000x16xf32, #tpu.memory_space<hbm>> -> memref<10000x16xf32, #tpu.memory_space<hbm>>
      %dma_wait3A_108 = arith.constant 0 : i32
      %dma_wait3A_109 = tpu.memref_slice %dma_wait3A_107[%mul3A_94, %dma_wait3A_108] : memref<10000x16xf32, #tpu.memory_space<hbm>> -> memref<625x16xf32, #tpu.memory_space<hbm>>
      %dma_wait3A_110 = arith.constant 0 : i32
      %dma_wait3A_111 = tpu.memref_slice %arg13[%mul3A_92, %dma_wait3A_110] : memref<10000x16xf32, #tpu.memory_space<vmem_shared>> -> memref<625x16xf32, #tpu.memory_space<vmem_shared>>
      tpu.wait_dma2 semaphore(%run_scoped3A_95 : memref<!tpu.dma_semaphore, #tpu.memory_space<semaphore_mem>>) src(%dma_wait3A_111 : memref<625x16xf32, #tpu.memory_space<vmem_shared>>) dst(%dma_wait3A_109 : memref<625x16xf32, #tpu.memory_space<hbm>>)
      tpu.yield
    }) : () -> ()
    return
  }
}

#map = affine_map<(d0, d1) -> (0, 0)>
module attributes {stable_mosaic.version = 14 : i64} {
  func.func @spmm1_kernel(%arg0: i32, %arg1: i32, %arg2: memref<10000x64xf32, #tpu.memory_space<hbm>>, %arg3: memref<10000x64xf32, #tpu.memory_space<hbm>>, %arg4: memref<2x320000xi32, #tpu.memory_space<hbm>>, %arg5: memref<10000x64xf32, #tpu.memory_space<hbm>>, %arg6: memref<10000x64xf32, #tpu.memory_space<hbm>>, %arg7: memref<20000xi32, #tpu.memory_space<vmem>>, %arg8: memref<20000xi32, #tpu.memory_space<vmem>>, %arg9: memref<80x64xf32, #tpu.memory_space<vmem>>, %arg10: memref<80x64xf32, #tpu.memory_space<vmem>>, %arg11: memref<80x64xf32, #tpu.memory_space<vmem>>, %arg12: memref<80x64xf32, #tpu.memory_space<vmem>>, %arg13: memref<80x64xf32, #tpu.memory_space<vmem>>, %arg14: memref<5x!tpu.dma_semaphore, #tpu.memory_space<semaphore_mem>>, %arg15: memref<10000x64xf32, #tpu.memory_space<vmem_shared>>) attributes {dimension_semantics = [#tpu.dimension_semantics<core_parallel>, #tpu.dimension_semantics<subcore_parallel>], iteration_bounds = array<i64: 2, 16>, scalar_prefetch = 0 : i64, scratch_operands = 9 : i64, tpu.core_type = #tpu.core_type<sc_vector_subcore>, window_params = [{transform_indices = #map}, {transform_indices = #map}, {transform_indices = #map}, {transform_indices = #map}, {transform_indices = #map}]} {
    %eq3A = arith.constant 0 : i32
    %eq3A_0 = arith.cmpi eq, %arg0, %eq3A : i32
    %convert_element_type3A = arith.extui %eq3A_0 : i1 to i32
    %cond3A = arith.constant 0 : i32
    %cond3A_1 = arith.cmpi ne, %convert_element_type3A, %cond3A : i32
    scf.if %cond3A_1 {
      %mul3A = arith.constant 20000 : i32
      %mul3A_7 = arith.muli %arg1, %mul3A : i32
      %mul3A_8 = arith.constant 625 : i32
      %mul3A_9 = arith.muli %arg1, %mul3A_8 : i32
      %mul3A_10 = arith.constant 625 : i32
      %mul3A_11 = arith.muli %arg1, %mul3A_10 : i32
      "tpu.region"() ({
        %run_scoped3A_100 = tpu.sem_alloc : memref<!tpu.dma_semaphore, #tpu.memory_space<semaphore_mem>>
        %dma_start3A_101 = arith.constant 0 : i32
        %dma_start3A_102 = tpu.memref_slice %arg15[%mul3A_11, %dma_start3A_101] : memref<10000x64xf32, #tpu.memory_space<vmem_shared>> -> memref<625x64xf32, #tpu.memory_space<vmem_shared>>
        %dma_start3A_103 = arith.constant 0 : i32
        %dma_start3A_104 = tpu.memref_slice %arg2[%mul3A_9, %dma_start3A_103] : memref<10000x64xf32, #tpu.memory_space<hbm>> -> memref<625x64xf32, #tpu.memory_space<hbm>>
        tpu.enqueue_dma source(%dma_start3A_104 : memref<625x64xf32, #tpu.memory_space<hbm>>) target(%dma_start3A_102 : memref<625x64xf32, #tpu.memory_space<vmem_shared>>) target_semaphore(%run_scoped3A_100 : memref<!tpu.dma_semaphore, #tpu.memory_space<semaphore_mem>>)
        %dma_wait3A_105 = arith.constant 0 : i32
        %dma_wait3A_106 = tpu.memref_slice %arg15[%mul3A_11, %dma_wait3A_105] : memref<10000x64xf32, #tpu.memory_space<vmem_shared>> -> memref<625x64xf32, #tpu.memory_space<vmem_shared>>
        %dma_wait3A_107 = arith.constant 0 : i32
        %dma_wait3A_108 = tpu.memref_slice %arg2[%mul3A_9, %dma_wait3A_107] : memref<10000x64xf32, #tpu.memory_space<hbm>> -> memref<625x64xf32, #tpu.memory_space<hbm>>
        tpu.wait_dma2 semaphore(%run_scoped3A_100 : memref<!tpu.dma_semaphore, #tpu.memory_space<semaphore_mem>>) src(%dma_wait3A_108 : memref<625x64xf32, #tpu.memory_space<hbm>>) dst(%dma_wait3A_106 : memref<625x64xf32, #tpu.memory_space<vmem_shared>>)
        tpu.yield
      }) : () -> ()
      %barrier3A = arith.constant 0 : index
      tpu.barrier barrier_id(%barrier3A)
      %run_scoped3A = arith.constant 0 : i32
      "tpu.region"() ({
        %run_scoped3A_100 = tpu.sem_alloc : memref<!tpu.dma_semaphore, #tpu.memory_space<semaphore_mem>>
        %dma_start3A_101 = tpu.memref_slice %arg4[%run_scoped3A, %mul3A_7] : memref<2x320000xi32, #tpu.memory_space<hbm>> -> memref<1x20000xi32, #tpu.memory_space<hbm>>
        %dma_start3A_102 = tpu.memref_squeeze %dma_start3A_101 : memref<1x20000xi32, #tpu.memory_space<hbm>> -> memref<20000xi32, #tpu.memory_space<hbm>>
        %dma_start3A_103 = tpu.memref_slice %arg4[%run_scoped3A, %mul3A_7] : memref<2x320000xi32, #tpu.memory_space<hbm>> -> memref<1x20000xi32, #tpu.memory_space<hbm>>
        %dma_start3A_104 = tpu.memref_squeeze %dma_start3A_103 : memref<1x20000xi32, #tpu.memory_space<hbm>> -> memref<20000xi32, #tpu.memory_space<hbm>>
        tpu.enqueue_dma source(%dma_start3A_104 : memref<20000xi32, #tpu.memory_space<hbm>>) target(%arg7 : memref<20000xi32, #tpu.memory_space<vmem>>) target_semaphore(%run_scoped3A_100 : memref<!tpu.dma_semaphore, #tpu.memory_space<semaphore_mem>>)
        %dma_wait3A_105 = tpu.memref_slice %arg4[%run_scoped3A, %mul3A_7] : memref<2x320000xi32, #tpu.memory_space<hbm>> -> memref<1x20000xi32, #tpu.memory_space<hbm>>
        %dma_wait3A_106 = tpu.memref_squeeze %dma_wait3A_105 : memref<1x20000xi32, #tpu.memory_space<hbm>> -> memref<20000xi32, #tpu.memory_space<hbm>>
        %dma_wait3A_107 = tpu.memref_slice %arg4[%run_scoped3A, %mul3A_7] : memref<2x320000xi32, #tpu.memory_space<hbm>> -> memref<1x20000xi32, #tpu.memory_space<hbm>>
        %dma_wait3A_108 = tpu.memref_squeeze %dma_wait3A_107 : memref<1x20000xi32, #tpu.memory_space<hbm>> -> memref<20000xi32, #tpu.memory_space<hbm>>
        tpu.wait_dma2 semaphore(%run_scoped3A_100 : memref<!tpu.dma_semaphore, #tpu.memory_space<semaphore_mem>>) src(%dma_wait3A_108 : memref<20000xi32, #tpu.memory_space<hbm>>) dst(%arg7 : memref<20000xi32, #tpu.memory_space<vmem>>)
        tpu.yield
      }) : () -> ()
      %run_scoped3A_12 = arith.constant 1 : i32
      "tpu.region"() ({
        %run_scoped3A_100 = tpu.sem_alloc : memref<!tpu.dma_semaphore, #tpu.memory_space<semaphore_mem>>
        %dma_start3A_101 = tpu.memref_slice %arg4[%run_scoped3A_12, %mul3A_7] : memref<2x320000xi32, #tpu.memory_space<hbm>> -> memref<1x20000xi32, #tpu.memory_space<hbm>>
        %dma_start3A_102 = tpu.memref_squeeze %dma_start3A_101 : memref<1x20000xi32, #tpu.memory_space<hbm>> -> memref<20000xi32, #tpu.memory_space<hbm>>
        %dma_start3A_103 = tpu.memref_slice %arg4[%run_scoped3A_12, %mul3A_7] : memref<2x320000xi32, #tpu.memory_space<hbm>> -> memref<1x20000xi32, #tpu.memory_space<hbm>>
        %dma_start3A_104 = tpu.memref_squeeze %dma_start3A_103 : memref<1x20000xi32, #tpu.memory_space<hbm>> -> memref<20000xi32, #tpu.memory_space<hbm>>
        tpu.enqueue_dma source(%dma_start3A_104 : memref<20000xi32, #tpu.memory_space<hbm>>) target(%arg8 : memref<20000xi32, #tpu.memory_space<vmem>>) target_semaphore(%run_scoped3A_100 : memref<!tpu.dma_semaphore, #tpu.memory_space<semaphore_mem>>)
        %dma_wait3A_105 = tpu.memref_slice %arg4[%run_scoped3A_12, %mul3A_7] : memref<2x320000xi32, #tpu.memory_space<hbm>> -> memref<1x20000xi32, #tpu.memory_space<hbm>>
        %dma_wait3A_106 = tpu.memref_squeeze %dma_wait3A_105 : memref<1x20000xi32, #tpu.memory_space<hbm>> -> memref<20000xi32, #tpu.memory_space<hbm>>
        %dma_wait3A_107 = tpu.memref_slice %arg4[%run_scoped3A_12, %mul3A_7] : memref<2x320000xi32, #tpu.memory_space<hbm>> -> memref<1x20000xi32, #tpu.memory_space<hbm>>
        %dma_wait3A_108 = tpu.memref_squeeze %dma_wait3A_107 : memref<1x20000xi32, #tpu.memory_space<hbm>> -> memref<20000xi32, #tpu.memory_space<hbm>>
        tpu.wait_dma2 semaphore(%run_scoped3A_100 : memref<!tpu.dma_semaphore, #tpu.memory_space<semaphore_mem>>) src(%dma_wait3A_108 : memref<20000xi32, #tpu.memory_space<hbm>>) dst(%arg8 : memref<20000xi32, #tpu.memory_space<vmem>>)
        tpu.yield
      }) : () -> ()
      %dma_start3A = arith.constant 0 : i32
      %dma_start3A_13 = arith.constant 0 : i32
      %dma_start3A_14 = tpu.memref_slice %arg7[%dma_start3A_13] : memref<20000xi32, #tpu.memory_space<vmem>> -> memref<80xi32, #tpu.memory_space<vmem>>
      %dma_start3A_15 = arith.constant 0 : i32
      %dma_start3A_16 = arith.constant 0 : i32
      %dma_start3A_17 = tpu.memref_slice %arg2[%dma_start3A_15, %dma_start3A_16] : memref<10000x64xf32, #tpu.memory_space<hbm>> -> memref<10000x64xf32, #tpu.memory_space<hbm>>
      %dma_start3A_18 = tpu.memref_slice %arg14[%dma_start3A] : memref<5x!tpu.dma_semaphore, #tpu.memory_space<semaphore_mem>> -> memref<1x!tpu.dma_semaphore, #tpu.memory_space<semaphore_mem>>
      %dma_start3A_19 = tpu.memref_squeeze %dma_start3A_18 : memref<1x!tpu.dma_semaphore, #tpu.memory_space<semaphore_mem>> -> memref<!tpu.dma_semaphore, #tpu.memory_space<semaphore_mem>>
      tpu.enqueue_indirect_dma source(%dma_start3A_17 : memref<10000x64xf32, #tpu.memory_space<hbm>>) target(%arg9 : memref<80x64xf32, #tpu.memory_space<vmem>>) offsets(%dma_start3A_14 : memref<80xi32, #tpu.memory_space<vmem>>) semaphore(%dma_start3A_19 : memref<!tpu.dma_semaphore, #tpu.memory_space<semaphore_mem>>)
      %dma_start3A_20 = arith.constant 1 : i32
      %dma_start3A_21 = arith.constant 80 : i32
      %dma_start3A_22 = tpu.memref_slice %arg7[%dma_start3A_21] : memref<20000xi32, #tpu.memory_space<vmem>> -> memref<80xi32, #tpu.memory_space<vmem>>
      %dma_start3A_23 = arith.constant 0 : i32
      %dma_start3A_24 = arith.constant 0 : i32
      %dma_start3A_25 = tpu.memref_slice %arg2[%dma_start3A_23, %dma_start3A_24] : memref<10000x64xf32, #tpu.memory_space<hbm>> -> memref<10000x64xf32, #tpu.memory_space<hbm>>
      %dma_start3A_26 = tpu.memref_slice %arg14[%dma_start3A_20] : memref<5x!tpu.dma_semaphore, #tpu.memory_space<semaphore_mem>> -> memref<1x!tpu.dma_semaphore, #tpu.memory_space<semaphore_mem>>
      %dma_start3A_27 = tpu.memref_squeeze %dma_start3A_26 : memref<1x!tpu.dma_semaphore, #tpu.memory_space<semaphore_mem>> -> memref<!tpu.dma_semaphore, #tpu.memory_space<semaphore_mem>>
      tpu.enqueue_indirect_dma source(%dma_start3A_25 : memref<10000x64xf32, #tpu.memory_space<hbm>>) target(%arg10 : memref<80x64xf32, #tpu.memory_space<vmem>>) offsets(%dma_start3A_22 : memref<80xi32, #tpu.memory_space<vmem>>) semaphore(%dma_start3A_27 : memref<!tpu.dma_semaphore, #tpu.memory_space<semaphore_mem>>)
      %dma_start3A_28 = arith.constant 2 : i32
      %dma_start3A_29 = arith.constant 160 : i32
      %dma_start3A_30 = tpu.memref_slice %arg7[%dma_start3A_29] : memref<20000xi32, #tpu.memory_space<vmem>> -> memref<80xi32, #tpu.memory_space<vmem>>
      %dma_start3A_31 = arith.constant 0 : i32
      %dma_start3A_32 = arith.constant 0 : i32
      %dma_start3A_33 = tpu.memref_slice %arg2[%dma_start3A_31, %dma_start3A_32] : memref<10000x64xf32, #tpu.memory_space<hbm>> -> memref<10000x64xf32, #tpu.memory_space<hbm>>
      %dma_start3A_34 = tpu.memref_slice %arg14[%dma_start3A_28] : memref<5x!tpu.dma_semaphore, #tpu.memory_space<semaphore_mem>> -> memref<1x!tpu.dma_semaphore, #tpu.memory_space<semaphore_mem>>
      %dma_start3A_35 = tpu.memref_squeeze %dma_start3A_34 : memref<1x!tpu.dma_semaphore, #tpu.memory_space<semaphore_mem>> -> memref<!tpu.dma_semaphore, #tpu.memory_space<semaphore_mem>>
      tpu.enqueue_indirect_dma source(%dma_start3A_33 : memref<10000x64xf32, #tpu.memory_space<hbm>>) target(%arg11 : memref<80x64xf32, #tpu.memory_space<vmem>>) offsets(%dma_start3A_30 : memref<80xi32, #tpu.memory_space<vmem>>) semaphore(%dma_start3A_35 : memref<!tpu.dma_semaphore, #tpu.memory_space<semaphore_mem>>)
      %dma_start3A_36 = arith.constant 3 : i32
      %dma_start3A_37 = arith.constant 240 : i32
      %dma_start3A_38 = tpu.memref_slice %arg7[%dma_start3A_37] : memref<20000xi32, #tpu.memory_space<vmem>> -> memref<80xi32, #tpu.memory_space<vmem>>
      %dma_start3A_39 = arith.constant 0 : i32
      %dma_start3A_40 = arith.constant 0 : i32
      %dma_start3A_41 = tpu.memref_slice %arg2[%dma_start3A_39, %dma_start3A_40] : memref<10000x64xf32, #tpu.memory_space<hbm>> -> memref<10000x64xf32, #tpu.memory_space<hbm>>
      %dma_start3A_42 = tpu.memref_slice %arg14[%dma_start3A_36] : memref<5x!tpu.dma_semaphore, #tpu.memory_space<semaphore_mem>> -> memref<1x!tpu.dma_semaphore, #tpu.memory_space<semaphore_mem>>
      %dma_start3A_43 = tpu.memref_squeeze %dma_start3A_42 : memref<1x!tpu.dma_semaphore, #tpu.memory_space<semaphore_mem>> -> memref<!tpu.dma_semaphore, #tpu.memory_space<semaphore_mem>>
      tpu.enqueue_indirect_dma source(%dma_start3A_41 : memref<10000x64xf32, #tpu.memory_space<hbm>>) target(%arg12 : memref<80x64xf32, #tpu.memory_space<vmem>>) offsets(%dma_start3A_38 : memref<80xi32, #tpu.memory_space<vmem>>) semaphore(%dma_start3A_43 : memref<!tpu.dma_semaphore, #tpu.memory_space<semaphore_mem>>)
      %dma_start3A_44 = arith.constant 4 : i32
      %dma_start3A_45 = arith.constant 320 : i32
      %dma_start3A_46 = tpu.memref_slice %arg7[%dma_start3A_45] : memref<20000xi32, #tpu.memory_space<vmem>> -> memref<80xi32, #tpu.memory_space<vmem>>
      %dma_start3A_47 = arith.constant 0 : i32
      %dma_start3A_48 = arith.constant 0 : i32
      %dma_start3A_49 = tpu.memref_slice %arg2[%dma_start3A_47, %dma_start3A_48] : memref<10000x64xf32, #tpu.memory_space<hbm>> -> memref<10000x64xf32, #tpu.memory_space<hbm>>
      %dma_start3A_50 = tpu.memref_slice %arg14[%dma_start3A_44] : memref<5x!tpu.dma_semaphore, #tpu.memory_space<semaphore_mem>> -> memref<1x!tpu.dma_semaphore, #tpu.memory_space<semaphore_mem>>
      %dma_start3A_51 = tpu.memref_squeeze %dma_start3A_50 : memref<1x!tpu.dma_semaphore, #tpu.memory_space<semaphore_mem>> -> memref<!tpu.dma_semaphore, #tpu.memory_space<semaphore_mem>>
      tpu.enqueue_indirect_dma source(%dma_start3A_49 : memref<10000x64xf32, #tpu.memory_space<hbm>>) target(%arg13 : memref<80x64xf32, #tpu.memory_space<vmem>>) offsets(%dma_start3A_46 : memref<80xi32, #tpu.memory_space<vmem>>) semaphore(%dma_start3A_51 : memref<!tpu.dma_semaphore, #tpu.memory_space<semaphore_mem>>)
      %scan3A = arith.constant 0 : i32
      %scan3A_52 = arith.constant 49 : i32
      %scan3A_53 = arith.addi %scan3A, %scan3A_52 : i32
      %scan3A_54 = arith.constant 1 : i32
      scf.for %scan3A_100 = %scan3A to %scan3A_53 step %scan3A_54  : i32 {
        %mul3A_101 = arith.constant 1 : i32
        %mul3A_102 = arith.muli %scan3A_100, %mul3A_101 : i32
        %add3A = arith.constant 0 : i32
        %add3A_103 = arith.addi %add3A, %mul3A_102 : i32
        %mul3A_104 = arith.constant 5 : i32
        %mul3A_105 = arith.muli %add3A_103, %mul3A_104 : i32
        %add3A_106 = arith.constant 0 : i32
        %add3A_107 = arith.addi %mul3A_105, %add3A_106 : i32
        %mul3A_108 = arith.constant 80 : i32
        %mul3A_109 = arith.muli %add3A_107, %mul3A_108 : i32
        %dma_wait3A_110 = arith.constant 0 : i32
        %dma_wait3A_111 = tpu.memref_slice %arg7[%mul3A_109] : memref<20000xi32, #tpu.memory_space<vmem>> -> memref<80xi32, #tpu.memory_space<vmem>>
        %dma_wait3A_112 = arith.constant 0 : i32
        %dma_wait3A_113 = arith.constant 0 : i32
        %dma_wait3A_114 = tpu.memref_slice %arg2[%dma_wait3A_112, %dma_wait3A_113] : memref<10000x64xf32, #tpu.memory_space<hbm>> -> memref<10000x64xf32, #tpu.memory_space<hbm>>
        %dma_wait3A_115 = tpu.memref_slice %arg14[%dma_wait3A_110] : memref<5x!tpu.dma_semaphore, #tpu.memory_space<semaphore_mem>> -> memref<1x!tpu.dma_semaphore, #tpu.memory_space<semaphore_mem>>
        %dma_wait3A_116 = tpu.memref_squeeze %dma_wait3A_115 : memref<1x!tpu.dma_semaphore, #tpu.memory_space<semaphore_mem>> -> memref<!tpu.dma_semaphore, #tpu.memory_space<semaphore_mem>>
        tpu.wait_indirect_dma semaphore(%dma_wait3A_116 : memref<!tpu.dma_semaphore, #tpu.memory_space<semaphore_mem>>) src(%dma_wait3A_114 : memref<10000x64xf32, #tpu.memory_space<hbm>>) dst(%arg9 : memref<80x64xf32, #tpu.memory_space<vmem>>)
        %mul3A_117 = arith.constant 80 : i32
        %mul3A_118 = arith.muli %add3A_107, %mul3A_117 : i32
        "tpu.region"() ({
          %run_scoped3A_234 = tpu.sem_alloc : memref<!tpu.dma_semaphore, #tpu.memory_space<semaphore_mem>>
          %dma_start3A_235 = tpu.memref_slice %arg8[%mul3A_118] : memref<20000xi32, #tpu.memory_space<vmem>> -> memref<80xi32, #tpu.memory_space<vmem>>
          %dma_start3A_236 = arith.constant 0 : i32
          %dma_start3A_237 = arith.constant 0 : i32
          %dma_start3A_238 = tpu.memref_slice %arg15[%dma_start3A_236, %dma_start3A_237] : memref<10000x64xf32, #tpu.memory_space<vmem_shared>> -> memref<10000x64xf32, #tpu.memory_space<vmem_shared>>
          tpu.enqueue_indirect_dma source(%arg9 : memref<80x64xf32, #tpu.memory_space<vmem>>) target(%dma_start3A_238 : memref<10000x64xf32, #tpu.memory_space<vmem_shared>>) offsets(%dma_start3A_235 : memref<80xi32, #tpu.memory_space<vmem>>) semaphore(%run_scoped3A_234 : memref<!tpu.dma_semaphore, #tpu.memory_space<semaphore_mem>>) {add = true}
          %dma_wait3A_239 = tpu.memref_slice %arg8[%mul3A_118] : memref<20000xi32, #tpu.memory_space<vmem>> -> memref<80xi32, #tpu.memory_space<vmem>>
          %dma_wait3A_240 = arith.constant 0 : i32
          %dma_wait3A_241 = arith.constant 0 : i32
          %dma_wait3A_242 = tpu.memref_slice %arg15[%dma_wait3A_240, %dma_wait3A_241] : memref<10000x64xf32, #tpu.memory_space<vmem_shared>> -> memref<10000x64xf32, #tpu.memory_space<vmem_shared>>
          tpu.wait_indirect_dma semaphore(%run_scoped3A_234 : memref<!tpu.dma_semaphore, #tpu.memory_space<semaphore_mem>>) src(%arg9 : memref<80x64xf32, #tpu.memory_space<vmem>>) dst(%dma_wait3A_242 : memref<10000x64xf32, #tpu.memory_space<vmem_shared>>)
          tpu.yield
        }) : () -> ()
        %add3A_119 = arith.constant 5 : i32
        %add3A_120 = arith.addi %add3A_107, %add3A_119 : i32
        %mul3A_121 = arith.constant 80 : i32
        %mul3A_122 = arith.muli %add3A_120, %mul3A_121 : i32
        %dma_start3A_123 = arith.constant 0 : i32
        %dma_start3A_124 = tpu.memref_slice %arg7[%mul3A_122] : memref<20000xi32, #tpu.memory_space<vmem>> -> memref<80xi32, #tpu.memory_space<vmem>>
        %dma_start3A_125 = arith.constant 0 : i32
        %dma_start3A_126 = arith.constant 0 : i32
        %dma_start3A_127 = tpu.memref_slice %arg2[%dma_start3A_125, %dma_start3A_126] : memref<10000x64xf32, #tpu.memory_space<hbm>> -> memref<10000x64xf32, #tpu.memory_space<hbm>>
        %dma_start3A_128 = tpu.memref_slice %arg14[%dma_start3A_123] : memref<5x!tpu.dma_semaphore, #tpu.memory_space<semaphore_mem>> -> memref<1x!tpu.dma_semaphore, #tpu.memory_space<semaphore_mem>>
        %dma_start3A_129 = tpu.memref_squeeze %dma_start3A_128 : memref<1x!tpu.dma_semaphore, #tpu.memory_space<semaphore_mem>> -> memref<!tpu.dma_semaphore, #tpu.memory_space<semaphore_mem>>
        tpu.enqueue_indirect_dma source(%dma_start3A_127 : memref<10000x64xf32, #tpu.memory_space<hbm>>) target(%arg9 : memref<80x64xf32, #tpu.memory_space<vmem>>) offsets(%dma_start3A_124 : memref<80xi32, #tpu.memory_space<vmem>>) semaphore(%dma_start3A_129 : memref<!tpu.dma_semaphore, #tpu.memory_space<semaphore_mem>>)
        %mul3A_130 = arith.constant 5 : i32
        %mul3A_131 = arith.muli %add3A_103, %mul3A_130 : i32
        %add3A_132 = arith.constant 1 : i32
        %add3A_133 = arith.addi %mul3A_131, %add3A_132 : i32
        %mul3A_134 = arith.constant 80 : i32
        %mul3A_135 = arith.muli %add3A_133, %mul3A_134 : i32
        %dma_wait3A_136 = arith.constant 1 : i32
        %dma_wait3A_137 = tpu.memref_slice %arg7[%mul3A_135] : memref<20000xi32, #tpu.memory_space<vmem>> -> memref<80xi32, #tpu.memory_space<vmem>>
        %dma_wait3A_138 = arith.constant 0 : i32
        %dma_wait3A_139 = arith.constant 0 : i32
        %dma_wait3A_140 = tpu.memref_slice %arg2[%dma_wait3A_138, %dma_wait3A_139] : memref<10000x64xf32, #tpu.memory_space<hbm>> -> memref<10000x64xf32, #tpu.memory_space<hbm>>
        %dma_wait3A_141 = tpu.memref_slice %arg14[%dma_wait3A_136] : memref<5x!tpu.dma_semaphore, #tpu.memory_space<semaphore_mem>> -> memref<1x!tpu.dma_semaphore, #tpu.memory_space<semaphore_mem>>
        %dma_wait3A_142 = tpu.memref_squeeze %dma_wait3A_141 : memref<1x!tpu.dma_semaphore, #tpu.memory_space<semaphore_mem>> -> memref<!tpu.dma_semaphore, #tpu.memory_space<semaphore_mem>>
        tpu.wait_indirect_dma semaphore(%dma_wait3A_142 : memref<!tpu.dma_semaphore, #tpu.memory_space<semaphore_mem>>) src(%dma_wait3A_140 : memref<10000x64xf32, #tpu.memory_space<hbm>>) dst(%arg10 : memref<80x64xf32, #tpu.memory_space<vmem>>)
        %mul3A_143 = arith.constant 80 : i32
        %mul3A_144 = arith.muli %add3A_133, %mul3A_143 : i32
        "tpu.region"() ({
          %run_scoped3A_234 = tpu.sem_alloc : memref<!tpu.dma_semaphore, #tpu.memory_space<semaphore_mem>>
          %dma_start3A_235 = tpu.memref_slice %arg8[%mul3A_144] : memref<20000xi32, #tpu.memory_space<vmem>> -> memref<80xi32, #tpu.memory_space<vmem>>
          %dma_start3A_236 = arith.constant 0 : i32
          %dma_start3A_237 = arith.constant 0 : i32
          %dma_start3A_238 = tpu.memref_slice %arg15[%dma_start3A_236, %dma_start3A_237] : memref<10000x64xf32, #tpu.memory_space<vmem_shared>> -> memref<10000x64xf32, #tpu.memory_space<vmem_shared>>
          tpu.enqueue_indirect_dma source(%arg10 : memref<80x64xf32, #tpu.memory_space<vmem>>) target(%dma_start3A_238 : memref<10000x64xf32, #tpu.memory_space<vmem_shared>>) offsets(%dma_start3A_235 : memref<80xi32, #tpu.memory_space<vmem>>) semaphore(%run_scoped3A_234 : memref<!tpu.dma_semaphore, #tpu.memory_space<semaphore_mem>>) {add = true}
          %dma_wait3A_239 = tpu.memref_slice %arg8[%mul3A_144] : memref<20000xi32, #tpu.memory_space<vmem>> -> memref<80xi32, #tpu.memory_space<vmem>>
          %dma_wait3A_240 = arith.constant 0 : i32
          %dma_wait3A_241 = arith.constant 0 : i32
          %dma_wait3A_242 = tpu.memref_slice %arg15[%dma_wait3A_240, %dma_wait3A_241] : memref<10000x64xf32, #tpu.memory_space<vmem_shared>> -> memref<10000x64xf32, #tpu.memory_space<vmem_shared>>
          tpu.wait_indirect_dma semaphore(%run_scoped3A_234 : memref<!tpu.dma_semaphore, #tpu.memory_space<semaphore_mem>>) src(%arg10 : memref<80x64xf32, #tpu.memory_space<vmem>>) dst(%dma_wait3A_242 : memref<10000x64xf32, #tpu.memory_space<vmem_shared>>)
          tpu.yield
        }) : () -> ()
        %add3A_145 = arith.constant 5 : i32
        %add3A_146 = arith.addi %add3A_133, %add3A_145 : i32
        %mul3A_147 = arith.constant 80 : i32
        %mul3A_148 = arith.muli %add3A_146, %mul3A_147 : i32
        %dma_start3A_149 = arith.constant 1 : i32
        %dma_start3A_150 = tpu.memref_slice %arg7[%mul3A_148] : memref<20000xi32, #tpu.memory_space<vmem>> -> memref<80xi32, #tpu.memory_space<vmem>>
        %dma_start3A_151 = arith.constant 0 : i32
        %dma_start3A_152 = arith.constant 0 : i32
        %dma_start3A_153 = tpu.memref_slice %arg2[%dma_start3A_151, %dma_start3A_152] : memref<10000x64xf32, #tpu.memory_space<hbm>> -> memref<10000x64xf32, #tpu.memory_space<hbm>>
        %dma_start3A_154 = tpu.memref_slice %arg14[%dma_start3A_149] : memref<5x!tpu.dma_semaphore, #tpu.memory_space<semaphore_mem>> -> memref<1x!tpu.dma_semaphore, #tpu.memory_space<semaphore_mem>>
        %dma_start3A_155 = tpu.memref_squeeze %dma_start3A_154 : memref<1x!tpu.dma_semaphore, #tpu.memory_space<semaphore_mem>> -> memref<!tpu.dma_semaphore, #tpu.memory_space<semaphore_mem>>
        tpu.enqueue_indirect_dma source(%dma_start3A_153 : memref<10000x64xf32, #tpu.memory_space<hbm>>) target(%arg10 : memref<80x64xf32, #tpu.memory_space<vmem>>) offsets(%dma_start3A_150 : memref<80xi32, #tpu.memory_space<vmem>>) semaphore(%dma_start3A_155 : memref<!tpu.dma_semaphore, #tpu.memory_space<semaphore_mem>>)
        %mul3A_156 = arith.constant 5 : i32
        %mul3A_157 = arith.muli %add3A_103, %mul3A_156 : i32
        %add3A_158 = arith.constant 2 : i32
        %add3A_159 = arith.addi %mul3A_157, %add3A_158 : i32
        %mul3A_160 = arith.constant 80 : i32
        %mul3A_161 = arith.muli %add3A_159, %mul3A_160 : i32
        %dma_wait3A_162 = arith.constant 2 : i32
        %dma_wait3A_163 = tpu.memref_slice %arg7[%mul3A_161] : memref<20000xi32, #tpu.memory_space<vmem>> -> memref<80xi32, #tpu.memory_space<vmem>>
        %dma_wait3A_164 = arith.constant 0 : i32
        %dma_wait3A_165 = arith.constant 0 : i32
        %dma_wait3A_166 = tpu.memref_slice %arg2[%dma_wait3A_164, %dma_wait3A_165] : memref<10000x64xf32, #tpu.memory_space<hbm>> -> memref<10000x64xf32, #tpu.memory_space<hbm>>
        %dma_wait3A_167 = tpu.memref_slice %arg14[%dma_wait3A_162] : memref<5x!tpu.dma_semaphore, #tpu.memory_space<semaphore_mem>> -> memref<1x!tpu.dma_semaphore, #tpu.memory_space<semaphore_mem>>
        %dma_wait3A_168 = tpu.memref_squeeze %dma_wait3A_167 : memref<1x!tpu.dma_semaphore, #tpu.memory_space<semaphore_mem>> -> memref<!tpu.dma_semaphore, #tpu.memory_space<semaphore_mem>>
        tpu.wait_indirect_dma semaphore(%dma_wait3A_168 : memref<!tpu.dma_semaphore, #tpu.memory_space<semaphore_mem>>) src(%dma_wait3A_166 : memref<10000x64xf32, #tpu.memory_space<hbm>>) dst(%arg11 : memref<80x64xf32, #tpu.memory_space<vmem>>)
        %mul3A_169 = arith.constant 80 : i32
        %mul3A_170 = arith.muli %add3A_159, %mul3A_169 : i32
        "tpu.region"() ({
          %run_scoped3A_234 = tpu.sem_alloc : memref<!tpu.dma_semaphore, #tpu.memory_space<semaphore_mem>>
          %dma_start3A_235 = tpu.memref_slice %arg8[%mul3A_170] : memref<20000xi32, #tpu.memory_space<vmem>> -> memref<80xi32, #tpu.memory_space<vmem>>
          %dma_start3A_236 = arith.constant 0 : i32
          %dma_start3A_237 = arith.constant 0 : i32
          %dma_start3A_238 = tpu.memref_slice %arg15[%dma_start3A_236, %dma_start3A_237] : memref<10000x64xf32, #tpu.memory_space<vmem_shared>> -> memref<10000x64xf32, #tpu.memory_space<vmem_shared>>
          tpu.enqueue_indirect_dma source(%arg11 : memref<80x64xf32, #tpu.memory_space<vmem>>) target(%dma_start3A_238 : memref<10000x64xf32, #tpu.memory_space<vmem_shared>>) offsets(%dma_start3A_235 : memref<80xi32, #tpu.memory_space<vmem>>) semaphore(%run_scoped3A_234 : memref<!tpu.dma_semaphore, #tpu.memory_space<semaphore_mem>>) {add = true}
          %dma_wait3A_239 = tpu.memref_slice %arg8[%mul3A_170] : memref<20000xi32, #tpu.memory_space<vmem>> -> memref<80xi32, #tpu.memory_space<vmem>>
          %dma_wait3A_240 = arith.constant 0 : i32
          %dma_wait3A_241 = arith.constant 0 : i32
          %dma_wait3A_242 = tpu.memref_slice %arg15[%dma_wait3A_240, %dma_wait3A_241] : memref<10000x64xf32, #tpu.memory_space<vmem_shared>> -> memref<10000x64xf32, #tpu.memory_space<vmem_shared>>
          tpu.wait_indirect_dma semaphore(%run_scoped3A_234 : memref<!tpu.dma_semaphore, #tpu.memory_space<semaphore_mem>>) src(%arg11 : memref<80x64xf32, #tpu.memory_space<vmem>>) dst(%dma_wait3A_242 : memref<10000x64xf32, #tpu.memory_space<vmem_shared>>)
          tpu.yield
        }) : () -> ()
        %add3A_171 = arith.constant 5 : i32
        %add3A_172 = arith.addi %add3A_159, %add3A_171 : i32
        %mul3A_173 = arith.constant 80 : i32
        %mul3A_174 = arith.muli %add3A_172, %mul3A_173 : i32
        %dma_start3A_175 = arith.constant 2 : i32
        %dma_start3A_176 = tpu.memref_slice %arg7[%mul3A_174] : memref<20000xi32, #tpu.memory_space<vmem>> -> memref<80xi32, #tpu.memory_space<vmem>>
        %dma_start3A_177 = arith.constant 0 : i32
        %dma_start3A_178 = arith.constant 0 : i32
        %dma_start3A_179 = tpu.memref_slice %arg2[%dma_start3A_177, %dma_start3A_178] : memref<10000x64xf32, #tpu.memory_space<hbm>> -> memref<10000x64xf32, #tpu.memory_space<hbm>>
        %dma_start3A_180 = tpu.memref_slice %arg14[%dma_start3A_175] : memref<5x!tpu.dma_semaphore, #tpu.memory_space<semaphore_mem>> -> memref<1x!tpu.dma_semaphore, #tpu.memory_space<semaphore_mem>>
        %dma_start3A_181 = tpu.memref_squeeze %dma_start3A_180 : memref<1x!tpu.dma_semaphore, #tpu.memory_space<semaphore_mem>> -> memref<!tpu.dma_semaphore, #tpu.memory_space<semaphore_mem>>
        tpu.enqueue_indirect_dma source(%dma_start3A_179 : memref<10000x64xf32, #tpu.memory_space<hbm>>) target(%arg11 : memref<80x64xf32, #tpu.memory_space<vmem>>) offsets(%dma_start3A_176 : memref<80xi32, #tpu.memory_space<vmem>>) semaphore(%dma_start3A_181 : memref<!tpu.dma_semaphore, #tpu.memory_space<semaphore_mem>>)
        %mul3A_182 = arith.constant 5 : i32
        %mul3A_183 = arith.muli %add3A_103, %mul3A_182 : i32
        %add3A_184 = arith.constant 3 : i32
        %add3A_185 = arith.addi %mul3A_183, %add3A_184 : i32
        %mul3A_186 = arith.constant 80 : i32
        %mul3A_187 = arith.muli %add3A_185, %mul3A_186 : i32
        %dma_wait3A_188 = arith.constant 3 : i32
        %dma_wait3A_189 = tpu.memref_slice %arg7[%mul3A_187] : memref<20000xi32, #tpu.memory_space<vmem>> -> memref<80xi32, #tpu.memory_space<vmem>>
        %dma_wait3A_190 = arith.constant 0 : i32
        %dma_wait3A_191 = arith.constant 0 : i32
        %dma_wait3A_192 = tpu.memref_slice %arg2[%dma_wait3A_190, %dma_wait3A_191] : memref<10000x64xf32, #tpu.memory_space<hbm>> -> memref<10000x64xf32, #tpu.memory_space<hbm>>
        %dma_wait3A_193 = tpu.memref_slice %arg14[%dma_wait3A_188] : memref<5x!tpu.dma_semaphore, #tpu.memory_space<semaphore_mem>> -> memref<1x!tpu.dma_semaphore, #tpu.memory_space<semaphore_mem>>
        %dma_wait3A_194 = tpu.memref_squeeze %dma_wait3A_193 : memref<1x!tpu.dma_semaphore, #tpu.memory_space<semaphore_mem>> -> memref<!tpu.dma_semaphore, #tpu.memory_space<semaphore_mem>>
        tpu.wait_indirect_dma semaphore(%dma_wait3A_194 : memref<!tpu.dma_semaphore, #tpu.memory_space<semaphore_mem>>) src(%dma_wait3A_192 : memref<10000x64xf32, #tpu.memory_space<hbm>>) dst(%arg12 : memref<80x64xf32, #tpu.memory_space<vmem>>)
        %mul3A_195 = arith.constant 80 : i32
        %mul3A_196 = arith.muli %add3A_185, %mul3A_195 : i32
        "tpu.region"() ({
          %run_scoped3A_234 = tpu.sem_alloc : memref<!tpu.dma_semaphore, #tpu.memory_space<semaphore_mem>>
          %dma_start3A_235 = tpu.memref_slice %arg8[%mul3A_196] : memref<20000xi32, #tpu.memory_space<vmem>> -> memref<80xi32, #tpu.memory_space<vmem>>
          %dma_start3A_236 = arith.constant 0 : i32
          %dma_start3A_237 = arith.constant 0 : i32
          %dma_start3A_238 = tpu.memref_slice %arg15[%dma_start3A_236, %dma_start3A_237] : memref<10000x64xf32, #tpu.memory_space<vmem_shared>> -> memref<10000x64xf32, #tpu.memory_space<vmem_shared>>
          tpu.enqueue_indirect_dma source(%arg12 : memref<80x64xf32, #tpu.memory_space<vmem>>) target(%dma_start3A_238 : memref<10000x64xf32, #tpu.memory_space<vmem_shared>>) offsets(%dma_start3A_235 : memref<80xi32, #tpu.memory_space<vmem>>) semaphore(%run_scoped3A_234 : memref<!tpu.dma_semaphore, #tpu.memory_space<semaphore_mem>>) {add = true}
          %dma_wait3A_239 = tpu.memref_slice %arg8[%mul3A_196] : memref<20000xi32, #tpu.memory_space<vmem>> -> memref<80xi32, #tpu.memory_space<vmem>>
          %dma_wait3A_240 = arith.constant 0 : i32
          %dma_wait3A_241 = arith.constant 0 : i32
          %dma_wait3A_242 = tpu.memref_slice %arg15[%dma_wait3A_240, %dma_wait3A_241] : memref<10000x64xf32, #tpu.memory_space<vmem_shared>> -> memref<10000x64xf32, #tpu.memory_space<vmem_shared>>
          tpu.wait_indirect_dma semaphore(%run_scoped3A_234 : memref<!tpu.dma_semaphore, #tpu.memory_space<semaphore_mem>>) src(%arg12 : memref<80x64xf32, #tpu.memory_space<vmem>>) dst(%dma_wait3A_242 : memref<10000x64xf32, #tpu.memory_space<vmem_shared>>)
          tpu.yield
        }) : () -> ()
        %add3A_197 = arith.constant 5 : i32
        %add3A_198 = arith.addi %add3A_185, %add3A_197 : i32
        %mul3A_199 = arith.constant 80 : i32
        %mul3A_200 = arith.muli %add3A_198, %mul3A_199 : i32
        %dma_start3A_201 = arith.constant 3 : i32
        %dma_start3A_202 = tpu.memref_slice %arg7[%mul3A_200] : memref<20000xi32, #tpu.memory_space<vmem>> -> memref<80xi32, #tpu.memory_space<vmem>>
        %dma_start3A_203 = arith.constant 0 : i32
        %dma_start3A_204 = arith.constant 0 : i32
        %dma_start3A_205 = tpu.memref_slice %arg2[%dma_start3A_203, %dma_start3A_204] : memref<10000x64xf32, #tpu.memory_space<hbm>> -> memref<10000x64xf32, #tpu.memory_space<hbm>>
        %dma_start3A_206 = tpu.memref_slice %arg14[%dma_start3A_201] : memref<5x!tpu.dma_semaphore, #tpu.memory_space<semaphore_mem>> -> memref<1x!tpu.dma_semaphore, #tpu.memory_space<semaphore_mem>>
        %dma_start3A_207 = tpu.memref_squeeze %dma_start3A_206 : memref<1x!tpu.dma_semaphore, #tpu.memory_space<semaphore_mem>> -> memref<!tpu.dma_semaphore, #tpu.memory_space<semaphore_mem>>
        tpu.enqueue_indirect_dma source(%dma_start3A_205 : memref<10000x64xf32, #tpu.memory_space<hbm>>) target(%arg12 : memref<80x64xf32, #tpu.memory_space<vmem>>) offsets(%dma_start3A_202 : memref<80xi32, #tpu.memory_space<vmem>>) semaphore(%dma_start3A_207 : memref<!tpu.dma_semaphore, #tpu.memory_space<semaphore_mem>>)
        %mul3A_208 = arith.constant 5 : i32
        %mul3A_209 = arith.muli %add3A_103, %mul3A_208 : i32
        %add3A_210 = arith.constant 4 : i32
        %add3A_211 = arith.addi %mul3A_209, %add3A_210 : i32
        %mul3A_212 = arith.constant 80 : i32
        %mul3A_213 = arith.muli %add3A_211, %mul3A_212 : i32
        %dma_wait3A_214 = arith.constant 4 : i32
        %dma_wait3A_215 = tpu.memref_slice %arg7[%mul3A_213] : memref<20000xi32, #tpu.memory_space<vmem>> -> memref<80xi32, #tpu.memory_space<vmem>>
        %dma_wait3A_216 = arith.constant 0 : i32
        %dma_wait3A_217 = arith.constant 0 : i32
        %dma_wait3A_218 = tpu.memref_slice %arg2[%dma_wait3A_216, %dma_wait3A_217] : memref<10000x64xf32, #tpu.memory_space<hbm>> -> memref<10000x64xf32, #tpu.memory_space<hbm>>
        %dma_wait3A_219 = tpu.memref_slice %arg14[%dma_wait3A_214] : memref<5x!tpu.dma_semaphore, #tpu.memory_space<semaphore_mem>> -> memref<1x!tpu.dma_semaphore, #tpu.memory_space<semaphore_mem>>
        %dma_wait3A_220 = tpu.memref_squeeze %dma_wait3A_219 : memref<1x!tpu.dma_semaphore, #tpu.memory_space<semaphore_mem>> -> memref<!tpu.dma_semaphore, #tpu.memory_space<semaphore_mem>>
        tpu.wait_indirect_dma semaphore(%dma_wait3A_220 : memref<!tpu.dma_semaphore, #tpu.memory_space<semaphore_mem>>) src(%dma_wait3A_218 : memref<10000x64xf32, #tpu.memory_space<hbm>>) dst(%arg13 : memref<80x64xf32, #tpu.memory_space<vmem>>)
        %mul3A_221 = arith.constant 80 : i32
        %mul3A_222 = arith.muli %add3A_211, %mul3A_221 : i32
        "tpu.region"() ({
          %run_scoped3A_234 = tpu.sem_alloc : memref<!tpu.dma_semaphore, #tpu.memory_space<semaphore_mem>>
          %dma_start3A_235 = tpu.memref_slice %arg8[%mul3A_222] : memref<20000xi32, #tpu.memory_space<vmem>> -> memref<80xi32, #tpu.memory_space<vmem>>
          %dma_start3A_236 = arith.constant 0 : i32
          %dma_start3A_237 = arith.constant 0 : i32
          %dma_start3A_238 = tpu.memref_slice %arg15[%dma_start3A_236, %dma_start3A_237] : memref<10000x64xf32, #tpu.memory_space<vmem_shared>> -> memref<10000x64xf32, #tpu.memory_space<vmem_shared>>
          tpu.enqueue_indirect_dma source(%arg13 : memref<80x64xf32, #tpu.memory_space<vmem>>) target(%dma_start3A_238 : memref<10000x64xf32, #tpu.memory_space<vmem_shared>>) offsets(%dma_start3A_235 : memref<80xi32, #tpu.memory_space<vmem>>) semaphore(%run_scoped3A_234 : memref<!tpu.dma_semaphore, #tpu.memory_space<semaphore_mem>>) {add = true}
          %dma_wait3A_239 = tpu.memref_slice %arg8[%mul3A_222] : memref<20000xi32, #tpu.memory_space<vmem>> -> memref<80xi32, #tpu.memory_space<vmem>>
          %dma_wait3A_240 = arith.constant 0 : i32
          %dma_wait3A_241 = arith.constant 0 : i32
          %dma_wait3A_242 = tpu.memref_slice %arg15[%dma_wait3A_240, %dma_wait3A_241] : memref<10000x64xf32, #tpu.memory_space<vmem_shared>> -> memref<10000x64xf32, #tpu.memory_space<vmem_shared>>
          tpu.wait_indirect_dma semaphore(%run_scoped3A_234 : memref<!tpu.dma_semaphore, #tpu.memory_space<semaphore_mem>>) src(%arg13 : memref<80x64xf32, #tpu.memory_space<vmem>>) dst(%dma_wait3A_242 : memref<10000x64xf32, #tpu.memory_space<vmem_shared>>)
          tpu.yield
        }) : () -> ()
        %add3A_223 = arith.constant 5 : i32
        %add3A_224 = arith.addi %add3A_211, %add3A_223 : i32
        %mul3A_225 = arith.constant 80 : i32
        %mul3A_226 = arith.muli %add3A_224, %mul3A_225 : i32
        %dma_start3A_227 = arith.constant 4 : i32
        %dma_start3A_228 = tpu.memref_slice %arg7[%mul3A_226] : memref<20000xi32, #tpu.memory_space<vmem>> -> memref<80xi32, #tpu.memory_space<vmem>>
        %dma_start3A_229 = arith.constant 0 : i32
        %dma_start3A_230 = arith.constant 0 : i32
        %dma_start3A_231 = tpu.memref_slice %arg2[%dma_start3A_229, %dma_start3A_230] : memref<10000x64xf32, #tpu.memory_space<hbm>> -> memref<10000x64xf32, #tpu.memory_space<hbm>>
        %dma_start3A_232 = tpu.memref_slice %arg14[%dma_start3A_227] : memref<5x!tpu.dma_semaphore, #tpu.memory_space<semaphore_mem>> -> memref<1x!tpu.dma_semaphore, #tpu.memory_space<semaphore_mem>>
        %dma_start3A_233 = tpu.memref_squeeze %dma_start3A_232 : memref<1x!tpu.dma_semaphore, #tpu.memory_space<semaphore_mem>> -> memref<!tpu.dma_semaphore, #tpu.memory_space<semaphore_mem>>
        tpu.enqueue_indirect_dma source(%dma_start3A_231 : memref<10000x64xf32, #tpu.memory_space<hbm>>) target(%arg13 : memref<80x64xf32, #tpu.memory_space<vmem>>) offsets(%dma_start3A_228 : memref<80xi32, #tpu.memory_space<vmem>>) semaphore(%dma_start3A_233 : memref<!tpu.dma_semaphore, #tpu.memory_space<semaphore_mem>>)
      }
      %scan3A_55 = arith.constant 49 : i32
      %dma_wait3A = arith.constant 0 : i32
      %dma_wait3A_56 = arith.constant 19600 : i32
      %dma_wait3A_57 = tpu.memref_slice %arg7[%dma_wait3A_56] : memref<20000xi32, #tpu.memory_space<vmem>> -> memref<80xi32, #tpu.memory_space<vmem>>
      %dma_wait3A_58 = arith.constant 0 : i32
      %dma_wait3A_59 = arith.constant 0 : i32
      %dma_wait3A_60 = tpu.memref_slice %arg2[%dma_wait3A_58, %dma_wait3A_59] : memref<10000x64xf32, #tpu.memory_space<hbm>> -> memref<10000x64xf32, #tpu.memory_space<hbm>>
      %dma_wait3A_61 = tpu.memref_slice %arg14[%dma_wait3A] : memref<5x!tpu.dma_semaphore, #tpu.memory_space<semaphore_mem>> -> memref<1x!tpu.dma_semaphore, #tpu.memory_space<semaphore_mem>>
      %dma_wait3A_62 = tpu.memref_squeeze %dma_wait3A_61 : memref<1x!tpu.dma_semaphore, #tpu.memory_space<semaphore_mem>> -> memref<!tpu.dma_semaphore, #tpu.memory_space<semaphore_mem>>
      tpu.wait_indirect_dma semaphore(%dma_wait3A_62 : memref<!tpu.dma_semaphore, #tpu.memory_space<semaphore_mem>>) src(%dma_wait3A_60 : memref<10000x64xf32, #tpu.memory_space<hbm>>) dst(%arg9 : memref<80x64xf32, #tpu.memory_space<vmem>>)
      "tpu.region"() ({
        %run_scoped3A_100 = tpu.sem_alloc : memref<!tpu.dma_semaphore, #tpu.memory_space<semaphore_mem>>
        %dma_start3A_101 = arith.constant 19600 : i32
        %dma_start3A_102 = tpu.memref_slice %arg8[%dma_start3A_101] : memref<20000xi32, #tpu.memory_space<vmem>> -> memref<80xi32, #tpu.memory_space<vmem>>
        %dma_start3A_103 = arith.constant 0 : i32
        %dma_start3A_104 = arith.constant 0 : i32
        %dma_start3A_105 = tpu.memref_slice %arg15[%dma_start3A_103, %dma_start3A_104] : memref<10000x64xf32, #tpu.memory_space<vmem_shared>> -> memref<10000x64xf32, #tpu.memory_space<vmem_shared>>
        tpu.enqueue_indirect_dma source(%arg9 : memref<80x64xf32, #tpu.memory_space<vmem>>) target(%dma_start3A_105 : memref<10000x64xf32, #tpu.memory_space<vmem_shared>>) offsets(%dma_start3A_102 : memref<80xi32, #tpu.memory_space<vmem>>) semaphore(%run_scoped3A_100 : memref<!tpu.dma_semaphore, #tpu.memory_space<semaphore_mem>>) {add = true}
        %dma_wait3A_106 = arith.constant 19600 : i32
        %dma_wait3A_107 = tpu.memref_slice %arg8[%dma_wait3A_106] : memref<20000xi32, #tpu.memory_space<vmem>> -> memref<80xi32, #tpu.memory_space<vmem>>
        %dma_wait3A_108 = arith.constant 0 : i32
        %dma_wait3A_109 = arith.constant 0 : i32
        %dma_wait3A_110 = tpu.memref_slice %arg15[%dma_wait3A_108, %dma_wait3A_109] : memref<10000x64xf32, #tpu.memory_space<vmem_shared>> -> memref<10000x64xf32, #tpu.memory_space<vmem_shared>>
        tpu.wait_indirect_dma semaphore(%run_scoped3A_100 : memref<!tpu.dma_semaphore, #tpu.memory_space<semaphore_mem>>) src(%arg9 : memref<80x64xf32, #tpu.memory_space<vmem>>) dst(%dma_wait3A_110 : memref<10000x64xf32, #tpu.memory_space<vmem_shared>>)
        tpu.yield
      }) : () -> ()
      %dma_wait3A_63 = arith.constant 1 : i32
      %dma_wait3A_64 = arith.constant 19680 : i32
      %dma_wait3A_65 = tpu.memref_slice %arg7[%dma_wait3A_64] : memref<20000xi32, #tpu.memory_space<vmem>> -> memref<80xi32, #tpu.memory_space<vmem>>
      %dma_wait3A_66 = arith.constant 0 : i32
      %dma_wait3A_67 = arith.constant 0 : i32
      %dma_wait3A_68 = tpu.memref_slice %arg2[%dma_wait3A_66, %dma_wait3A_67] : memref<10000x64xf32, #tpu.memory_space<hbm>> -> memref<10000x64xf32, #tpu.memory_space<hbm>>
      %dma_wait3A_69 = tpu.memref_slice %arg14[%dma_wait3A_63] : memref<5x!tpu.dma_semaphore, #tpu.memory_space<semaphore_mem>> -> memref<1x!tpu.dma_semaphore, #tpu.memory_space<semaphore_mem>>
      %dma_wait3A_70 = tpu.memref_squeeze %dma_wait3A_69 : memref<1x!tpu.dma_semaphore, #tpu.memory_space<semaphore_mem>> -> memref<!tpu.dma_semaphore, #tpu.memory_space<semaphore_mem>>
      tpu.wait_indirect_dma semaphore(%dma_wait3A_70 : memref<!tpu.dma_semaphore, #tpu.memory_space<semaphore_mem>>) src(%dma_wait3A_68 : memref<10000x64xf32, #tpu.memory_space<hbm>>) dst(%arg10 : memref<80x64xf32, #tpu.memory_space<vmem>>)
      "tpu.region"() ({
        %run_scoped3A_100 = tpu.sem_alloc : memref<!tpu.dma_semaphore, #tpu.memory_space<semaphore_mem>>
        %dma_start3A_101 = arith.constant 19680 : i32
        %dma_start3A_102 = tpu.memref_slice %arg8[%dma_start3A_101] : memref<20000xi32, #tpu.memory_space<vmem>> -> memref<80xi32, #tpu.memory_space<vmem>>
        %dma_start3A_103 = arith.constant 0 : i32
        %dma_start3A_104 = arith.constant 0 : i32
        %dma_start3A_105 = tpu.memref_slice %arg15[%dma_start3A_103, %dma_start3A_104] : memref<10000x64xf32, #tpu.memory_space<vmem_shared>> -> memref<10000x64xf32, #tpu.memory_space<vmem_shared>>
        tpu.enqueue_indirect_dma source(%arg10 : memref<80x64xf32, #tpu.memory_space<vmem>>) target(%dma_start3A_105 : memref<10000x64xf32, #tpu.memory_space<vmem_shared>>) offsets(%dma_start3A_102 : memref<80xi32, #tpu.memory_space<vmem>>) semaphore(%run_scoped3A_100 : memref<!tpu.dma_semaphore, #tpu.memory_space<semaphore_mem>>) {add = true}
        %dma_wait3A_106 = arith.constant 19680 : i32
        %dma_wait3A_107 = tpu.memref_slice %arg8[%dma_wait3A_106] : memref<20000xi32, #tpu.memory_space<vmem>> -> memref<80xi32, #tpu.memory_space<vmem>>
        %dma_wait3A_108 = arith.constant 0 : i32
        %dma_wait3A_109 = arith.constant 0 : i32
        %dma_wait3A_110 = tpu.memref_slice %arg15[%dma_wait3A_108, %dma_wait3A_109] : memref<10000x64xf32, #tpu.memory_space<vmem_shared>> -> memref<10000x64xf32, #tpu.memory_space<vmem_shared>>
        tpu.wait_indirect_dma semaphore(%run_scoped3A_100 : memref<!tpu.dma_semaphore, #tpu.memory_space<semaphore_mem>>) src(%arg10 : memref<80x64xf32, #tpu.memory_space<vmem>>) dst(%dma_wait3A_110 : memref<10000x64xf32, #tpu.memory_space<vmem_shared>>)
        tpu.yield
      }) : () -> ()
      %dma_wait3A_71 = arith.constant 2 : i32
      %dma_wait3A_72 = arith.constant 19760 : i32
      %dma_wait3A_73 = tpu.memref_slice %arg7[%dma_wait3A_72] : memref<20000xi32, #tpu.memory_space<vmem>> -> memref<80xi32, #tpu.memory_space<vmem>>
      %dma_wait3A_74 = arith.constant 0 : i32
      %dma_wait3A_75 = arith.constant 0 : i32
      %dma_wait3A_76 = tpu.memref_slice %arg2[%dma_wait3A_74, %dma_wait3A_75] : memref<10000x64xf32, #tpu.memory_space<hbm>> -> memref<10000x64xf32, #tpu.memory_space<hbm>>
      %dma_wait3A_77 = tpu.memref_slice %arg14[%dma_wait3A_71] : memref<5x!tpu.dma_semaphore, #tpu.memory_space<semaphore_mem>> -> memref<1x!tpu.dma_semaphore, #tpu.memory_space<semaphore_mem>>
      %dma_wait3A_78 = tpu.memref_squeeze %dma_wait3A_77 : memref<1x!tpu.dma_semaphore, #tpu.memory_space<semaphore_mem>> -> memref<!tpu.dma_semaphore, #tpu.memory_space<semaphore_mem>>
      tpu.wait_indirect_dma semaphore(%dma_wait3A_78 : memref<!tpu.dma_semaphore, #tpu.memory_space<semaphore_mem>>) src(%dma_wait3A_76 : memref<10000x64xf32, #tpu.memory_space<hbm>>) dst(%arg11 : memref<80x64xf32, #tpu.memory_space<vmem>>)
      "tpu.region"() ({
        %run_scoped3A_100 = tpu.sem_alloc : memref<!tpu.dma_semaphore, #tpu.memory_space<semaphore_mem>>
        %dma_start3A_101 = arith.constant 19760 : i32
        %dma_start3A_102 = tpu.memref_slice %arg8[%dma_start3A_101] : memref<20000xi32, #tpu.memory_space<vmem>> -> memref<80xi32, #tpu.memory_space<vmem>>
        %dma_start3A_103 = arith.constant 0 : i32
        %dma_start3A_104 = arith.constant 0 : i32
        %dma_start3A_105 = tpu.memref_slice %arg15[%dma_start3A_103, %dma_start3A_104] : memref<10000x64xf32, #tpu.memory_space<vmem_shared>> -> memref<10000x64xf32, #tpu.memory_space<vmem_shared>>
        tpu.enqueue_indirect_dma source(%arg11 : memref<80x64xf32, #tpu.memory_space<vmem>>) target(%dma_start3A_105 : memref<10000x64xf32, #tpu.memory_space<vmem_shared>>) offsets(%dma_start3A_102 : memref<80xi32, #tpu.memory_space<vmem>>) semaphore(%run_scoped3A_100 : memref<!tpu.dma_semaphore, #tpu.memory_space<semaphore_mem>>) {add = true}
        %dma_wait3A_106 = arith.constant 19760 : i32
        %dma_wait3A_107 = tpu.memref_slice %arg8[%dma_wait3A_106] : memref<20000xi32, #tpu.memory_space<vmem>> -> memref<80xi32, #tpu.memory_space<vmem>>
        %dma_wait3A_108 = arith.constant 0 : i32
        %dma_wait3A_109 = arith.constant 0 : i32
        %dma_wait3A_110 = tpu.memref_slice %arg15[%dma_wait3A_108, %dma_wait3A_109] : memref<10000x64xf32, #tpu.memory_space<vmem_shared>> -> memref<10000x64xf32, #tpu.memory_space<vmem_shared>>
        tpu.wait_indirect_dma semaphore(%run_scoped3A_100 : memref<!tpu.dma_semaphore, #tpu.memory_space<semaphore_mem>>) src(%arg11 : memref<80x64xf32, #tpu.memory_space<vmem>>) dst(%dma_wait3A_110 : memref<10000x64xf32, #tpu.memory_space<vmem_shared>>)
        tpu.yield
      }) : () -> ()
      %dma_wait3A_79 = arith.constant 3 : i32
      %dma_wait3A_80 = arith.constant 19840 : i32
      %dma_wait3A_81 = tpu.memref_slice %arg7[%dma_wait3A_80] : memref<20000xi32, #tpu.memory_space<vmem>> -> memref<80xi32, #tpu.memory_space<vmem>>
      %dma_wait3A_82 = arith.constant 0 : i32
      %dma_wait3A_83 = arith.constant 0 : i32
      %dma_wait3A_84 = tpu.memref_slice %arg2[%dma_wait3A_82, %dma_wait3A_83] : memref<10000x64xf32, #tpu.memory_space<hbm>> -> memref<10000x64xf32, #tpu.memory_space<hbm>>
      %dma_wait3A_85 = tpu.memref_slice %arg14[%dma_wait3A_79] : memref<5x!tpu.dma_semaphore, #tpu.memory_space<semaphore_mem>> -> memref<1x!tpu.dma_semaphore, #tpu.memory_space<semaphore_mem>>
      %dma_wait3A_86 = tpu.memref_squeeze %dma_wait3A_85 : memref<1x!tpu.dma_semaphore, #tpu.memory_space<semaphore_mem>> -> memref<!tpu.dma_semaphore, #tpu.memory_space<semaphore_mem>>
      tpu.wait_indirect_dma semaphore(%dma_wait3A_86 : memref<!tpu.dma_semaphore, #tpu.memory_space<semaphore_mem>>) src(%dma_wait3A_84 : memref<10000x64xf32, #tpu.memory_space<hbm>>) dst(%arg12 : memref<80x64xf32, #tpu.memory_space<vmem>>)
      "tpu.region"() ({
        %run_scoped3A_100 = tpu.sem_alloc : memref<!tpu.dma_semaphore, #tpu.memory_space<semaphore_mem>>
        %dma_start3A_101 = arith.constant 19840 : i32
        %dma_start3A_102 = tpu.memref_slice %arg8[%dma_start3A_101] : memref<20000xi32, #tpu.memory_space<vmem>> -> memref<80xi32, #tpu.memory_space<vmem>>
        %dma_start3A_103 = arith.constant 0 : i32
        %dma_start3A_104 = arith.constant 0 : i32
        %dma_start3A_105 = tpu.memref_slice %arg15[%dma_start3A_103, %dma_start3A_104] : memref<10000x64xf32, #tpu.memory_space<vmem_shared>> -> memref<10000x64xf32, #tpu.memory_space<vmem_shared>>
        tpu.enqueue_indirect_dma source(%arg12 : memref<80x64xf32, #tpu.memory_space<vmem>>) target(%dma_start3A_105 : memref<10000x64xf32, #tpu.memory_space<vmem_shared>>) offsets(%dma_start3A_102 : memref<80xi32, #tpu.memory_space<vmem>>) semaphore(%run_scoped3A_100 : memref<!tpu.dma_semaphore, #tpu.memory_space<semaphore_mem>>) {add = true}
        %dma_wait3A_106 = arith.constant 19840 : i32
        %dma_wait3A_107 = tpu.memref_slice %arg8[%dma_wait3A_106] : memref<20000xi32, #tpu.memory_space<vmem>> -> memref<80xi32, #tpu.memory_space<vmem>>
        %dma_wait3A_108 = arith.constant 0 : i32
        %dma_wait3A_109 = arith.constant 0 : i32
        %dma_wait3A_110 = tpu.memref_slice %arg15[%dma_wait3A_108, %dma_wait3A_109] : memref<10000x64xf32, #tpu.memory_space<vmem_shared>> -> memref<10000x64xf32, #tpu.memory_space<vmem_shared>>
        tpu.wait_indirect_dma semaphore(%run_scoped3A_100 : memref<!tpu.dma_semaphore, #tpu.memory_space<semaphore_mem>>) src(%arg12 : memref<80x64xf32, #tpu.memory_space<vmem>>) dst(%dma_wait3A_110 : memref<10000x64xf32, #tpu.memory_space<vmem_shared>>)
        tpu.yield
      }) : () -> ()
      %dma_wait3A_87 = arith.constant 4 : i32
      %dma_wait3A_88 = arith.constant 19920 : i32
      %dma_wait3A_89 = tpu.memref_slice %arg7[%dma_wait3A_88] : memref<20000xi32, #tpu.memory_space<vmem>> -> memref<80xi32, #tpu.memory_space<vmem>>
      %dma_wait3A_90 = arith.constant 0 : i32
      %dma_wait3A_91 = arith.constant 0 : i32
      %dma_wait3A_92 = tpu.memref_slice %arg2[%dma_wait3A_90, %dma_wait3A_91] : memref<10000x64xf32, #tpu.memory_space<hbm>> -> memref<10000x64xf32, #tpu.memory_space<hbm>>
      %dma_wait3A_93 = tpu.memref_slice %arg14[%dma_wait3A_87] : memref<5x!tpu.dma_semaphore, #tpu.memory_space<semaphore_mem>> -> memref<1x!tpu.dma_semaphore, #tpu.memory_space<semaphore_mem>>
      %dma_wait3A_94 = tpu.memref_squeeze %dma_wait3A_93 : memref<1x!tpu.dma_semaphore, #tpu.memory_space<semaphore_mem>> -> memref<!tpu.dma_semaphore, #tpu.memory_space<semaphore_mem>>
      tpu.wait_indirect_dma semaphore(%dma_wait3A_94 : memref<!tpu.dma_semaphore, #tpu.memory_space<semaphore_mem>>) src(%dma_wait3A_92 : memref<10000x64xf32, #tpu.memory_space<hbm>>) dst(%arg13 : memref<80x64xf32, #tpu.memory_space<vmem>>)
      "tpu.region"() ({
        %run_scoped3A_100 = tpu.sem_alloc : memref<!tpu.dma_semaphore, #tpu.memory_space<semaphore_mem>>
        %dma_start3A_101 = arith.constant 19920 : i32
        %dma_start3A_102 = tpu.memref_slice %arg8[%dma_start3A_101] : memref<20000xi32, #tpu.memory_space<vmem>> -> memref<80xi32, #tpu.memory_space<vmem>>
        %dma_start3A_103 = arith.constant 0 : i32
        %dma_start3A_104 = arith.constant 0 : i32
        %dma_start3A_105 = tpu.memref_slice %arg15[%dma_start3A_103, %dma_start3A_104] : memref<10000x64xf32, #tpu.memory_space<vmem_shared>> -> memref<10000x64xf32, #tpu.memory_space<vmem_shared>>
        tpu.enqueue_indirect_dma source(%arg13 : memref<80x64xf32, #tpu.memory_space<vmem>>) target(%dma_start3A_105 : memref<10000x64xf32, #tpu.memory_space<vmem_shared>>) offsets(%dma_start3A_102 : memref<80xi32, #tpu.memory_space<vmem>>) semaphore(%run_scoped3A_100 : memref<!tpu.dma_semaphore, #tpu.memory_space<semaphore_mem>>) {add = true}
        %dma_wait3A_106 = arith.constant 19920 : i32
        %dma_wait3A_107 = tpu.memref_slice %arg8[%dma_wait3A_106] : memref<20000xi32, #tpu.memory_space<vmem>> -> memref<80xi32, #tpu.memory_space<vmem>>
        %dma_wait3A_108 = arith.constant 0 : i32
        %dma_wait3A_109 = arith.constant 0 : i32
        %dma_wait3A_110 = tpu.memref_slice %arg15[%dma_wait3A_108, %dma_wait3A_109] : memref<10000x64xf32, #tpu.memory_space<vmem_shared>> -> memref<10000x64xf32, #tpu.memory_space<vmem_shared>>
        tpu.wait_indirect_dma semaphore(%run_scoped3A_100 : memref<!tpu.dma_semaphore, #tpu.memory_space<semaphore_mem>>) src(%arg13 : memref<80x64xf32, #tpu.memory_space<vmem>>) dst(%dma_wait3A_110 : memref<10000x64xf32, #tpu.memory_space<vmem_shared>>)
        tpu.yield
      }) : () -> ()
      %barrier3A_95 = arith.constant 0 : index
      tpu.barrier barrier_id(%barrier3A_95)
      %mul3A_96 = arith.constant 625 : i32
      %mul3A_97 = arith.muli %arg1, %mul3A_96 : i32
      %mul3A_98 = arith.constant 625 : i32
      %mul3A_99 = arith.muli %arg1, %mul3A_98 : i32
      "tpu.region"() ({
        %run_scoped3A_100 = tpu.sem_alloc : memref<!tpu.dma_semaphore, #tpu.memory_space<semaphore_mem>>
        %dma_start3A_101 = arith.constant 0 : i32
        %dma_start3A_102 = tpu.memref_slice %arg5[%mul3A_99, %dma_start3A_101] : memref<10000x64xf32, #tpu.memory_space<hbm>> -> memref<625x64xf32, #tpu.memory_space<hbm>>
        %dma_start3A_103 = arith.constant 0 : i32
        %dma_start3A_104 = tpu.memref_slice %arg15[%mul3A_97, %dma_start3A_103] : memref<10000x64xf32, #tpu.memory_space<vmem_shared>> -> memref<625x64xf32, #tpu.memory_space<vmem_shared>>
        tpu.enqueue_dma source(%dma_start3A_104 : memref<625x64xf32, #tpu.memory_space<vmem_shared>>) target(%dma_start3A_102 : memref<625x64xf32, #tpu.memory_space<hbm>>) target_semaphore(%run_scoped3A_100 : memref<!tpu.dma_semaphore, #tpu.memory_space<semaphore_mem>>)
        %dma_wait3A_105 = arith.constant 0 : i32
        %dma_wait3A_106 = tpu.memref_slice %arg5[%mul3A_99, %dma_wait3A_105] : memref<10000x64xf32, #tpu.memory_space<hbm>> -> memref<625x64xf32, #tpu.memory_space<hbm>>
        %dma_wait3A_107 = arith.constant 0 : i32
        %dma_wait3A_108 = tpu.memref_slice %arg15[%mul3A_97, %dma_wait3A_107] : memref<10000x64xf32, #tpu.memory_space<vmem_shared>> -> memref<625x64xf32, #tpu.memory_space<vmem_shared>>
        tpu.wait_dma2 semaphore(%run_scoped3A_100 : memref<!tpu.dma_semaphore, #tpu.memory_space<semaphore_mem>>) src(%dma_wait3A_108 : memref<625x64xf32, #tpu.memory_space<vmem_shared>>) dst(%dma_wait3A_106 : memref<625x64xf32, #tpu.memory_space<hbm>>)
        tpu.yield
      }) : () -> ()
    } else {
    }
    %eq3A_2 = arith.constant 1 : i32
    %eq3A_3 = arith.cmpi eq, %arg0, %eq3A_2 : i32
    %convert_element_type3A_4 = arith.extui %eq3A_3 : i1 to i32
    %cond3A_5 = arith.constant 0 : i32
    %cond3A_6 = arith.cmpi ne, %convert_element_type3A_4, %cond3A_5 : i32
    scf.if %cond3A_6 {
      %mul3A = arith.constant 20000 : i32
      %mul3A_7 = arith.muli %arg1, %mul3A : i32
      %mul3A_8 = arith.constant 625 : i32
      %mul3A_9 = arith.muli %arg1, %mul3A_8 : i32
      %mul3A_10 = arith.constant 625 : i32
      %mul3A_11 = arith.muli %arg1, %mul3A_10 : i32
      "tpu.region"() ({
        %run_scoped3A_100 = tpu.sem_alloc : memref<!tpu.dma_semaphore, #tpu.memory_space<semaphore_mem>>
        %dma_start3A_101 = arith.constant 0 : i32
        %dma_start3A_102 = tpu.memref_slice %arg15[%mul3A_11, %dma_start3A_101] : memref<10000x64xf32, #tpu.memory_space<vmem_shared>> -> memref<625x64xf32, #tpu.memory_space<vmem_shared>>
        %dma_start3A_103 = arith.constant 0 : i32
        %dma_start3A_104 = tpu.memref_slice %arg3[%mul3A_9, %dma_start3A_103] : memref<10000x64xf32, #tpu.memory_space<hbm>> -> memref<625x64xf32, #tpu.memory_space<hbm>>
        tpu.enqueue_dma source(%dma_start3A_104 : memref<625x64xf32, #tpu.memory_space<hbm>>) target(%dma_start3A_102 : memref<625x64xf32, #tpu.memory_space<vmem_shared>>) target_semaphore(%run_scoped3A_100 : memref<!tpu.dma_semaphore, #tpu.memory_space<semaphore_mem>>)
        %dma_wait3A_105 = arith.constant 0 : i32
        %dma_wait3A_106 = tpu.memref_slice %arg15[%mul3A_11, %dma_wait3A_105] : memref<10000x64xf32, #tpu.memory_space<vmem_shared>> -> memref<625x64xf32, #tpu.memory_space<vmem_shared>>
        %dma_wait3A_107 = arith.constant 0 : i32
        %dma_wait3A_108 = tpu.memref_slice %arg3[%mul3A_9, %dma_wait3A_107] : memref<10000x64xf32, #tpu.memory_space<hbm>> -> memref<625x64xf32, #tpu.memory_space<hbm>>
        tpu.wait_dma2 semaphore(%run_scoped3A_100 : memref<!tpu.dma_semaphore, #tpu.memory_space<semaphore_mem>>) src(%dma_wait3A_108 : memref<625x64xf32, #tpu.memory_space<hbm>>) dst(%dma_wait3A_106 : memref<625x64xf32, #tpu.memory_space<vmem_shared>>)
        tpu.yield
      }) : () -> ()
      %barrier3A = arith.constant 0 : index
      tpu.barrier barrier_id(%barrier3A)
      %run_scoped3A = arith.constant 0 : i32
      "tpu.region"() ({
        %run_scoped3A_100 = tpu.sem_alloc : memref<!tpu.dma_semaphore, #tpu.memory_space<semaphore_mem>>
        %dma_start3A_101 = tpu.memref_slice %arg4[%run_scoped3A, %mul3A_7] : memref<2x320000xi32, #tpu.memory_space<hbm>> -> memref<1x20000xi32, #tpu.memory_space<hbm>>
        %dma_start3A_102 = tpu.memref_squeeze %dma_start3A_101 : memref<1x20000xi32, #tpu.memory_space<hbm>> -> memref<20000xi32, #tpu.memory_space<hbm>>
        %dma_start3A_103 = tpu.memref_slice %arg4[%run_scoped3A, %mul3A_7] : memref<2x320000xi32, #tpu.memory_space<hbm>> -> memref<1x20000xi32, #tpu.memory_space<hbm>>
        %dma_start3A_104 = tpu.memref_squeeze %dma_start3A_103 : memref<1x20000xi32, #tpu.memory_space<hbm>> -> memref<20000xi32, #tpu.memory_space<hbm>>
        tpu.enqueue_dma source(%dma_start3A_104 : memref<20000xi32, #tpu.memory_space<hbm>>) target(%arg7 : memref<20000xi32, #tpu.memory_space<vmem>>) target_semaphore(%run_scoped3A_100 : memref<!tpu.dma_semaphore, #tpu.memory_space<semaphore_mem>>)
        %dma_wait3A_105 = tpu.memref_slice %arg4[%run_scoped3A, %mul3A_7] : memref<2x320000xi32, #tpu.memory_space<hbm>> -> memref<1x20000xi32, #tpu.memory_space<hbm>>
        %dma_wait3A_106 = tpu.memref_squeeze %dma_wait3A_105 : memref<1x20000xi32, #tpu.memory_space<hbm>> -> memref<20000xi32, #tpu.memory_space<hbm>>
        %dma_wait3A_107 = tpu.memref_slice %arg4[%run_scoped3A, %mul3A_7] : memref<2x320000xi32, #tpu.memory_space<hbm>> -> memref<1x20000xi32, #tpu.memory_space<hbm>>
        %dma_wait3A_108 = tpu.memref_squeeze %dma_wait3A_107 : memref<1x20000xi32, #tpu.memory_space<hbm>> -> memref<20000xi32, #tpu.memory_space<hbm>>
        tpu.wait_dma2 semaphore(%run_scoped3A_100 : memref<!tpu.dma_semaphore, #tpu.memory_space<semaphore_mem>>) src(%dma_wait3A_108 : memref<20000xi32, #tpu.memory_space<hbm>>) dst(%arg7 : memref<20000xi32, #tpu.memory_space<vmem>>)
        tpu.yield
      }) : () -> ()
      %run_scoped3A_12 = arith.constant 1 : i32
      "tpu.region"() ({
        %run_scoped3A_100 = tpu.sem_alloc : memref<!tpu.dma_semaphore, #tpu.memory_space<semaphore_mem>>
        %dma_start3A_101 = tpu.memref_slice %arg4[%run_scoped3A_12, %mul3A_7] : memref<2x320000xi32, #tpu.memory_space<hbm>> -> memref<1x20000xi32, #tpu.memory_space<hbm>>
        %dma_start3A_102 = tpu.memref_squeeze %dma_start3A_101 : memref<1x20000xi32, #tpu.memory_space<hbm>> -> memref<20000xi32, #tpu.memory_space<hbm>>
        %dma_start3A_103 = tpu.memref_slice %arg4[%run_scoped3A_12, %mul3A_7] : memref<2x320000xi32, #tpu.memory_space<hbm>> -> memref<1x20000xi32, #tpu.memory_space<hbm>>
        %dma_start3A_104 = tpu.memref_squeeze %dma_start3A_103 : memref<1x20000xi32, #tpu.memory_space<hbm>> -> memref<20000xi32, #tpu.memory_space<hbm>>
        tpu.enqueue_dma source(%dma_start3A_104 : memref<20000xi32, #tpu.memory_space<hbm>>) target(%arg8 : memref<20000xi32, #tpu.memory_space<vmem>>) target_semaphore(%run_scoped3A_100 : memref<!tpu.dma_semaphore, #tpu.memory_space<semaphore_mem>>)
        %dma_wait3A_105 = tpu.memref_slice %arg4[%run_scoped3A_12, %mul3A_7] : memref<2x320000xi32, #tpu.memory_space<hbm>> -> memref<1x20000xi32, #tpu.memory_space<hbm>>
        %dma_wait3A_106 = tpu.memref_squeeze %dma_wait3A_105 : memref<1x20000xi32, #tpu.memory_space<hbm>> -> memref<20000xi32, #tpu.memory_space<hbm>>
        %dma_wait3A_107 = tpu.memref_slice %arg4[%run_scoped3A_12, %mul3A_7] : memref<2x320000xi32, #tpu.memory_space<hbm>> -> memref<1x20000xi32, #tpu.memory_space<hbm>>
        %dma_wait3A_108 = tpu.memref_squeeze %dma_wait3A_107 : memref<1x20000xi32, #tpu.memory_space<hbm>> -> memref<20000xi32, #tpu.memory_space<hbm>>
        tpu.wait_dma2 semaphore(%run_scoped3A_100 : memref<!tpu.dma_semaphore, #tpu.memory_space<semaphore_mem>>) src(%dma_wait3A_108 : memref<20000xi32, #tpu.memory_space<hbm>>) dst(%arg8 : memref<20000xi32, #tpu.memory_space<vmem>>)
        tpu.yield
      }) : () -> ()
      %dma_start3A = arith.constant 0 : i32
      %dma_start3A_13 = arith.constant 0 : i32
      %dma_start3A_14 = tpu.memref_slice %arg7[%dma_start3A_13] : memref<20000xi32, #tpu.memory_space<vmem>> -> memref<80xi32, #tpu.memory_space<vmem>>
      %dma_start3A_15 = arith.constant 0 : i32
      %dma_start3A_16 = arith.constant 0 : i32
      %dma_start3A_17 = tpu.memref_slice %arg3[%dma_start3A_15, %dma_start3A_16] : memref<10000x64xf32, #tpu.memory_space<hbm>> -> memref<10000x64xf32, #tpu.memory_space<hbm>>
      %dma_start3A_18 = tpu.memref_slice %arg14[%dma_start3A] : memref<5x!tpu.dma_semaphore, #tpu.memory_space<semaphore_mem>> -> memref<1x!tpu.dma_semaphore, #tpu.memory_space<semaphore_mem>>
      %dma_start3A_19 = tpu.memref_squeeze %dma_start3A_18 : memref<1x!tpu.dma_semaphore, #tpu.memory_space<semaphore_mem>> -> memref<!tpu.dma_semaphore, #tpu.memory_space<semaphore_mem>>
      tpu.enqueue_indirect_dma source(%dma_start3A_17 : memref<10000x64xf32, #tpu.memory_space<hbm>>) target(%arg9 : memref<80x64xf32, #tpu.memory_space<vmem>>) offsets(%dma_start3A_14 : memref<80xi32, #tpu.memory_space<vmem>>) semaphore(%dma_start3A_19 : memref<!tpu.dma_semaphore, #tpu.memory_space<semaphore_mem>>)
      %dma_start3A_20 = arith.constant 1 : i32
      %dma_start3A_21 = arith.constant 80 : i32
      %dma_start3A_22 = tpu.memref_slice %arg7[%dma_start3A_21] : memref<20000xi32, #tpu.memory_space<vmem>> -> memref<80xi32, #tpu.memory_space<vmem>>
      %dma_start3A_23 = arith.constant 0 : i32
      %dma_start3A_24 = arith.constant 0 : i32
      %dma_start3A_25 = tpu.memref_slice %arg3[%dma_start3A_23, %dma_start3A_24] : memref<10000x64xf32, #tpu.memory_space<hbm>> -> memref<10000x64xf32, #tpu.memory_space<hbm>>
      %dma_start3A_26 = tpu.memref_slice %arg14[%dma_start3A_20] : memref<5x!tpu.dma_semaphore, #tpu.memory_space<semaphore_mem>> -> memref<1x!tpu.dma_semaphore, #tpu.memory_space<semaphore_mem>>
      %dma_start3A_27 = tpu.memref_squeeze %dma_start3A_26 : memref<1x!tpu.dma_semaphore, #tpu.memory_space<semaphore_mem>> -> memref<!tpu.dma_semaphore, #tpu.memory_space<semaphore_mem>>
      tpu.enqueue_indirect_dma source(%dma_start3A_25 : memref<10000x64xf32, #tpu.memory_space<hbm>>) target(%arg10 : memref<80x64xf32, #tpu.memory_space<vmem>>) offsets(%dma_start3A_22 : memref<80xi32, #tpu.memory_space<vmem>>) semaphore(%dma_start3A_27 : memref<!tpu.dma_semaphore, #tpu.memory_space<semaphore_mem>>)
      %dma_start3A_28 = arith.constant 2 : i32
      %dma_start3A_29 = arith.constant 160 : i32
      %dma_start3A_30 = tpu.memref_slice %arg7[%dma_start3A_29] : memref<20000xi32, #tpu.memory_space<vmem>> -> memref<80xi32, #tpu.memory_space<vmem>>
      %dma_start3A_31 = arith.constant 0 : i32
      %dma_start3A_32 = arith.constant 0 : i32
      %dma_start3A_33 = tpu.memref_slice %arg3[%dma_start3A_31, %dma_start3A_32] : memref<10000x64xf32, #tpu.memory_space<hbm>> -> memref<10000x64xf32, #tpu.memory_space<hbm>>
      %dma_start3A_34 = tpu.memref_slice %arg14[%dma_start3A_28] : memref<5x!tpu.dma_semaphore, #tpu.memory_space<semaphore_mem>> -> memref<1x!tpu.dma_semaphore, #tpu.memory_space<semaphore_mem>>
      %dma_start3A_35 = tpu.memref_squeeze %dma_start3A_34 : memref<1x!tpu.dma_semaphore, #tpu.memory_space<semaphore_mem>> -> memref<!tpu.dma_semaphore, #tpu.memory_space<semaphore_mem>>
      tpu.enqueue_indirect_dma source(%dma_start3A_33 : memref<10000x64xf32, #tpu.memory_space<hbm>>) target(%arg11 : memref<80x64xf32, #tpu.memory_space<vmem>>) offsets(%dma_start3A_30 : memref<80xi32, #tpu.memory_space<vmem>>) semaphore(%dma_start3A_35 : memref<!tpu.dma_semaphore, #tpu.memory_space<semaphore_mem>>)
      %dma_start3A_36 = arith.constant 3 : i32
      %dma_start3A_37 = arith.constant 240 : i32
      %dma_start3A_38 = tpu.memref_slice %arg7[%dma_start3A_37] : memref<20000xi32, #tpu.memory_space<vmem>> -> memref<80xi32, #tpu.memory_space<vmem>>
      %dma_start3A_39 = arith.constant 0 : i32
      %dma_start3A_40 = arith.constant 0 : i32
      %dma_start3A_41 = tpu.memref_slice %arg3[%dma_start3A_39, %dma_start3A_40] : memref<10000x64xf32, #tpu.memory_space<hbm>> -> memref<10000x64xf32, #tpu.memory_space<hbm>>
      %dma_start3A_42 = tpu.memref_slice %arg14[%dma_start3A_36] : memref<5x!tpu.dma_semaphore, #tpu.memory_space<semaphore_mem>> -> memref<1x!tpu.dma_semaphore, #tpu.memory_space<semaphore_mem>>
      %dma_start3A_43 = tpu.memref_squeeze %dma_start3A_42 : memref<1x!tpu.dma_semaphore, #tpu.memory_space<semaphore_mem>> -> memref<!tpu.dma_semaphore, #tpu.memory_space<semaphore_mem>>
      tpu.enqueue_indirect_dma source(%dma_start3A_41 : memref<10000x64xf32, #tpu.memory_space<hbm>>) target(%arg12 : memref<80x64xf32, #tpu.memory_space<vmem>>) offsets(%dma_start3A_38 : memref<80xi32, #tpu.memory_space<vmem>>) semaphore(%dma_start3A_43 : memref<!tpu.dma_semaphore, #tpu.memory_space<semaphore_mem>>)
      %dma_start3A_44 = arith.constant 4 : i32
      %dma_start3A_45 = arith.constant 320 : i32
      %dma_start3A_46 = tpu.memref_slice %arg7[%dma_start3A_45] : memref<20000xi32, #tpu.memory_space<vmem>> -> memref<80xi32, #tpu.memory_space<vmem>>
      %dma_start3A_47 = arith.constant 0 : i32
      %dma_start3A_48 = arith.constant 0 : i32
      %dma_start3A_49 = tpu.memref_slice %arg3[%dma_start3A_47, %dma_start3A_48] : memref<10000x64xf32, #tpu.memory_space<hbm>> -> memref<10000x64xf32, #tpu.memory_space<hbm>>
      %dma_start3A_50 = tpu.memref_slice %arg14[%dma_start3A_44] : memref<5x!tpu.dma_semaphore, #tpu.memory_space<semaphore_mem>> -> memref<1x!tpu.dma_semaphore, #tpu.memory_space<semaphore_mem>>
      %dma_start3A_51 = tpu.memref_squeeze %dma_start3A_50 : memref<1x!tpu.dma_semaphore, #tpu.memory_space<semaphore_mem>> -> memref<!tpu.dma_semaphore, #tpu.memory_space<semaphore_mem>>
      tpu.enqueue_indirect_dma source(%dma_start3A_49 : memref<10000x64xf32, #tpu.memory_space<hbm>>) target(%arg13 : memref<80x64xf32, #tpu.memory_space<vmem>>) offsets(%dma_start3A_46 : memref<80xi32, #tpu.memory_space<vmem>>) semaphore(%dma_start3A_51 : memref<!tpu.dma_semaphore, #tpu.memory_space<semaphore_mem>>)
      %scan3A = arith.constant 0 : i32
      %scan3A_52 = arith.constant 49 : i32
      %scan3A_53 = arith.addi %scan3A, %scan3A_52 : i32
      %scan3A_54 = arith.constant 1 : i32
      scf.for %scan3A_100 = %scan3A to %scan3A_53 step %scan3A_54  : i32 {
        %mul3A_101 = arith.constant 1 : i32
        %mul3A_102 = arith.muli %scan3A_100, %mul3A_101 : i32
        %add3A = arith.constant 0 : i32
        %add3A_103 = arith.addi %add3A, %mul3A_102 : i32
        %mul3A_104 = arith.constant 5 : i32
        %mul3A_105 = arith.muli %add3A_103, %mul3A_104 : i32
        %add3A_106 = arith.constant 0 : i32
        %add3A_107 = arith.addi %mul3A_105, %add3A_106 : i32
        %mul3A_108 = arith.constant 80 : i32
        %mul3A_109 = arith.muli %add3A_107, %mul3A_108 : i32
        %dma_wait3A_110 = arith.constant 0 : i32
        %dma_wait3A_111 = tpu.memref_slice %arg7[%mul3A_109] : memref<20000xi32, #tpu.memory_space<vmem>> -> memref<80xi32, #tpu.memory_space<vmem>>
        %dma_wait3A_112 = arith.constant 0 : i32
        %dma_wait3A_113 = arith.constant 0 : i32
        %dma_wait3A_114 = tpu.memref_slice %arg3[%dma_wait3A_112, %dma_wait3A_113] : memref<10000x64xf32, #tpu.memory_space<hbm>> -> memref<10000x64xf32, #tpu.memory_space<hbm>>
        %dma_wait3A_115 = tpu.memref_slice %arg14[%dma_wait3A_110] : memref<5x!tpu.dma_semaphore, #tpu.memory_space<semaphore_mem>> -> memref<1x!tpu.dma_semaphore, #tpu.memory_space<semaphore_mem>>
        %dma_wait3A_116 = tpu.memref_squeeze %dma_wait3A_115 : memref<1x!tpu.dma_semaphore, #tpu.memory_space<semaphore_mem>> -> memref<!tpu.dma_semaphore, #tpu.memory_space<semaphore_mem>>
        tpu.wait_indirect_dma semaphore(%dma_wait3A_116 : memref<!tpu.dma_semaphore, #tpu.memory_space<semaphore_mem>>) src(%dma_wait3A_114 : memref<10000x64xf32, #tpu.memory_space<hbm>>) dst(%arg9 : memref<80x64xf32, #tpu.memory_space<vmem>>)
        %mul3A_117 = arith.constant 80 : i32
        %mul3A_118 = arith.muli %add3A_107, %mul3A_117 : i32
        "tpu.region"() ({
          %run_scoped3A_234 = tpu.sem_alloc : memref<!tpu.dma_semaphore, #tpu.memory_space<semaphore_mem>>
          %dma_start3A_235 = tpu.memref_slice %arg8[%mul3A_118] : memref<20000xi32, #tpu.memory_space<vmem>> -> memref<80xi32, #tpu.memory_space<vmem>>
          %dma_start3A_236 = arith.constant 0 : i32
          %dma_start3A_237 = arith.constant 0 : i32
          %dma_start3A_238 = tpu.memref_slice %arg15[%dma_start3A_236, %dma_start3A_237] : memref<10000x64xf32, #tpu.memory_space<vmem_shared>> -> memref<10000x64xf32, #tpu.memory_space<vmem_shared>>
          tpu.enqueue_indirect_dma source(%arg9 : memref<80x64xf32, #tpu.memory_space<vmem>>) target(%dma_start3A_238 : memref<10000x64xf32, #tpu.memory_space<vmem_shared>>) offsets(%dma_start3A_235 : memref<80xi32, #tpu.memory_space<vmem>>) semaphore(%run_scoped3A_234 : memref<!tpu.dma_semaphore, #tpu.memory_space<semaphore_mem>>) {add = true}
          %dma_wait3A_239 = tpu.memref_slice %arg8[%mul3A_118] : memref<20000xi32, #tpu.memory_space<vmem>> -> memref<80xi32, #tpu.memory_space<vmem>>
          %dma_wait3A_240 = arith.constant 0 : i32
          %dma_wait3A_241 = arith.constant 0 : i32
          %dma_wait3A_242 = tpu.memref_slice %arg15[%dma_wait3A_240, %dma_wait3A_241] : memref<10000x64xf32, #tpu.memory_space<vmem_shared>> -> memref<10000x64xf32, #tpu.memory_space<vmem_shared>>
          tpu.wait_indirect_dma semaphore(%run_scoped3A_234 : memref<!tpu.dma_semaphore, #tpu.memory_space<semaphore_mem>>) src(%arg9 : memref<80x64xf32, #tpu.memory_space<vmem>>) dst(%dma_wait3A_242 : memref<10000x64xf32, #tpu.memory_space<vmem_shared>>)
          tpu.yield
        }) : () -> ()
        %add3A_119 = arith.constant 5 : i32
        %add3A_120 = arith.addi %add3A_107, %add3A_119 : i32
        %mul3A_121 = arith.constant 80 : i32
        %mul3A_122 = arith.muli %add3A_120, %mul3A_121 : i32
        %dma_start3A_123 = arith.constant 0 : i32
        %dma_start3A_124 = tpu.memref_slice %arg7[%mul3A_122] : memref<20000xi32, #tpu.memory_space<vmem>> -> memref<80xi32, #tpu.memory_space<vmem>>
        %dma_start3A_125 = arith.constant 0 : i32
        %dma_start3A_126 = arith.constant 0 : i32
        %dma_start3A_127 = tpu.memref_slice %arg3[%dma_start3A_125, %dma_start3A_126] : memref<10000x64xf32, #tpu.memory_space<hbm>> -> memref<10000x64xf32, #tpu.memory_space<hbm>>
        %dma_start3A_128 = tpu.memref_slice %arg14[%dma_start3A_123] : memref<5x!tpu.dma_semaphore, #tpu.memory_space<semaphore_mem>> -> memref<1x!tpu.dma_semaphore, #tpu.memory_space<semaphore_mem>>
        %dma_start3A_129 = tpu.memref_squeeze %dma_start3A_128 : memref<1x!tpu.dma_semaphore, #tpu.memory_space<semaphore_mem>> -> memref<!tpu.dma_semaphore, #tpu.memory_space<semaphore_mem>>
        tpu.enqueue_indirect_dma source(%dma_start3A_127 : memref<10000x64xf32, #tpu.memory_space<hbm>>) target(%arg9 : memref<80x64xf32, #tpu.memory_space<vmem>>) offsets(%dma_start3A_124 : memref<80xi32, #tpu.memory_space<vmem>>) semaphore(%dma_start3A_129 : memref<!tpu.dma_semaphore, #tpu.memory_space<semaphore_mem>>)
        %mul3A_130 = arith.constant 5 : i32
        %mul3A_131 = arith.muli %add3A_103, %mul3A_130 : i32
        %add3A_132 = arith.constant 1 : i32
        %add3A_133 = arith.addi %mul3A_131, %add3A_132 : i32
        %mul3A_134 = arith.constant 80 : i32
        %mul3A_135 = arith.muli %add3A_133, %mul3A_134 : i32
        %dma_wait3A_136 = arith.constant 1 : i32
        %dma_wait3A_137 = tpu.memref_slice %arg7[%mul3A_135] : memref<20000xi32, #tpu.memory_space<vmem>> -> memref<80xi32, #tpu.memory_space<vmem>>
        %dma_wait3A_138 = arith.constant 0 : i32
        %dma_wait3A_139 = arith.constant 0 : i32
        %dma_wait3A_140 = tpu.memref_slice %arg3[%dma_wait3A_138, %dma_wait3A_139] : memref<10000x64xf32, #tpu.memory_space<hbm>> -> memref<10000x64xf32, #tpu.memory_space<hbm>>
        %dma_wait3A_141 = tpu.memref_slice %arg14[%dma_wait3A_136] : memref<5x!tpu.dma_semaphore, #tpu.memory_space<semaphore_mem>> -> memref<1x!tpu.dma_semaphore, #tpu.memory_space<semaphore_mem>>
        %dma_wait3A_142 = tpu.memref_squeeze %dma_wait3A_141 : memref<1x!tpu.dma_semaphore, #tpu.memory_space<semaphore_mem>> -> memref<!tpu.dma_semaphore, #tpu.memory_space<semaphore_mem>>
        tpu.wait_indirect_dma semaphore(%dma_wait3A_142 : memref<!tpu.dma_semaphore, #tpu.memory_space<semaphore_mem>>) src(%dma_wait3A_140 : memref<10000x64xf32, #tpu.memory_space<hbm>>) dst(%arg10 : memref<80x64xf32, #tpu.memory_space<vmem>>)
        %mul3A_143 = arith.constant 80 : i32
        %mul3A_144 = arith.muli %add3A_133, %mul3A_143 : i32
        "tpu.region"() ({
          %run_scoped3A_234 = tpu.sem_alloc : memref<!tpu.dma_semaphore, #tpu.memory_space<semaphore_mem>>
          %dma_start3A_235 = tpu.memref_slice %arg8[%mul3A_144] : memref<20000xi32, #tpu.memory_space<vmem>> -> memref<80xi32, #tpu.memory_space<vmem>>
          %dma_start3A_236 = arith.constant 0 : i32
          %dma_start3A_237 = arith.constant 0 : i32
          %dma_start3A_238 = tpu.memref_slice %arg15[%dma_start3A_236, %dma_start3A_237] : memref<10000x64xf32, #tpu.memory_space<vmem_shared>> -> memref<10000x64xf32, #tpu.memory_space<vmem_shared>>
          tpu.enqueue_indirect_dma source(%arg10 : memref<80x64xf32, #tpu.memory_space<vmem>>) target(%dma_start3A_238 : memref<10000x64xf32, #tpu.memory_space<vmem_shared>>) offsets(%dma_start3A_235 : memref<80xi32, #tpu.memory_space<vmem>>) semaphore(%run_scoped3A_234 : memref<!tpu.dma_semaphore, #tpu.memory_space<semaphore_mem>>) {add = true}
          %dma_wait3A_239 = tpu.memref_slice %arg8[%mul3A_144] : memref<20000xi32, #tpu.memory_space<vmem>> -> memref<80xi32, #tpu.memory_space<vmem>>
          %dma_wait3A_240 = arith.constant 0 : i32
          %dma_wait3A_241 = arith.constant 0 : i32
          %dma_wait3A_242 = tpu.memref_slice %arg15[%dma_wait3A_240, %dma_wait3A_241] : memref<10000x64xf32, #tpu.memory_space<vmem_shared>> -> memref<10000x64xf32, #tpu.memory_space<vmem_shared>>
          tpu.wait_indirect_dma semaphore(%run_scoped3A_234 : memref<!tpu.dma_semaphore, #tpu.memory_space<semaphore_mem>>) src(%arg10 : memref<80x64xf32, #tpu.memory_space<vmem>>) dst(%dma_wait3A_242 : memref<10000x64xf32, #tpu.memory_space<vmem_shared>>)
          tpu.yield
        }) : () -> ()
        %add3A_145 = arith.constant 5 : i32
        %add3A_146 = arith.addi %add3A_133, %add3A_145 : i32
        %mul3A_147 = arith.constant 80 : i32
        %mul3A_148 = arith.muli %add3A_146, %mul3A_147 : i32
        %dma_start3A_149 = arith.constant 1 : i32
        %dma_start3A_150 = tpu.memref_slice %arg7[%mul3A_148] : memref<20000xi32, #tpu.memory_space<vmem>> -> memref<80xi32, #tpu.memory_space<vmem>>
        %dma_start3A_151 = arith.constant 0 : i32
        %dma_start3A_152 = arith.constant 0 : i32
        %dma_start3A_153 = tpu.memref_slice %arg3[%dma_start3A_151, %dma_start3A_152] : memref<10000x64xf32, #tpu.memory_space<hbm>> -> memref<10000x64xf32, #tpu.memory_space<hbm>>
        %dma_start3A_154 = tpu.memref_slice %arg14[%dma_start3A_149] : memref<5x!tpu.dma_semaphore, #tpu.memory_space<semaphore_mem>> -> memref<1x!tpu.dma_semaphore, #tpu.memory_space<semaphore_mem>>
        %dma_start3A_155 = tpu.memref_squeeze %dma_start3A_154 : memref<1x!tpu.dma_semaphore, #tpu.memory_space<semaphore_mem>> -> memref<!tpu.dma_semaphore, #tpu.memory_space<semaphore_mem>>
        tpu.enqueue_indirect_dma source(%dma_start3A_153 : memref<10000x64xf32, #tpu.memory_space<hbm>>) target(%arg10 : memref<80x64xf32, #tpu.memory_space<vmem>>) offsets(%dma_start3A_150 : memref<80xi32, #tpu.memory_space<vmem>>) semaphore(%dma_start3A_155 : memref<!tpu.dma_semaphore, #tpu.memory_space<semaphore_mem>>)
        %mul3A_156 = arith.constant 5 : i32
        %mul3A_157 = arith.muli %add3A_103, %mul3A_156 : i32
        %add3A_158 = arith.constant 2 : i32
        %add3A_159 = arith.addi %mul3A_157, %add3A_158 : i32
        %mul3A_160 = arith.constant 80 : i32
        %mul3A_161 = arith.muli %add3A_159, %mul3A_160 : i32
        %dma_wait3A_162 = arith.constant 2 : i32
        %dma_wait3A_163 = tpu.memref_slice %arg7[%mul3A_161] : memref<20000xi32, #tpu.memory_space<vmem>> -> memref<80xi32, #tpu.memory_space<vmem>>
        %dma_wait3A_164 = arith.constant 0 : i32
        %dma_wait3A_165 = arith.constant 0 : i32
        %dma_wait3A_166 = tpu.memref_slice %arg3[%dma_wait3A_164, %dma_wait3A_165] : memref<10000x64xf32, #tpu.memory_space<hbm>> -> memref<10000x64xf32, #tpu.memory_space<hbm>>
        %dma_wait3A_167 = tpu.memref_slice %arg14[%dma_wait3A_162] : memref<5x!tpu.dma_semaphore, #tpu.memory_space<semaphore_mem>> -> memref<1x!tpu.dma_semaphore, #tpu.memory_space<semaphore_mem>>
        %dma_wait3A_168 = tpu.memref_squeeze %dma_wait3A_167 : memref<1x!tpu.dma_semaphore, #tpu.memory_space<semaphore_mem>> -> memref<!tpu.dma_semaphore, #tpu.memory_space<semaphore_mem>>
        tpu.wait_indirect_dma semaphore(%dma_wait3A_168 : memref<!tpu.dma_semaphore, #tpu.memory_space<semaphore_mem>>) src(%dma_wait3A_166 : memref<10000x64xf32, #tpu.memory_space<hbm>>) dst(%arg11 : memref<80x64xf32, #tpu.memory_space<vmem>>)
        %mul3A_169 = arith.constant 80 : i32
        %mul3A_170 = arith.muli %add3A_159, %mul3A_169 : i32
        "tpu.region"() ({
          %run_scoped3A_234 = tpu.sem_alloc : memref<!tpu.dma_semaphore, #tpu.memory_space<semaphore_mem>>
          %dma_start3A_235 = tpu.memref_slice %arg8[%mul3A_170] : memref<20000xi32, #tpu.memory_space<vmem>> -> memref<80xi32, #tpu.memory_space<vmem>>
          %dma_start3A_236 = arith.constant 0 : i32
          %dma_start3A_237 = arith.constant 0 : i32
          %dma_start3A_238 = tpu.memref_slice %arg15[%dma_start3A_236, %dma_start3A_237] : memref<10000x64xf32, #tpu.memory_space<vmem_shared>> -> memref<10000x64xf32, #tpu.memory_space<vmem_shared>>
          tpu.enqueue_indirect_dma source(%arg11 : memref<80x64xf32, #tpu.memory_space<vmem>>) target(%dma_start3A_238 : memref<10000x64xf32, #tpu.memory_space<vmem_shared>>) offsets(%dma_start3A_235 : memref<80xi32, #tpu.memory_space<vmem>>) semaphore(%run_scoped3A_234 : memref<!tpu.dma_semaphore, #tpu.memory_space<semaphore_mem>>) {add = true}
          %dma_wait3A_239 = tpu.memref_slice %arg8[%mul3A_170] : memref<20000xi32, #tpu.memory_space<vmem>> -> memref<80xi32, #tpu.memory_space<vmem>>
          %dma_wait3A_240 = arith.constant 0 : i32
          %dma_wait3A_241 = arith.constant 0 : i32
          %dma_wait3A_242 = tpu.memref_slice %arg15[%dma_wait3A_240, %dma_wait3A_241] : memref<10000x64xf32, #tpu.memory_space<vmem_shared>> -> memref<10000x64xf32, #tpu.memory_space<vmem_shared>>
          tpu.wait_indirect_dma semaphore(%run_scoped3A_234 : memref<!tpu.dma_semaphore, #tpu.memory_space<semaphore_mem>>) src(%arg11 : memref<80x64xf32, #tpu.memory_space<vmem>>) dst(%dma_wait3A_242 : memref<10000x64xf32, #tpu.memory_space<vmem_shared>>)
          tpu.yield
        }) : () -> ()
        %add3A_171 = arith.constant 5 : i32
        %add3A_172 = arith.addi %add3A_159, %add3A_171 : i32
        %mul3A_173 = arith.constant 80 : i32
        %mul3A_174 = arith.muli %add3A_172, %mul3A_173 : i32
        %dma_start3A_175 = arith.constant 2 : i32
        %dma_start3A_176 = tpu.memref_slice %arg7[%mul3A_174] : memref<20000xi32, #tpu.memory_space<vmem>> -> memref<80xi32, #tpu.memory_space<vmem>>
        %dma_start3A_177 = arith.constant 0 : i32
        %dma_start3A_178 = arith.constant 0 : i32
        %dma_start3A_179 = tpu.memref_slice %arg3[%dma_start3A_177, %dma_start3A_178] : memref<10000x64xf32, #tpu.memory_space<hbm>> -> memref<10000x64xf32, #tpu.memory_space<hbm>>
        %dma_start3A_180 = tpu.memref_slice %arg14[%dma_start3A_175] : memref<5x!tpu.dma_semaphore, #tpu.memory_space<semaphore_mem>> -> memref<1x!tpu.dma_semaphore, #tpu.memory_space<semaphore_mem>>
        %dma_start3A_181 = tpu.memref_squeeze %dma_start3A_180 : memref<1x!tpu.dma_semaphore, #tpu.memory_space<semaphore_mem>> -> memref<!tpu.dma_semaphore, #tpu.memory_space<semaphore_mem>>
        tpu.enqueue_indirect_dma source(%dma_start3A_179 : memref<10000x64xf32, #tpu.memory_space<hbm>>) target(%arg11 : memref<80x64xf32, #tpu.memory_space<vmem>>) offsets(%dma_start3A_176 : memref<80xi32, #tpu.memory_space<vmem>>) semaphore(%dma_start3A_181 : memref<!tpu.dma_semaphore, #tpu.memory_space<semaphore_mem>>)
        %mul3A_182 = arith.constant 5 : i32
        %mul3A_183 = arith.muli %add3A_103, %mul3A_182 : i32
        %add3A_184 = arith.constant 3 : i32
        %add3A_185 = arith.addi %mul3A_183, %add3A_184 : i32
        %mul3A_186 = arith.constant 80 : i32
        %mul3A_187 = arith.muli %add3A_185, %mul3A_186 : i32
        %dma_wait3A_188 = arith.constant 3 : i32
        %dma_wait3A_189 = tpu.memref_slice %arg7[%mul3A_187] : memref<20000xi32, #tpu.memory_space<vmem>> -> memref<80xi32, #tpu.memory_space<vmem>>
        %dma_wait3A_190 = arith.constant 0 : i32
        %dma_wait3A_191 = arith.constant 0 : i32
        %dma_wait3A_192 = tpu.memref_slice %arg3[%dma_wait3A_190, %dma_wait3A_191] : memref<10000x64xf32, #tpu.memory_space<hbm>> -> memref<10000x64xf32, #tpu.memory_space<hbm>>
        %dma_wait3A_193 = tpu.memref_slice %arg14[%dma_wait3A_188] : memref<5x!tpu.dma_semaphore, #tpu.memory_space<semaphore_mem>> -> memref<1x!tpu.dma_semaphore, #tpu.memory_space<semaphore_mem>>
        %dma_wait3A_194 = tpu.memref_squeeze %dma_wait3A_193 : memref<1x!tpu.dma_semaphore, #tpu.memory_space<semaphore_mem>> -> memref<!tpu.dma_semaphore, #tpu.memory_space<semaphore_mem>>
        tpu.wait_indirect_dma semaphore(%dma_wait3A_194 : memref<!tpu.dma_semaphore, #tpu.memory_space<semaphore_mem>>) src(%dma_wait3A_192 : memref<10000x64xf32, #tpu.memory_space<hbm>>) dst(%arg12 : memref<80x64xf32, #tpu.memory_space<vmem>>)
        %mul3A_195 = arith.constant 80 : i32
        %mul3A_196 = arith.muli %add3A_185, %mul3A_195 : i32
        "tpu.region"() ({
          %run_scoped3A_234 = tpu.sem_alloc : memref<!tpu.dma_semaphore, #tpu.memory_space<semaphore_mem>>
          %dma_start3A_235 = tpu.memref_slice %arg8[%mul3A_196] : memref<20000xi32, #tpu.memory_space<vmem>> -> memref<80xi32, #tpu.memory_space<vmem>>
          %dma_start3A_236 = arith.constant 0 : i32
          %dma_start3A_237 = arith.constant 0 : i32
          %dma_start3A_238 = tpu.memref_slice %arg15[%dma_start3A_236, %dma_start3A_237] : memref<10000x64xf32, #tpu.memory_space<vmem_shared>> -> memref<10000x64xf32, #tpu.memory_space<vmem_shared>>
          tpu.enqueue_indirect_dma source(%arg12 : memref<80x64xf32, #tpu.memory_space<vmem>>) target(%dma_start3A_238 : memref<10000x64xf32, #tpu.memory_space<vmem_shared>>) offsets(%dma_start3A_235 : memref<80xi32, #tpu.memory_space<vmem>>) semaphore(%run_scoped3A_234 : memref<!tpu.dma_semaphore, #tpu.memory_space<semaphore_mem>>) {add = true}
          %dma_wait3A_239 = tpu.memref_slice %arg8[%mul3A_196] : memref<20000xi32, #tpu.memory_space<vmem>> -> memref<80xi32, #tpu.memory_space<vmem>>
          %dma_wait3A_240 = arith.constant 0 : i32
          %dma_wait3A_241 = arith.constant 0 : i32
          %dma_wait3A_242 = tpu.memref_slice %arg15[%dma_wait3A_240, %dma_wait3A_241] : memref<10000x64xf32, #tpu.memory_space<vmem_shared>> -> memref<10000x64xf32, #tpu.memory_space<vmem_shared>>
          tpu.wait_indirect_dma semaphore(%run_scoped3A_234 : memref<!tpu.dma_semaphore, #tpu.memory_space<semaphore_mem>>) src(%arg12 : memref<80x64xf32, #tpu.memory_space<vmem>>) dst(%dma_wait3A_242 : memref<10000x64xf32, #tpu.memory_space<vmem_shared>>)
          tpu.yield
        }) : () -> ()
        %add3A_197 = arith.constant 5 : i32
        %add3A_198 = arith.addi %add3A_185, %add3A_197 : i32
        %mul3A_199 = arith.constant 80 : i32
        %mul3A_200 = arith.muli %add3A_198, %mul3A_199 : i32
        %dma_start3A_201 = arith.constant 3 : i32
        %dma_start3A_202 = tpu.memref_slice %arg7[%mul3A_200] : memref<20000xi32, #tpu.memory_space<vmem>> -> memref<80xi32, #tpu.memory_space<vmem>>
        %dma_start3A_203 = arith.constant 0 : i32
        %dma_start3A_204 = arith.constant 0 : i32
        %dma_start3A_205 = tpu.memref_slice %arg3[%dma_start3A_203, %dma_start3A_204] : memref<10000x64xf32, #tpu.memory_space<hbm>> -> memref<10000x64xf32, #tpu.memory_space<hbm>>
        %dma_start3A_206 = tpu.memref_slice %arg14[%dma_start3A_201] : memref<5x!tpu.dma_semaphore, #tpu.memory_space<semaphore_mem>> -> memref<1x!tpu.dma_semaphore, #tpu.memory_space<semaphore_mem>>
        %dma_start3A_207 = tpu.memref_squeeze %dma_start3A_206 : memref<1x!tpu.dma_semaphore, #tpu.memory_space<semaphore_mem>> -> memref<!tpu.dma_semaphore, #tpu.memory_space<semaphore_mem>>
        tpu.enqueue_indirect_dma source(%dma_start3A_205 : memref<10000x64xf32, #tpu.memory_space<hbm>>) target(%arg12 : memref<80x64xf32, #tpu.memory_space<vmem>>) offsets(%dma_start3A_202 : memref<80xi32, #tpu.memory_space<vmem>>) semaphore(%dma_start3A_207 : memref<!tpu.dma_semaphore, #tpu.memory_space<semaphore_mem>>)
        %mul3A_208 = arith.constant 5 : i32
        %mul3A_209 = arith.muli %add3A_103, %mul3A_208 : i32
        %add3A_210 = arith.constant 4 : i32
        %add3A_211 = arith.addi %mul3A_209, %add3A_210 : i32
        %mul3A_212 = arith.constant 80 : i32
        %mul3A_213 = arith.muli %add3A_211, %mul3A_212 : i32
        %dma_wait3A_214 = arith.constant 4 : i32
        %dma_wait3A_215 = tpu.memref_slice %arg7[%mul3A_213] : memref<20000xi32, #tpu.memory_space<vmem>> -> memref<80xi32, #tpu.memory_space<vmem>>
        %dma_wait3A_216 = arith.constant 0 : i32
        %dma_wait3A_217 = arith.constant 0 : i32
        %dma_wait3A_218 = tpu.memref_slice %arg3[%dma_wait3A_216, %dma_wait3A_217] : memref<10000x64xf32, #tpu.memory_space<hbm>> -> memref<10000x64xf32, #tpu.memory_space<hbm>>
        %dma_wait3A_219 = tpu.memref_slice %arg14[%dma_wait3A_214] : memref<5x!tpu.dma_semaphore, #tpu.memory_space<semaphore_mem>> -> memref<1x!tpu.dma_semaphore, #tpu.memory_space<semaphore_mem>>
        %dma_wait3A_220 = tpu.memref_squeeze %dma_wait3A_219 : memref<1x!tpu.dma_semaphore, #tpu.memory_space<semaphore_mem>> -> memref<!tpu.dma_semaphore, #tpu.memory_space<semaphore_mem>>
        tpu.wait_indirect_dma semaphore(%dma_wait3A_220 : memref<!tpu.dma_semaphore, #tpu.memory_space<semaphore_mem>>) src(%dma_wait3A_218 : memref<10000x64xf32, #tpu.memory_space<hbm>>) dst(%arg13 : memref<80x64xf32, #tpu.memory_space<vmem>>)
        %mul3A_221 = arith.constant 80 : i32
        %mul3A_222 = arith.muli %add3A_211, %mul3A_221 : i32
        "tpu.region"() ({
          %run_scoped3A_234 = tpu.sem_alloc : memref<!tpu.dma_semaphore, #tpu.memory_space<semaphore_mem>>
          %dma_start3A_235 = tpu.memref_slice %arg8[%mul3A_222] : memref<20000xi32, #tpu.memory_space<vmem>> -> memref<80xi32, #tpu.memory_space<vmem>>
          %dma_start3A_236 = arith.constant 0 : i32
          %dma_start3A_237 = arith.constant 0 : i32
          %dma_start3A_238 = tpu.memref_slice %arg15[%dma_start3A_236, %dma_start3A_237] : memref<10000x64xf32, #tpu.memory_space<vmem_shared>> -> memref<10000x64xf32, #tpu.memory_space<vmem_shared>>
          tpu.enqueue_indirect_dma source(%arg13 : memref<80x64xf32, #tpu.memory_space<vmem>>) target(%dma_start3A_238 : memref<10000x64xf32, #tpu.memory_space<vmem_shared>>) offsets(%dma_start3A_235 : memref<80xi32, #tpu.memory_space<vmem>>) semaphore(%run_scoped3A_234 : memref<!tpu.dma_semaphore, #tpu.memory_space<semaphore_mem>>) {add = true}
          %dma_wait3A_239 = tpu.memref_slice %arg8[%mul3A_222] : memref<20000xi32, #tpu.memory_space<vmem>> -> memref<80xi32, #tpu.memory_space<vmem>>
          %dma_wait3A_240 = arith.constant 0 : i32
          %dma_wait3A_241 = arith.constant 0 : i32
          %dma_wait3A_242 = tpu.memref_slice %arg15[%dma_wait3A_240, %dma_wait3A_241] : memref<10000x64xf32, #tpu.memory_space<vmem_shared>> -> memref<10000x64xf32, #tpu.memory_space<vmem_shared>>
          tpu.wait_indirect_dma semaphore(%run_scoped3A_234 : memref<!tpu.dma_semaphore, #tpu.memory_space<semaphore_mem>>) src(%arg13 : memref<80x64xf32, #tpu.memory_space<vmem>>) dst(%dma_wait3A_242 : memref<10000x64xf32, #tpu.memory_space<vmem_shared>>)
          tpu.yield
        }) : () -> ()
        %add3A_223 = arith.constant 5 : i32
        %add3A_224 = arith.addi %add3A_211, %add3A_223 : i32
        %mul3A_225 = arith.constant 80 : i32
        %mul3A_226 = arith.muli %add3A_224, %mul3A_225 : i32
        %dma_start3A_227 = arith.constant 4 : i32
        %dma_start3A_228 = tpu.memref_slice %arg7[%mul3A_226] : memref<20000xi32, #tpu.memory_space<vmem>> -> memref<80xi32, #tpu.memory_space<vmem>>
        %dma_start3A_229 = arith.constant 0 : i32
        %dma_start3A_230 = arith.constant 0 : i32
        %dma_start3A_231 = tpu.memref_slice %arg3[%dma_start3A_229, %dma_start3A_230] : memref<10000x64xf32, #tpu.memory_space<hbm>> -> memref<10000x64xf32, #tpu.memory_space<hbm>>
        %dma_start3A_232 = tpu.memref_slice %arg14[%dma_start3A_227] : memref<5x!tpu.dma_semaphore, #tpu.memory_space<semaphore_mem>> -> memref<1x!tpu.dma_semaphore, #tpu.memory_space<semaphore_mem>>
        %dma_start3A_233 = tpu.memref_squeeze %dma_start3A_232 : memref<1x!tpu.dma_semaphore, #tpu.memory_space<semaphore_mem>> -> memref<!tpu.dma_semaphore, #tpu.memory_space<semaphore_mem>>
        tpu.enqueue_indirect_dma source(%dma_start3A_231 : memref<10000x64xf32, #tpu.memory_space<hbm>>) target(%arg13 : memref<80x64xf32, #tpu.memory_space<vmem>>) offsets(%dma_start3A_228 : memref<80xi32, #tpu.memory_space<vmem>>) semaphore(%dma_start3A_233 : memref<!tpu.dma_semaphore, #tpu.memory_space<semaphore_mem>>)
      }
      %scan3A_55 = arith.constant 49 : i32
      %dma_wait3A = arith.constant 0 : i32
      %dma_wait3A_56 = arith.constant 19600 : i32
      %dma_wait3A_57 = tpu.memref_slice %arg7[%dma_wait3A_56] : memref<20000xi32, #tpu.memory_space<vmem>> -> memref<80xi32, #tpu.memory_space<vmem>>
      %dma_wait3A_58 = arith.constant 0 : i32
      %dma_wait3A_59 = arith.constant 0 : i32
      %dma_wait3A_60 = tpu.memref_slice %arg3[%dma_wait3A_58, %dma_wait3A_59] : memref<10000x64xf32, #tpu.memory_space<hbm>> -> memref<10000x64xf32, #tpu.memory_space<hbm>>
      %dma_wait3A_61 = tpu.memref_slice %arg14[%dma_wait3A] : memref<5x!tpu.dma_semaphore, #tpu.memory_space<semaphore_mem>> -> memref<1x!tpu.dma_semaphore, #tpu.memory_space<semaphore_mem>>
      %dma_wait3A_62 = tpu.memref_squeeze %dma_wait3A_61 : memref<1x!tpu.dma_semaphore, #tpu.memory_space<semaphore_mem>> -> memref<!tpu.dma_semaphore, #tpu.memory_space<semaphore_mem>>
      tpu.wait_indirect_dma semaphore(%dma_wait3A_62 : memref<!tpu.dma_semaphore, #tpu.memory_space<semaphore_mem>>) src(%dma_wait3A_60 : memref<10000x64xf32, #tpu.memory_space<hbm>>) dst(%arg9 : memref<80x64xf32, #tpu.memory_space<vmem>>)
      "tpu.region"() ({
        %run_scoped3A_100 = tpu.sem_alloc : memref<!tpu.dma_semaphore, #tpu.memory_space<semaphore_mem>>
        %dma_start3A_101 = arith.constant 19600 : i32
        %dma_start3A_102 = tpu.memref_slice %arg8[%dma_start3A_101] : memref<20000xi32, #tpu.memory_space<vmem>> -> memref<80xi32, #tpu.memory_space<vmem>>
        %dma_start3A_103 = arith.constant 0 : i32
        %dma_start3A_104 = arith.constant 0 : i32
        %dma_start3A_105 = tpu.memref_slice %arg15[%dma_start3A_103, %dma_start3A_104] : memref<10000x64xf32, #tpu.memory_space<vmem_shared>> -> memref<10000x64xf32, #tpu.memory_space<vmem_shared>>
        tpu.enqueue_indirect_dma source(%arg9 : memref<80x64xf32, #tpu.memory_space<vmem>>) target(%dma_start3A_105 : memref<10000x64xf32, #tpu.memory_space<vmem_shared>>) offsets(%dma_start3A_102 : memref<80xi32, #tpu.memory_space<vmem>>) semaphore(%run_scoped3A_100 : memref<!tpu.dma_semaphore, #tpu.memory_space<semaphore_mem>>) {add = true}
        %dma_wait3A_106 = arith.constant 19600 : i32
        %dma_wait3A_107 = tpu.memref_slice %arg8[%dma_wait3A_106] : memref<20000xi32, #tpu.memory_space<vmem>> -> memref<80xi32, #tpu.memory_space<vmem>>
        %dma_wait3A_108 = arith.constant 0 : i32
        %dma_wait3A_109 = arith.constant 0 : i32
        %dma_wait3A_110 = tpu.memref_slice %arg15[%dma_wait3A_108, %dma_wait3A_109] : memref<10000x64xf32, #tpu.memory_space<vmem_shared>> -> memref<10000x64xf32, #tpu.memory_space<vmem_shared>>
        tpu.wait_indirect_dma semaphore(%run_scoped3A_100 : memref<!tpu.dma_semaphore, #tpu.memory_space<semaphore_mem>>) src(%arg9 : memref<80x64xf32, #tpu.memory_space<vmem>>) dst(%dma_wait3A_110 : memref<10000x64xf32, #tpu.memory_space<vmem_shared>>)
        tpu.yield
      }) : () -> ()
      %dma_wait3A_63 = arith.constant 1 : i32
      %dma_wait3A_64 = arith.constant 19680 : i32
      %dma_wait3A_65 = tpu.memref_slice %arg7[%dma_wait3A_64] : memref<20000xi32, #tpu.memory_space<vmem>> -> memref<80xi32, #tpu.memory_space<vmem>>
      %dma_wait3A_66 = arith.constant 0 : i32
      %dma_wait3A_67 = arith.constant 0 : i32
      %dma_wait3A_68 = tpu.memref_slice %arg3[%dma_wait3A_66, %dma_wait3A_67] : memref<10000x64xf32, #tpu.memory_space<hbm>> -> memref<10000x64xf32, #tpu.memory_space<hbm>>
      %dma_wait3A_69 = tpu.memref_slice %arg14[%dma_wait3A_63] : memref<5x!tpu.dma_semaphore, #tpu.memory_space<semaphore_mem>> -> memref<1x!tpu.dma_semaphore, #tpu.memory_space<semaphore_mem>>
      %dma_wait3A_70 = tpu.memref_squeeze %dma_wait3A_69 : memref<1x!tpu.dma_semaphore, #tpu.memory_space<semaphore_mem>> -> memref<!tpu.dma_semaphore, #tpu.memory_space<semaphore_mem>>
      tpu.wait_indirect_dma semaphore(%dma_wait3A_70 : memref<!tpu.dma_semaphore, #tpu.memory_space<semaphore_mem>>) src(%dma_wait3A_68 : memref<10000x64xf32, #tpu.memory_space<hbm>>) dst(%arg10 : memref<80x64xf32, #tpu.memory_space<vmem>>)
      "tpu.region"() ({
        %run_scoped3A_100 = tpu.sem_alloc : memref<!tpu.dma_semaphore, #tpu.memory_space<semaphore_mem>>
        %dma_start3A_101 = arith.constant 19680 : i32
        %dma_start3A_102 = tpu.memref_slice %arg8[%dma_start3A_101] : memref<20000xi32, #tpu.memory_space<vmem>> -> memref<80xi32, #tpu.memory_space<vmem>>
        %dma_start3A_103 = arith.constant 0 : i32
        %dma_start3A_104 = arith.constant 0 : i32
        %dma_start3A_105 = tpu.memref_slice %arg15[%dma_start3A_103, %dma_start3A_104] : memref<10000x64xf32, #tpu.memory_space<vmem_shared>> -> memref<10000x64xf32, #tpu.memory_space<vmem_shared>>
        tpu.enqueue_indirect_dma source(%arg10 : memref<80x64xf32, #tpu.memory_space<vmem>>) target(%dma_start3A_105 : memref<10000x64xf32, #tpu.memory_space<vmem_shared>>) offsets(%dma_start3A_102 : memref<80xi32, #tpu.memory_space<vmem>>) semaphore(%run_scoped3A_100 : memref<!tpu.dma_semaphore, #tpu.memory_space<semaphore_mem>>) {add = true}
        %dma_wait3A_106 = arith.constant 19680 : i32
        %dma_wait3A_107 = tpu.memref_slice %arg8[%dma_wait3A_106] : memref<20000xi32, #tpu.memory_space<vmem>> -> memref<80xi32, #tpu.memory_space<vmem>>
        %dma_wait3A_108 = arith.constant 0 : i32
        %dma_wait3A_109 = arith.constant 0 : i32
        %dma_wait3A_110 = tpu.memref_slice %arg15[%dma_wait3A_108, %dma_wait3A_109] : memref<10000x64xf32, #tpu.memory_space<vmem_shared>> -> memref<10000x64xf32, #tpu.memory_space<vmem_shared>>
        tpu.wait_indirect_dma semaphore(%run_scoped3A_100 : memref<!tpu.dma_semaphore, #tpu.memory_space<semaphore_mem>>) src(%arg10 : memref<80x64xf32, #tpu.memory_space<vmem>>) dst(%dma_wait3A_110 : memref<10000x64xf32, #tpu.memory_space<vmem_shared>>)
        tpu.yield
      }) : () -> ()
      %dma_wait3A_71 = arith.constant 2 : i32
      %dma_wait3A_72 = arith.constant 19760 : i32
      %dma_wait3A_73 = tpu.memref_slice %arg7[%dma_wait3A_72] : memref<20000xi32, #tpu.memory_space<vmem>> -> memref<80xi32, #tpu.memory_space<vmem>>
      %dma_wait3A_74 = arith.constant 0 : i32
      %dma_wait3A_75 = arith.constant 0 : i32
      %dma_wait3A_76 = tpu.memref_slice %arg3[%dma_wait3A_74, %dma_wait3A_75] : memref<10000x64xf32, #tpu.memory_space<hbm>> -> memref<10000x64xf32, #tpu.memory_space<hbm>>
      %dma_wait3A_77 = tpu.memref_slice %arg14[%dma_wait3A_71] : memref<5x!tpu.dma_semaphore, #tpu.memory_space<semaphore_mem>> -> memref<1x!tpu.dma_semaphore, #tpu.memory_space<semaphore_mem>>
      %dma_wait3A_78 = tpu.memref_squeeze %dma_wait3A_77 : memref<1x!tpu.dma_semaphore, #tpu.memory_space<semaphore_mem>> -> memref<!tpu.dma_semaphore, #tpu.memory_space<semaphore_mem>>
      tpu.wait_indirect_dma semaphore(%dma_wait3A_78 : memref<!tpu.dma_semaphore, #tpu.memory_space<semaphore_mem>>) src(%dma_wait3A_76 : memref<10000x64xf32, #tpu.memory_space<hbm>>) dst(%arg11 : memref<80x64xf32, #tpu.memory_space<vmem>>)
      "tpu.region"() ({
        %run_scoped3A_100 = tpu.sem_alloc : memref<!tpu.dma_semaphore, #tpu.memory_space<semaphore_mem>>
        %dma_start3A_101 = arith.constant 19760 : i32
        %dma_start3A_102 = tpu.memref_slice %arg8[%dma_start3A_101] : memref<20000xi32, #tpu.memory_space<vmem>> -> memref<80xi32, #tpu.memory_space<vmem>>
        %dma_start3A_103 = arith.constant 0 : i32
        %dma_start3A_104 = arith.constant 0 : i32
        %dma_start3A_105 = tpu.memref_slice %arg15[%dma_start3A_103, %dma_start3A_104] : memref<10000x64xf32, #tpu.memory_space<vmem_shared>> -> memref<10000x64xf32, #tpu.memory_space<vmem_shared>>
        tpu.enqueue_indirect_dma source(%arg11 : memref<80x64xf32, #tpu.memory_space<vmem>>) target(%dma_start3A_105 : memref<10000x64xf32, #tpu.memory_space<vmem_shared>>) offsets(%dma_start3A_102 : memref<80xi32, #tpu.memory_space<vmem>>) semaphore(%run_scoped3A_100 : memref<!tpu.dma_semaphore, #tpu.memory_space<semaphore_mem>>) {add = true}
        %dma_wait3A_106 = arith.constant 19760 : i32
        %dma_wait3A_107 = tpu.memref_slice %arg8[%dma_wait3A_106] : memref<20000xi32, #tpu.memory_space<vmem>> -> memref<80xi32, #tpu.memory_space<vmem>>
        %dma_wait3A_108 = arith.constant 0 : i32
        %dma_wait3A_109 = arith.constant 0 : i32
        %dma_wait3A_110 = tpu.memref_slice %arg15[%dma_wait3A_108, %dma_wait3A_109] : memref<10000x64xf32, #tpu.memory_space<vmem_shared>> -> memref<10000x64xf32, #tpu.memory_space<vmem_shared>>
        tpu.wait_indirect_dma semaphore(%run_scoped3A_100 : memref<!tpu.dma_semaphore, #tpu.memory_space<semaphore_mem>>) src(%arg11 : memref<80x64xf32, #tpu.memory_space<vmem>>) dst(%dma_wait3A_110 : memref<10000x64xf32, #tpu.memory_space<vmem_shared>>)
        tpu.yield
      }) : () -> ()
      %dma_wait3A_79 = arith.constant 3 : i32
      %dma_wait3A_80 = arith.constant 19840 : i32
      %dma_wait3A_81 = tpu.memref_slice %arg7[%dma_wait3A_80] : memref<20000xi32, #tpu.memory_space<vmem>> -> memref<80xi32, #tpu.memory_space<vmem>>
      %dma_wait3A_82 = arith.constant 0 : i32
      %dma_wait3A_83 = arith.constant 0 : i32
      %dma_wait3A_84 = tpu.memref_slice %arg3[%dma_wait3A_82, %dma_wait3A_83] : memref<10000x64xf32, #tpu.memory_space<hbm>> -> memref<10000x64xf32, #tpu.memory_space<hbm>>
      %dma_wait3A_85 = tpu.memref_slice %arg14[%dma_wait3A_79] : memref<5x!tpu.dma_semaphore, #tpu.memory_space<semaphore_mem>> -> memref<1x!tpu.dma_semaphore, #tpu.memory_space<semaphore_mem>>
      %dma_wait3A_86 = tpu.memref_squeeze %dma_wait3A_85 : memref<1x!tpu.dma_semaphore, #tpu.memory_space<semaphore_mem>> -> memref<!tpu.dma_semaphore, #tpu.memory_space<semaphore_mem>>
      tpu.wait_indirect_dma semaphore(%dma_wait3A_86 : memref<!tpu.dma_semaphore, #tpu.memory_space<semaphore_mem>>) src(%dma_wait3A_84 : memref<10000x64xf32, #tpu.memory_space<hbm>>) dst(%arg12 : memref<80x64xf32, #tpu.memory_space<vmem>>)
      "tpu.region"() ({
        %run_scoped3A_100 = tpu.sem_alloc : memref<!tpu.dma_semaphore, #tpu.memory_space<semaphore_mem>>
        %dma_start3A_101 = arith.constant 19840 : i32
        %dma_start3A_102 = tpu.memref_slice %arg8[%dma_start3A_101] : memref<20000xi32, #tpu.memory_space<vmem>> -> memref<80xi32, #tpu.memory_space<vmem>>
        %dma_start3A_103 = arith.constant 0 : i32
        %dma_start3A_104 = arith.constant 0 : i32
        %dma_start3A_105 = tpu.memref_slice %arg15[%dma_start3A_103, %dma_start3A_104] : memref<10000x64xf32, #tpu.memory_space<vmem_shared>> -> memref<10000x64xf32, #tpu.memory_space<vmem_shared>>
        tpu.enqueue_indirect_dma source(%arg12 : memref<80x64xf32, #tpu.memory_space<vmem>>) target(%dma_start3A_105 : memref<10000x64xf32, #tpu.memory_space<vmem_shared>>) offsets(%dma_start3A_102 : memref<80xi32, #tpu.memory_space<vmem>>) semaphore(%run_scoped3A_100 : memref<!tpu.dma_semaphore, #tpu.memory_space<semaphore_mem>>) {add = true}
        %dma_wait3A_106 = arith.constant 19840 : i32
        %dma_wait3A_107 = tpu.memref_slice %arg8[%dma_wait3A_106] : memref<20000xi32, #tpu.memory_space<vmem>> -> memref<80xi32, #tpu.memory_space<vmem>>
        %dma_wait3A_108 = arith.constant 0 : i32
        %dma_wait3A_109 = arith.constant 0 : i32
        %dma_wait3A_110 = tpu.memref_slice %arg15[%dma_wait3A_108, %dma_wait3A_109] : memref<10000x64xf32, #tpu.memory_space<vmem_shared>> -> memref<10000x64xf32, #tpu.memory_space<vmem_shared>>
        tpu.wait_indirect_dma semaphore(%run_scoped3A_100 : memref<!tpu.dma_semaphore, #tpu.memory_space<semaphore_mem>>) src(%arg12 : memref<80x64xf32, #tpu.memory_space<vmem>>) dst(%dma_wait3A_110 : memref<10000x64xf32, #tpu.memory_space<vmem_shared>>)
        tpu.yield
      }) : () -> ()
      %dma_wait3A_87 = arith.constant 4 : i32
      %dma_wait3A_88 = arith.constant 19920 : i32
      %dma_wait3A_89 = tpu.memref_slice %arg7[%dma_wait3A_88] : memref<20000xi32, #tpu.memory_space<vmem>> -> memref<80xi32, #tpu.memory_space<vmem>>
      %dma_wait3A_90 = arith.constant 0 : i32
      %dma_wait3A_91 = arith.constant 0 : i32
      %dma_wait3A_92 = tpu.memref_slice %arg3[%dma_wait3A_90, %dma_wait3A_91] : memref<10000x64xf32, #tpu.memory_space<hbm>> -> memref<10000x64xf32, #tpu.memory_space<hbm>>
      %dma_wait3A_93 = tpu.memref_slice %arg14[%dma_wait3A_87] : memref<5x!tpu.dma_semaphore, #tpu.memory_space<semaphore_mem>> -> memref<1x!tpu.dma_semaphore, #tpu.memory_space<semaphore_mem>>
      %dma_wait3A_94 = tpu.memref_squeeze %dma_wait3A_93 : memref<1x!tpu.dma_semaphore, #tpu.memory_space<semaphore_mem>> -> memref<!tpu.dma_semaphore, #tpu.memory_space<semaphore_mem>>
      tpu.wait_indirect_dma semaphore(%dma_wait3A_94 : memref<!tpu.dma_semaphore, #tpu.memory_space<semaphore_mem>>) src(%dma_wait3A_92 : memref<10000x64xf32, #tpu.memory_space<hbm>>) dst(%arg13 : memref<80x64xf32, #tpu.memory_space<vmem>>)
      "tpu.region"() ({
        %run_scoped3A_100 = tpu.sem_alloc : memref<!tpu.dma_semaphore, #tpu.memory_space<semaphore_mem>>
        %dma_start3A_101 = arith.constant 19920 : i32
        %dma_start3A_102 = tpu.memref_slice %arg8[%dma_start3A_101] : memref<20000xi32, #tpu.memory_space<vmem>> -> memref<80xi32, #tpu.memory_space<vmem>>
        %dma_start3A_103 = arith.constant 0 : i32
        %dma_start3A_104 = arith.constant 0 : i32
        %dma_start3A_105 = tpu.memref_slice %arg15[%dma_start3A_103, %dma_start3A_104] : memref<10000x64xf32, #tpu.memory_space<vmem_shared>> -> memref<10000x64xf32, #tpu.memory_space<vmem_shared>>
        tpu.enqueue_indirect_dma source(%arg13 : memref<80x64xf32, #tpu.memory_space<vmem>>) target(%dma_start3A_105 : memref<10000x64xf32, #tpu.memory_space<vmem_shared>>) offsets(%dma_start3A_102 : memref<80xi32, #tpu.memory_space<vmem>>) semaphore(%run_scoped3A_100 : memref<!tpu.dma_semaphore, #tpu.memory_space<semaphore_mem>>) {add = true}
        %dma_wait3A_106 = arith.constant 19920 : i32
        %dma_wait3A_107 = tpu.memref_slice %arg8[%dma_wait3A_106] : memref<20000xi32, #tpu.memory_space<vmem>> -> memref<80xi32, #tpu.memory_space<vmem>>
        %dma_wait3A_108 = arith.constant 0 : i32
        %dma_wait3A_109 = arith.constant 0 : i32
        %dma_wait3A_110 = tpu.memref_slice %arg15[%dma_wait3A_108, %dma_wait3A_109] : memref<10000x64xf32, #tpu.memory_space<vmem_shared>> -> memref<10000x64xf32, #tpu.memory_space<vmem_shared>>
        tpu.wait_indirect_dma semaphore(%run_scoped3A_100 : memref<!tpu.dma_semaphore, #tpu.memory_space<semaphore_mem>>) src(%arg13 : memref<80x64xf32, #tpu.memory_space<vmem>>) dst(%dma_wait3A_110 : memref<10000x64xf32, #tpu.memory_space<vmem_shared>>)
        tpu.yield
      }) : () -> ()
      %barrier3A_95 = arith.constant 0 : index
      tpu.barrier barrier_id(%barrier3A_95)
      %mul3A_96 = arith.constant 625 : i32
      %mul3A_97 = arith.muli %arg1, %mul3A_96 : i32
      %mul3A_98 = arith.constant 625 : i32
      %mul3A_99 = arith.muli %arg1, %mul3A_98 : i32
      "tpu.region"() ({
        %run_scoped3A_100 = tpu.sem_alloc : memref<!tpu.dma_semaphore, #tpu.memory_space<semaphore_mem>>
        %dma_start3A_101 = arith.constant 0 : i32
        %dma_start3A_102 = tpu.memref_slice %arg6[%mul3A_99, %dma_start3A_101] : memref<10000x64xf32, #tpu.memory_space<hbm>> -> memref<625x64xf32, #tpu.memory_space<hbm>>
        %dma_start3A_103 = arith.constant 0 : i32
        %dma_start3A_104 = tpu.memref_slice %arg15[%mul3A_97, %dma_start3A_103] : memref<10000x64xf32, #tpu.memory_space<vmem_shared>> -> memref<625x64xf32, #tpu.memory_space<vmem_shared>>
        tpu.enqueue_dma source(%dma_start3A_104 : memref<625x64xf32, #tpu.memory_space<vmem_shared>>) target(%dma_start3A_102 : memref<625x64xf32, #tpu.memory_space<hbm>>) target_semaphore(%run_scoped3A_100 : memref<!tpu.dma_semaphore, #tpu.memory_space<semaphore_mem>>)
        %dma_wait3A_105 = arith.constant 0 : i32
        %dma_wait3A_106 = tpu.memref_slice %arg6[%mul3A_99, %dma_wait3A_105] : memref<10000x64xf32, #tpu.memory_space<hbm>> -> memref<625x64xf32, #tpu.memory_space<hbm>>
        %dma_wait3A_107 = arith.constant 0 : i32
        %dma_wait3A_108 = tpu.memref_slice %arg15[%mul3A_97, %dma_wait3A_107] : memref<10000x64xf32, #tpu.memory_space<vmem_shared>> -> memref<625x64xf32, #tpu.memory_space<vmem_shared>>
        tpu.wait_dma2 semaphore(%run_scoped3A_100 : memref<!tpu.dma_semaphore, #tpu.memory_space<semaphore_mem>>) src(%dma_wait3A_108 : memref<625x64xf32, #tpu.memory_space<vmem_shared>>) dst(%dma_wait3A_106 : memref<625x64xf32, #tpu.memory_space<hbm>>)
        tpu.yield
      }) : () -> ()
    } else {
    }
    return
  }
}

module attributes {stable_mosaic.version = 14 : i64} {
  func.func @body(%arg0: i32, %arg1: memref<2000x128xf32, #tpu.memory_space<vmem>>, %arg2: memref<2000x1xf32, #tpu.memory_space<vmem>>, %arg3: memref<2000x64xf32, #tpu.memory_space<vmem>>, %arg4: memref<2000x64xf32, #tpu.memory_space<vmem>>) attributes {dimension_semantics = [#tpu.dimension_semantics<arbitrary>], iteration_bounds = array<i64: 5>, scalar_prefetch = 0 : i64, scratch_operands = 0 : i64, tpu.core_type = #tpu.core_type<tc>, window_params = [{transform_indices = @transform_0, window_bounds = array<i64: 2000, 128>}, {transform_indices = @transform_1, window_bounds = array<i64: 2000, 1>}, {transform_indices = @transform_2, window_bounds = array<i64: 2000, 64>}, {transform_indices = @transform_3, window_bounds = array<i64: 2000, 64>}]} {
    %get3A = arith.constant 0 : index
    %get3A_0 = arith.constant 0 : index
    %get3A_1 = vector.load %arg1[%get3A, %get3A_0] : memref<2000x128xf32, #tpu.memory_space<vmem>>, vector<2000x128xf32>
    %get3A_2 = arith.constant 0 : index
    %get3A_3 = arith.constant 0 : index
    %get3A_4 = vector.load %arg2[%get3A_2, %get3A_3] : memref<2000x1xf32, #tpu.memory_space<vmem>>, vector<2000x1xf32>
    %mul3A = vector.broadcast %get3A_4 : vector<2000x1xf32> to vector<2000x128xf32>
    %mul3A_5 = arith.mulf %get3A_1, %mul3A : vector<2000x128xf32>
    %slice3A = vector.extract_strided_slice %mul3A_5 {offsets = [0, 0], sizes = [2000, 64], strides = [1, 1]} : vector<2000x128xf32> to vector<2000x64xf32>
    %swap3A = arith.constant 0 : index
    %swap3A_6 = arith.constant 0 : index
    %swap3A_7 = vector.load %arg3[%swap3A, %swap3A_6] : memref<2000x64xf32, #tpu.memory_space<vmem>>, vector<2000x64xf32>
    tpu.vector_store %arg3[%swap3A, %swap3A_6], %slice3A {strides = array<i32>} : memref<2000x64xf32, #tpu.memory_space<vmem>>, vector<2000x64xf32>,
    %slice3A_8 = vector.extract_strided_slice %mul3A_5 {offsets = [0, 64], sizes = [2000, 64], strides = [1, 1]} : vector<2000x128xf32> to vector<2000x64xf32>
    %swap3A_9 = arith.constant 0 : index
    %swap3A_10 = arith.constant 0 : index
    %swap3A_11 = vector.load %arg4[%swap3A_9, %swap3A_10] : memref<2000x64xf32, #tpu.memory_space<vmem>>, vector<2000x64xf32>
    tpu.vector_store %arg4[%swap3A_9, %swap3A_10], %slice3A_8 {strides = array<i32>} : memref<2000x64xf32, #tpu.memory_space<vmem>>, vector<2000x64xf32>,
    return
  }
  func.func @transform_0(%arg0: i32) -> (i32, i32) {
    %c0_i32 = arith.constant 0 : i32
    %c0_i32_0 = arith.constant 0 : i32
    return %arg0, %c0_i32 : i32, i32
  }
  func.func @transform_1(%arg0: i32) -> (i32, i32) {
    %c0_i32 = arith.constant 0 : i32
    %c0_i32_0 = arith.constant 0 : i32
    return %arg0, %c0_i32 : i32, i32
  }
  func.func @transform_2(%arg0: i32) -> (i32, i32) {
    %c0_i32 = arith.constant 0 : i32
    %c0_i32_0 = arith.constant 0 : i32
    return %arg0, %c0_i32 : i32, i32
  }
  func.func @transform_3(%arg0: i32) -> (i32, i32) {
    %c0_i32 = arith.constant 0 : i32
    %c0_i32_0 = arith.constant 0 : i32
    return %arg0, %c0_i32 : i32, i32
  }
}

module attributes {stable_mosaic.version = 14 : i64} {
  func.func @body(%arg0: memref<32x10000xf32, #tpu.memory_space<vmem>>, %arg1: memref<10000x1xf32, #tpu.memory_space<vmem>>) attributes {dimension_semantics = [], scalar_prefetch = 0 : i64, scratch_operands = 0 : i64, tpu.core_type = #tpu.core_type<tc>} {
    %get3A = arith.constant 0 : index
    %get3A_0 = arith.constant 0 : index
    %get3A_1 = vector.load %arg0[%get3A, %get3A_0] : memref<32x10000xf32, #tpu.memory_space<vmem>>, vector<32x10000xf32>
    %reduce_sum3A = arith.constant dense<0.000000e+00> : vector<10000xf32>
    %reduce_sum3A_2 = vector.multi_reduction <add>, %get3A_1, %reduce_sum3A [0] : vector<32x10000xf32> to vector<10000xf32>
    %add3A = arith.constant 1.000000e+00 : f32
    %add3A_3 = vector.broadcast %add3A : f32 to vector<10000xf32>
    %add3A_4 = arith.addf %reduce_sum3A_2, %add3A_3 : vector<10000xf32>
    %rsqrt3A = math.rsqrt %add3A_4 : vector<10000xf32>
    %broadcast_in_dim3A = vector.shape_cast %rsqrt3A : vector<10000xf32> to vector<10000x1xf32>
    %swap3A = arith.constant 0 : index
    %swap3A_5 = arith.constant 0 : index
    %swap3A_6 = vector.load %arg1[%swap3A, %swap3A_5] : memref<10000x1xf32, #tpu.memory_space<vmem>>, vector<10000x1xf32>
    tpu.vector_store %arg1[%swap3A, %swap3A_5], %broadcast_in_dim3A {strides = array<i32>} : memref<10000x1xf32, #tpu.memory_space<vmem>>, vector<10000x1xf32>,
    return
  }
}

module attributes {stable_mosaic.version = 14 : i64} {
  func.func @body(%arg0: i32, %arg1: memref<2000x64xf32, #tpu.memory_space<vmem>>, %arg2: memref<2000x64xf32, #tpu.memory_space<vmem>>, %arg3: memref<2000x1xf32, #tpu.memory_space<vmem>>, %arg4: memref<128x128xf32, #tpu.memory_space<vmem>>, %arg5: memref<1x128xf32, #tpu.memory_space<vmem>>, %arg6: memref<128x16xf32, #tpu.memory_space<vmem>>, %arg7: memref<2000x16xf32, #tpu.memory_space<vmem>>) attributes {dimension_semantics = [#tpu.dimension_semantics<arbitrary>], iteration_bounds = array<i64: 5>, scalar_prefetch = 0 : i64, scratch_operands = 0 : i64, tpu.core_type = #tpu.core_type<tc>, window_params = [{transform_indices = @transform_0, window_bounds = array<i64: 2000, 64>}, {transform_indices = @transform_1, window_bounds = array<i64: 2000, 64>}, {transform_indices = @transform_2, window_bounds = array<i64: 2000, 1>}, {pipeline_mode = #tpu.pipeline_mode<synchronous>, transform_indices = @transform_3, window_bounds = array<i64: 128, 128>}, {pipeline_mode = #tpu.pipeline_mode<synchronous>, transform_indices = @transform_4, window_bounds = array<i64: 1, 128>}, {pipeline_mode = #tpu.pipeline_mode<synchronous>, transform_indices = @transform_5, window_bounds = array<i64: 128, 16>}, {transform_indices = @transform_6, window_bounds = array<i64: 2000, 16>}]} {
    %get3A = arith.constant 0 : index
    %get3A_0 = arith.constant 0 : index
    %get3A_1 = vector.load %arg1[%get3A, %get3A_0] : memref<2000x64xf32, #tpu.memory_space<vmem>>, vector<2000x64xf32>
    %get3A_2 = arith.constant 0 : index
    %get3A_3 = arith.constant 0 : index
    %get3A_4 = vector.load %arg2[%get3A_2, %get3A_3] : memref<2000x64xf32, #tpu.memory_space<vmem>>, vector<2000x64xf32>
    %concatenate3A = tpu.concatenate %get3A_1, %get3A_4 in 1 : vector<2000x64xf32>, vector<2000x64xf32> -> vector<2000x128xf32>
    %get3A_5 = arith.constant 0 : index
    %get3A_6 = arith.constant 0 : index
    %get3A_7 = vector.load %arg3[%get3A_5, %get3A_6] : memref<2000x1xf32, #tpu.memory_space<vmem>>, vector<2000x1xf32>
    %mul3A = vector.broadcast %get3A_7 : vector<2000x1xf32> to vector<2000x128xf32>
    %mul3A_8 = arith.mulf %concatenate3A, %mul3A : vector<2000x128xf32>
    %get3A_9 = arith.constant 0 : index
    %get3A_10 = arith.constant 0 : index
    %get3A_11 = vector.load %arg4[%get3A_9, %get3A_10] : memref<128x128xf32, #tpu.memory_space<vmem>>, vector<128x128xf32>
    %dot_general3A = arith.constant dense<0.000000e+00> : vector<2000x128xf32>
    %dot_general3A_12 = tpu.matmul %mul3A_8, %get3A_11, %dot_general3A {dimension_numbers = #tpu.dot_dimension_numbers<[1], [0], [0], [1], [0, 0, 1, 1], [], []>, precision = #tpu.contract_precision<fp32>, transpose_lhs_hint = false} : vector<2000x128xf32>, vector<128x128xf32>, vector<2000x128xf32> -> vector<2000x128xf32>
    %get3A_13 = arith.constant 0 : index
    %get3A_14 = arith.constant 0 : index
    %get3A_15 = vector.load %arg5[%get3A_13, %get3A_14] : memref<1x128xf32, #tpu.memory_space<vmem>>, vector<1x128xf32>
    %add3A = vector.broadcast %get3A_15 : vector<1x128xf32> to vector<2000x128xf32>
    %add3A_16 = arith.addf %dot_general3A_12, %add3A : vector<2000x128xf32>
    %max3A = arith.constant 0.000000e+00 : f32
    %max3A_17 = vector.broadcast %max3A : f32 to vector<2000x128xf32>
    %max3A_18 = arith.maximumf %add3A_16, %max3A_17 : vector<2000x128xf32>
    %get3A_19 = arith.constant 0 : index
    %get3A_20 = arith.constant 0 : index
    %get3A_21 = vector.load %arg6[%get3A_19, %get3A_20] : memref<128x16xf32, #tpu.memory_space<vmem>>, vector<128x16xf32>
    %dot_general3A_22 = arith.constant dense<0.000000e+00> : vector<2000x16xf32>
    %dot_general3A_23 = tpu.matmul %max3A_18, %get3A_21, %dot_general3A_22 {dimension_numbers = #tpu.dot_dimension_numbers<[1], [0], [0], [1], [0, 0, 1, 1], [], []>, precision = #tpu.contract_precision<fp32>, transpose_lhs_hint = false} : vector<2000x128xf32>, vector<128x16xf32>, vector<2000x16xf32> -> vector<2000x16xf32>
    %mul3A_24 = vector.broadcast %get3A_7 : vector<2000x1xf32> to vector<2000x16xf32>
    %mul3A_25 = arith.mulf %dot_general3A_23, %mul3A_24 : vector<2000x16xf32>
    %swap3A = arith.constant 0 : index
    %swap3A_26 = arith.constant 0 : index
    %swap3A_27 = vector.load %arg7[%swap3A, %swap3A_26] : memref<2000x16xf32, #tpu.memory_space<vmem>>, vector<2000x16xf32>
    tpu.vector_store %arg7[%swap3A, %swap3A_26], %mul3A_25 {strides = array<i32>} : memref<2000x16xf32, #tpu.memory_space<vmem>>, vector<2000x16xf32>,
    return
  }
  func.func @transform_0(%arg0: i32) -> (i32, i32) {
    %c0_i32 = arith.constant 0 : i32
    %c0_i32_0 = arith.constant 0 : i32
    return %arg0, %c0_i32 : i32, i32
  }
  func.func @transform_1(%arg0: i32) -> (i32, i32) {
    %c0_i32 = arith.constant 0 : i32
    %c0_i32_0 = arith.constant 0 : i32
    return %arg0, %c0_i32 : i32, i32
  }
  func.func @transform_2(%arg0: i32) -> (i32, i32) {
    %c0_i32 = arith.constant 0 : i32
    %c0_i32_0 = arith.constant 0 : i32
    return %arg0, %c0_i32 : i32, i32
  }
  func.func @transform_3(%arg0: i32) -> (i32, i32) {
    %c0_i32 = arith.constant 0 : i32
    %c0_i32_0 = arith.constant 0 : i32
    %c0_i32_1 = arith.constant 0 : i32
    return %c0_i32, %c0_i32_0 : i32, i32
  }
  func.func @transform_4(%arg0: i32) -> (i32, i32) {
    %c0_i32 = arith.constant 0 : i32
    %c0_i32_0 = arith.constant 0 : i32
    %c0_i32_1 = arith.constant 0 : i32
    return %c0_i32, %c0_i32_0 : i32, i32
  }
  func.func @transform_5(%arg0: i32) -> (i32, i32) {
    %c0_i32 = arith.constant 0 : i32
    %c0_i32_0 = arith.constant 0 : i32
    %c0_i32_1 = arith.constant 0 : i32
    return %c0_i32, %c0_i32_0 : i32, i32
  }
  func.func @transform_6(%arg0: i32) -> (i32, i32) {
    %c0_i32 = arith.constant 0 : i32
    %c0_i32_0 = arith.constant 0 : i32
    return %arg0, %c0_i32 : i32, i32
  }
}

module attributes {stable_mosaic.version = 14 : i64} {
  func.func @body(%arg0: i32, %arg1: memref<2x2000x16xf32, #tpu.memory_space<vmem>>, %arg2: memref<2000x16xf32, #tpu.memory_space<vmem>>, %arg3: memref<2000x1xf32, #tpu.memory_space<vmem>>, %arg4: memref<1x16xf32, #tpu.memory_space<vmem>>, %arg5: memref<2000x10xf32, #tpu.memory_space<vmem>>) attributes {dimension_semantics = [#tpu.dimension_semantics<arbitrary>], iteration_bounds = array<i64: 5>, scalar_prefetch = 0 : i64, scratch_operands = 0 : i64, tpu.core_type = #tpu.core_type<tc>, window_params = [{transform_indices = @transform_0, window_bounds = array<i64: 2, 2000, 16>}, {transform_indices = @transform_1, window_bounds = array<i64: 2000, 16>}, {transform_indices = @transform_2, window_bounds = array<i64: 2000, 1>}, {pipeline_mode = #tpu.pipeline_mode<synchronous>, transform_indices = @transform_3, window_bounds = array<i64: 1, 16>}, {transform_indices = @transform_4, window_bounds = array<i64: 2000, 10>}]} {
    %get3A = arith.constant 0 : index
    %get3A_0 = arith.constant 0 : index
    %get3A_1 = arith.constant 0 : index
    %get3A_2 = vector.load %arg1[%get3A, %get3A_0, %get3A_1] : memref<2x2000x16xf32, #tpu.memory_space<vmem>>, vector<1x2000x16xf32>
    %get3A_3 = vector.shape_cast %get3A_2 : vector<1x2000x16xf32> to vector<2000x16xf32>
    %get3A_4 = arith.constant 1 : index
    %get3A_5 = arith.constant 0 : index
    %get3A_6 = arith.constant 0 : index
    %get3A_7 = vector.load %arg1[%get3A_4, %get3A_5, %get3A_6] : memref<2x2000x16xf32, #tpu.memory_space<vmem>>, vector<1x2000x16xf32>
    %get3A_8 = vector.shape_cast %get3A_7 : vector<1x2000x16xf32> to vector<2000x16xf32>
    %add3A = arith.addf %get3A_3, %get3A_8 : vector<2000x16xf32>
    %get3A_9 = arith.constant 0 : index
    %get3A_10 = arith.constant 0 : index
    %get3A_11 = vector.load %arg2[%get3A_9, %get3A_10] : memref<2000x16xf32, #tpu.memory_space<vmem>>, vector<2000x16xf32>
    %sub3A = arith.subf %add3A, %get3A_11 : vector<2000x16xf32>
    %get3A_12 = arith.constant 0 : index
    %get3A_13 = arith.constant 0 : index
    %get3A_14 = vector.load %arg3[%get3A_12, %get3A_13] : memref<2000x1xf32, #tpu.memory_space<vmem>>, vector<2000x1xf32>
    %mul3A = vector.broadcast %get3A_14 : vector<2000x1xf32> to vector<2000x16xf32>
    %mul3A_15 = arith.mulf %sub3A, %mul3A : vector<2000x16xf32>
    %get3A_16 = arith.constant 0 : index
    %get3A_17 = arith.constant 0 : index
    %get3A_18 = vector.load %arg4[%get3A_16, %get3A_17] : memref<1x16xf32, #tpu.memory_space<vmem>>, vector<1x16xf32>
    %add3A_19 = vector.broadcast %get3A_18 : vector<1x16xf32> to vector<2000x16xf32>
    %add3A_20 = arith.addf %mul3A_15, %add3A_19 : vector<2000x16xf32>
    %slice3A = vector.extract_strided_slice %add3A_20 {offsets = [0, 0], sizes = [2000, 10], strides = [1, 1]} : vector<2000x16xf32> to vector<2000x10xf32>
    %swap3A = arith.constant 0 : index
    %swap3A_21 = arith.constant 0 : index
    %swap3A_22 = vector.load %arg5[%swap3A, %swap3A_21] : memref<2000x10xf32, #tpu.memory_space<vmem>>, vector<2000x10xf32>
    tpu.vector_store %arg5[%swap3A, %swap3A_21], %slice3A {strides = array<i32>} : memref<2000x10xf32, #tpu.memory_space<vmem>>, vector<2000x10xf32>,
    return
  }
  func.func @transform_0(%arg0: i32) -> (i32, i32, i32) {
    %c0_i32 = arith.constant 0 : i32
    %c0_i32_0 = arith.constant 0 : i32
    %c0_i32_1 = arith.constant 0 : i32
    return %c0_i32, %arg0, %c0_i32_0 : i32, i32, i32
  }
  func.func @transform_1(%arg0: i32) -> (i32, i32) {
    %c0_i32 = arith.constant 0 : i32
    %c0_i32_0 = arith.constant 0 : i32
    return %arg0, %c0_i32 : i32, i32
  }
  func.func @transform_2(%arg0: i32) -> (i32, i32) {
    %c0_i32 = arith.constant 0 : i32
    %c0_i32_0 = arith.constant 0 : i32
    return %arg0, %c0_i32 : i32, i32
  }
  func.func @transform_3(%arg0: i32) -> (i32, i32) {
    %c0_i32 = arith.constant 0 : i32
    %c0_i32_0 = arith.constant 0 : i32
    %c0_i32_1 = arith.constant 0 : i32
    return %c0_i32, %c0_i32_0 : i32, i32
  }
  func.func @transform_4(%arg0: i32) -> (i32, i32) {
    %c0_i32 = arith.constant 0 : i32
    %c0_i32_0 = arith.constant 0 : i32
    return %arg0, %c0_i32 : i32, i32
  }
}

</mosaic_0001>

<sc_bundles>
// kernel: kernel.12.cloned.1.call-start
scs
__scs_entry_jumppad:
0x0: {  	(pc) =	sbr.rel $0x88, $3  }
0x1: {  	(tag) =	ssettag $0x0;
	lr =	simm.s32 $0x1  }
0x2: {  	[smem:$0x3F9B] =	sst lr;
	_ =	strace $0xD0000000  }
0x3: {  	_ = 	snop  }
0x4: {  	_ = 	snop  }
0x5: {  	_ = 	snop  }
0x6: {  	_ = 	snop  }
0x7: {  	_ = 	snop  }
__scs_overlays_trampoline_lowered:
0x8: {  	[smem:$0x3FAA] =	sst s0  }
0x9: {  	[smem:$0x3FAB] =	sst s1  }
0xa: {  	[smem:$0x3FAC] =	sst s2  }
0xb: {  	[smem:$0x3FAD] =	sst s3  }
0xc: {  	[smem:$0x3FAE] =	sst s4  }
0xd: {  	[smem:$0x3FAF] =	sst s5  }
0xe: {  	[smem:$0x3FB0] =	sst s6  }
0xf: {  	[smem:$0x3FB1] =	sst s7  }
0x10: {  	[smem:$0x3FB2] =	sst s8  }
0x11: {  	[smem:$0x3FB3] =	sst s9;
	s0 =	simm.s32 @!p0 $0x0  }
0x12: {  	s1 =	sld [smem:$0x3F99];
	s0 =	simm.s32 @p0 $0x1  }
0x13: {  	[smem:$0x3FB4] =	sst s0;
	s0 =	simm.s32 @!p1 $0x0  }
0x14: {  	s2 =	sld [smem:$0x3F98];
	s0 =	simm.s32 @p1 $0x1  }
0x15: {  	[smem:$0x3FB5] =	sst s0;
	s0 =	simm.s32 @!p2 $0x0  }
0x16: {  	s3 =	sld [smem:$0x3FDB];
	s0 =	simm.s32 @p2 $0x1  }
0x17: {  	s4 =	simm.s32 $0x1BF5;
	[smem:$0x3FB7] =	sst s0  }
0x18: {  	s0 =	sld [smem:$0x3F9A];
	_ =	swait.ge [sflag:s4], $0x0  }
0x19: {  	s7 =	sld [smem:$0x3F9B]  }
0x1a: {  	s8 =	sadd.s32 $0xFFFFE003, lr  }
0x1b: {  	s9 =	sadd.s32 $0xFFFFFEF7, lr;
	s5 =	simm.s32 $0xFFFFFFFF;
	p2 =	slt.u32 s8, $0xFFFFF086  }
0x1c: {  	p1 =	slt.u32 s9, $0xF7A;
	s5 =	simm.s32 @!p2 $0x0  }
0x1d: {  	s5 =	simm.s32 @p1 $0x1;
	p0 =	seq.s32 s7, s2  }
0x1e: {  	s7 =	smul.u32 @!p0 $0xF7A, s2;
	p2 =	seq.s32 @!p0 s5, $0x0  }
0x1f: {  	s9 =	smul.u32 $0xF7A, s1;
	s8 =	simm.s32 @!p0 $0x1BF5;
	p2 =	por !p2, p0  }
0x20: {  	[sflag:s8] =	ssyncset.s32 @!p0 $0xFFFFF086;
	s6 =	sadd.s32 @!p0 s3, s7;
	s7 =	simm.s32 @!p0 $0x108  }
0x21: {  	s3 =	sadd.s32 s3, s9;
	s6 =	sadd.s32 @!p0 $0x88, s6;
	s7 =	simm.s32 @p2 $0x1082  }
0x22: {  	[simem:s7], [sflag:s8] =	dma.local @!p0 [hbm:s6], $0xF7A  }
0x23: {  	s9 =	sor.u32 $0xD0000000, s2;
	s6 =	simm.s32 $0x108;
	_ =	swait.ge @!p0 [sflag:s8], $0x0  }
0x24: {  	s3 =	sadd.s32 $0x88, s3;
	s6 =	simm.s32 @!p1 $0x1082;
	[sflag:s4] =	ssyncset.s32 $0xFFFFF086  }
0x25: {  	[simem:s6], [sflag:s4] =	dma.local [hbm:s3], $0xF7A  }
0x26: {  	[smem:$0x3F9B] =	sst s1;
	(tag) =	ssettag s2;
	_ =	strace s9  }
0x27: {  	s1 =	sld [smem:$0x3FAB]  }
0x28: {  	s2 =	sld [smem:$0x3FAC]  }
0x29: {  	s4 =	sld [smem:$0x3FAE]  }
0x2a: {  	p0 =	seq.s32 s5, $0x0;
	s5 =	sld [smem:$0x3FAF]  }
0x2b: {  	s6 =	sld [smem:$0x3FB0]  }
0x2c: {  	s7 =	sld [smem:$0x3FB1]  }
0x2d: {  	s3 =	simm.s32 $0x108;
	s8 =	sld [smem:$0x3FB2]  }
0x2e: {  	s3 =	simm.s32 @!p0 $0x1082;
	s9 =	sld [smem:$0x3FB3]  }
0x2f: {  	lr =	sadd.s32 s0, s3;
	s0 =	sld [smem:$0x3FAA]  }
0x30: {  	s3 =	sld [smem:$0x3FAD]  }
0x31: {  	[smem:$0x3FB6] =	sst s10  }
0x32: {  	s10 =	sld [smem:$0x3FB4];
	_ =	sdelay $0x3  }
0x33: {  	p0 =	seq.s32 s10, $0x1;
	s10 =	sld [smem:$0x3FB6];
	_ =	sdelay $0x3  }
0x34: {  	[smem:$0x3FB6] =	sst s10  }
0x35: {  	s10 =	sld [smem:$0x3FB5];
	_ =	sdelay $0x3  }
0x36: {  	p1 =	seq.s32 s10, $0x1;
	s10 =	sld [smem:$0x3FB6];
	_ =	sdelay $0x3  }
0x37: {  	[smem:$0x3FB6] =	sst s10  }
0x38: {  	s10 =	sld [smem:$0x3FB7]  }
0x39: {  	_ = 	snop;
	(pc) =	sbr.ind lr, $3  }
0x3a: {  	_ = 	snop  }
0x3b: {  	_ = 	snop  }
0x3c: {  	p2 =	seq.s32 s10, $0x1;
	s10 =	sld [smem:$0x3FB6]  }
0x3d: {  	_ =	shalt  }
0x3e: {  	_ =	shalt  }
0x3f: {  	_ =	shalt  }
0x40: {  	_ =	shalt  }
0x41: {  	_ =	shalt  }
0x42: {  	_ =	shalt  }
0x43: {  	_ =	shalt  }
0x44: {  	_ =	shalt  }
0x45: {  	_ =	shalt  }
0x46: {  	_ =	shalt  }
0x47: {  	_ =	shalt  }
0x48: {  	_ =	shalt  }
0x49: {  	_ =	shalt  }
0x4a: {  	_ =	shalt  }
0x4b: {  	_ =	shalt  }
0x4c: {  	_ =	shalt  }
0x4d: {  	_ =	shalt  }
0x4e: {  	_ =	shalt  }
0x4f: {  	_ =	shalt  }
0x50: {  	_ =	shalt  }
0x51: {  	_ =	shalt  }
0x52: {  	_ =	shalt  }
0x53: {  	_ =	shalt  }
0x54: {  	_ =	shalt  }
0x55: {  	_ =	shalt  }
0x56: {  	_ =	shalt  }
0x57: {  	_ =	shalt  }
0x58: {  	_ =	shalt  }
0x59: {  	_ =	shalt  }
0x5a: {  	_ =	shalt  }
0x5b: {  	_ =	shalt  }
0x5c: {  	_ =	shalt  }
0x5d: {  	_ =	shalt  }
0x5e: {  	_ =	shalt  }
0x5f: {  	_ =	shalt  }
0x60: {  	_ =	shalt  }
0x61: {  	_ =	shalt  }
0x62: {  	_ =	shalt  }
0x63: {  	_ =	shalt  }
0x64: {  	_ =	shalt  }
0x65: {  	_ =	shalt  }
0x66: {  	_ =	shalt  }
0x67: {  	_ =	shalt  }
0x68: {  	_ =	shalt  }
0x69: {  	_ =	shalt  }
0x6a: {  	_ =	shalt  }
0x6b: {  	_ =	shalt  }
0x6c: {  	_ =	shalt  }
0x6d: {  	_ =	shalt  }
0x6e: {  	_ =	shalt  }
0x6f: {  	_ =	shalt  }
0x70: {  	_ =	shalt  }
0x71: {  	_ =	shalt  }
0x72: {  	_ =	shalt  }
0x73: {  	_ =	shalt  }
0x74: {  	_ =	shalt  }
0x75: {  	_ =	shalt  }
0x76: {  	_ =	shalt  }
0x77: {  	_ =	shalt  }
0x78: {  	_ =	shalt  }
0x79: {  	_ =	shalt  }
0x7a: {  	_ =	shalt  }
0x7b: {  	_ =	shalt  }
0x7c: {  	_ =	shalt  }
0x7d: {  	_ =	shalt  }
0x7e: {  	_ =	shalt  }
0x7f: {  	_ =	shalt  }
0x80: {  	_ =	shalt  }
0x81: {  	_ =	shalt  }
0x82: {  	_ =	shalt  }
0x83: {  	_ =	shalt  }
0x84: {  	_ =	shalt  }
0x85: {  	_ =	shalt  }
0x86: {  	_ =	shalt  }
0x87: {  	_ =	shalt  }
.Lfunc_end0:
.L_simem_size_0:
called_computation.1_lowered:
.L_overlay_start_0:
0x88: {  	s2 =	sld [smem:$0x3FD9]  }
0x89: {  	s3 =	sld [smem:$0x3FFE];
	_ =	sdelay $0x1  }
0x8a: {  	s1 =	srdreg.scid  }
0x8b: {  	s0 =	sand.u32 $0x1, s1  }
0x8c: {  	s14 =	sshll.u32 s0, $0xA;
	s2 =	sadd.s32 s3, s2  }
0x8d: {  	s2 =	sadd.s32 s2, s14  }
0x8e: {  	[smem:$0x3FC2] =	sst s2  }
0x8f: {  	_ = 	snop  }
0x90: {  	s2 =	sld [smem:$0x3FD0];
	_ =	sdelay $0x2  }
0x91: {  	s15 =	simm.s32 $0xA;
	s4 =	simm.s32 $0x10  }
0x92: {  	[smem:s4], [sflag:s15] =	dma.local [hbm:s2], $0x1  }
0x93: {  	_ =	swait.eq [sflag:s15], $0x1  }
0x94: {  	[sflag:s15] =	ssyncset.done $0x0  }
0x95: {  	[sflag:s15] =	ssyncadd.s32 $0xFFFFFFFF  }
0x96: {  	s16 =	sld [smem:$0x11];
	(tm) =	ssettm $0x1  }
0x97: {  	s17 =	sld [smem:$0x3FFB];
	_ =	sdelay $0x3  }
0x98: {  	_ =	strace s17  }
0x99: {  	s3 =	sld [smem:$0x3FFC];
	_ =	sdelay $0x3  }
0x9a: {  	_ =	strace s3  }
0x9b: {  	s3 =	sld [smem:$0x3FFD];
	_ =	sdelay $0x3  }
0x9c: {  	_ =	strace s3  }
0x9d: {  	_ =	strace $0x8FFFFFFF  }
0x9e: {  	s18 =	sld [smem:$0x3FDB];
	_ =	sdelay $0x1  }
0x9f: {  	s19 =	simm.s32 $_scs_section_size  }
0xa0: {  	s5 =	simm.s32 $_size__tile_overlayer_lowered;
	s6 =	simm.s32 $_tile_overlayer_lowered  }
0xa1: {  	s22 =	simm.s32 $0x1BFF;
	s21 =	sshll.u32 s6, $0x1;
	s3 =	sadd.s32 s19, s18  }
0xa2: {  	s7 =	simm.s32 $0x0;
	s20 =	sshll.u32 s5, $0x1;
	s5 =	sadd.s32 s21, s3  }
0xa3: {  	[timem:s7], [sflag:s22] =	dma.local [hbm:s5], s20  }
0xa4: {  	_ =	swait.ge [sflag:s22], s20  }
0xa5: {  	s4 =	ssub.s32 $0x0, s20;
	[sflag:s22] =	ssyncset.done $0x0  }
0xa6: {  	[sflag:s22] =	ssyncadd.s32 s4;
	_ =	sdelay $0x1  }
0xa7: {  	s23 =	simm.s32 $0x1B8B  }
0xa8: {  	_ =	swait.ge [sflag:s23], $0x1  }
0xa9: {  	[sflag:s23] =	ssyncset.done $0x0  }
0xaa: {  	s25 =	simm.s32 $0x1B8E;
	s24 =	sld [smem:$0x3FFE];
	[sflag:s23] =	ssyncadd.s32 $0xFFFFFFFF  }
0xab: {  	s26 =	simm.s32 $execute0_lowered;
	[smem:$0x3FD2] =	sst s25  }
0xac: {  	s5 =	sshll.u32 s26, $0x1;
	_ =	strace $0x80000049;
	[dreg:$0x1] =	wrdreg $0xFFFFFFFF  }
0xad: {  	s28 =	simm.s32 $_size_execute0_lowered;
	s3 =	sadd.s32 s3, s5;
	[dreg:$0x0] =	wrdreg $0x0  }
0xae: {  	s5 =	sshll.u32 s28, $0x1;
	[dreg:$0x2] =	wrdreg s3  }
0xaf: {  	[dreg:$0x3] =	wrdreg s5  }
0xb0: {  	[dreg:$0x4] =	wrdreg $0xC0  }
0xb1: {  	_ =	task [dreg:s7], $0x5FFFF  }
0xb2: {  	[dreg:$0x1] =	wrdreg $0xFFFFFFFF  }
0xb3: {  	[dreg:$0x0] =	wrdreg $0x60  }
0xb4: {  	[dreg:$0x2] =	wrdreg s24  }
0xb5: {  	[dreg:$0x3] =	wrdreg s16  }
0xb6: {  	[dreg:$0x4] =	wrdreg $0x100400  }
0xb7: {  	[dreg:$0x5] =	wrdreg $0x9  }
0xb8: {  	_ =	task.clear_ibuf [dreg:s7], $0x6FFFF;
	_ =	strace $0x90000049  }
0xb9: {  	s29 =	simm.s32 $0x9;
	_ =	strace $0x8000004B  }
0xba: {  	_ =	swait.ge [sflag:s29], $0x1  }
0xbb: {  	[sflag:s29] =	ssyncadd.s32 $0xFFFFFFFF  }
0xbc: {  	_ =	strace $0x9000004B  }
0xbd: {  	_ =	sfence  }
0xbe: {  	s30 =	sld [smem:$0x0];
	_ =	sdelay $0x2  }
0xbf: {  	s31 =	sshll.u32 s1, $0xD;
	s1 =	sshrl.u32 s1, $0x2  }
0xc0: {  	s3 =	sand.u32 $0x4000, s31;
	s1 =	sadd.s32 s1, s30  }
0xc1: {  	s0 =	sor.u32 s3, s0;
	s1 =	sshll.u32 s1, $0x11  }
0xc2: {  	s0 =	sor.u32 s1, s0  }
0xc3: {  	s0 =	sadd.s32 $0x8F2B, s0  }
0xc4: {  	[sflag:s0] =	ssyncadd.remote.s32 $0x1  }
0xc5: {  	_ =	sfence.sel $0xFFFF  }
0xc6: {  	[dreg:$0x0] =	wrdreg $0xFFFFFFFF;
	(pc) =	sbr.abs _section_cstart, $3  }
0xc7: {  	[dreg:$0x1] =	wrdreg $0xFFFFFFFF  }
0xc8: {  	_ =	task.clear_ibuf [dreg:s7], $0x2FFFF;
	_ =	strace $0x9FFFFFFF  }
0xc9: {  	(tm) =	ssettm $0x7FFFFFFF  }
tec
execute0_lowered:
.L_overlay_start_1:
0x0: {  	(tag) =	ssettag $0x1  }
0x1: {  	s0 =	rddreg [dreg:$0x0]  }
0x2: {  	s2 =	rddreg [dreg:$0x1]  }
0x3: {  	s1 =	rddreg [dreg:$0x2];
	s3 =	simm.s32 $0x0  }
0x4: {  	s4 =	srdreg.scid;
	s12 =	stileid.u32;
	s17 =	simm.s32 $0x6  }
0x5: {  	s19 =	simm.s32 $0x50;
	s20 =	simm.s32 $0x9C40;
	s28 =	simm.s32 $0xEC40  }
0x6: {  	s29 =	simm.s32 $0x1;
	s30 =	simm.s32 $0x2;
	s31 =	simm.s32 $0x3  }
0x7: {  	[smem:$0x7FF] =	sst s3;
	s6 =	sand.u32 $0x1, s4;
	s9 =	smul.u32 $0x4E20, s12  }
0x8: {  	s4 =	sadd.s32 $0x16000, s0;
	s5 =	sadd.s32 $0x2600, s0;
	s10 =	smul.u32 $0x9C40, s12  }
0x9: {  	s11 =	sadd.s32 $0x3D400, s0;
	s0 =	sadd.s32 $0x29A00, s0;
	s13 =	sshll.u32 s12, $0x6  }
0xa: {  	_ =	strace $0x8000004A;
	s7 =	ssub.s32 $0x2, s6;
	[dreg:$0x4] =	wrdreg s11  }
0xb: {  	[dreg:$0x5] =	wrdreg s0;
	p0 =	seq.s32 s6, $0x1;
	s24 =	sor.u32 $0x1C06, s13  }
0xc: {  	s0 =	simm.s32 $0x4;
	s6 =	simm.s32 $0x9B00;
	s8 =	sshrl.u32 s7, $0x1  }
0xd: {  	s22 =	sshrl.u32 s9, $0x3;
	s23 =	sadd.s32 s10, s1;
	s9 =	simm.s32 $0x9BF0  }
0xe: {  	s21 =	ssub.s32 s7, s8;
	s8 =	sshrl.u32 s10, $0x3;
	s10 =	sadd.s32 s2, s22  }
.Ltmp0:
0xf: {  	s16 =	sshrl.u32 s23, $0x3;
	s23 =	simm.s32 $0xC440;
	(pc) =	sbr.rel .LBB2_1-.Ltmp0, $4  }
0x10: {  	s2 =	simm.s32 $0x5;
	s7 =	simm.s32 $0x9B50;
	s22 =	simm.s32 $0x9BA0  }
0x11: {  	s25 =	sadd.s32 s4, s8;
	s11 =	sadd.s32 $0x9C40, s10;
	s26 =	sadd.s32 s5, s8  }
0x12: {  	s14 =	smax.u32 s21, $0x1;
	s21 =	simm.s32 $0xB040;
	[dreg:$0x6] =	wrdreg s25  }
0x13: {  	[dreg:$0x7] =	wrdreg s26;
	s26 =	simm.s32 $0x4E20;
	s25 =	simm.s32 $0xD840  }
.LBB2_7:
0x14: {  	[tilespmem:s28], [sflag:$0x5] =	stream.indirect.gather [hbm4b:s5+s19], $0x40, s15, s19, $0xb8;
	[tilespmem:$0x19C80] =	vst v63  }
0x15: {  	s12 =	rddreg [dreg:$0x5];
	s15 =	smov.u32 s24  }
.LBB2_8:
0x16: {  	_ =	swait.ge [sflag:s29], $0x1400  }
0x17: {  	[sflag:s29] =	ssyncset.done $0x0  }
0x18: {  	s18 =	simm.s32 $0x9AB0;
	[sflag:s29] =	ssyncadd.s32 $0xFFFFEC00  }
0x19: {  	[spmem:s1] =	stream.indirect.scatter.add.f32 [tilespmem:s20], [sflag:$0x6], $0x40, s18, s19, $0xb8;
	[tilespmem:$0x19C80] =	vst v63  }
0x1a: {  	_ =	swait.ge [sflag:s17], $0x1400  }
0x1b: {  	[sflag:s17] =	ssyncset.done $0x0  }
0x1c: {  	[sflag:s17] =	ssyncadd.s32 $0xFFFFEC00  }
0x1d: {  	_ =	swait.ge [sflag:s30], $0x1400  }
0x1e: {  	[sflag:s30] =	ssyncset.done $0x0  }
0x1f: {  	[sflag:s30] =	ssyncadd.s32 $0xFFFFEC00  }
0x20: {  	[spmem:s1] =	stream.indirect.scatter.add.f32 [tilespmem:s21], [sflag:$0x6], $0x40, s6, s19, $0xb8;
	[tilespmem:$0x19C80] =	vst v63  }
0x21: {  	_ =	swait.ge [sflag:s17], $0x1400  }
0x22: {  	[sflag:s17] =	ssyncset.done $0x0  }
0x23: {  	[sflag:s17] =	ssyncadd.s32 $0xFFFFEC00  }
0x24: {  	_ =	swait.ge [sflag:s31], $0x1400  }
0x25: {  	[sflag:s31] =	ssyncset.done $0x0  }
0x26: {  	[sflag:s31] =	ssyncadd.s32 $0xFFFFEC00  }
0x27: {  	[spmem:s1] =	stream.indirect.scatter.add.f32 [tilespmem:s23], [sflag:$0x6], $0x40, s7, s19, $0xb8;
	[tilespmem:$0x19C80] =	vst v63  }
0x28: {  	_ =	swait.ge [sflag:s17], $0x1400  }
0x29: {  	[sflag:s17] =	ssyncset.done $0x0  }
0x2a: {  	[sflag:s17] =	ssyncadd.s32 $0xFFFFEC00  }
0x2b: {  	_ =	swait.ge [sflag:s0], $0x1400  }
0x2c: {  	[sflag:s0] =	ssyncset.done $0x0  }
0x2d: {  	[sflag:s0] =	ssyncadd.s32 $0xFFFFEC00  }
0x2e: {  	[spmem:s1] =	stream.indirect.scatter.add.f32 [tilespmem:s25], [sflag:$0x6], $0x40, s22, s19, $0xb8;
	[tilespmem:$0x19C80] =	vst v63  }
0x2f: {  	_ =	swait.ge [sflag:s17], $0x1400  }
0x30: {  	[sflag:s17] =	ssyncset.done $0x0  }
0x31: {  	[sflag:s17] =	ssyncadd.s32 $0xFFFFEC00  }
0x32: {  	_ =	swait.ge [sflag:s2], $0x1400  }
0x33: {  	[sflag:s2] =	ssyncset.done $0x0  }
0x34: {  	[sflag:s2] =	ssyncadd.s32 $0xFFFFEC00  }
0x35: {  	[spmem:s1] =	stream.indirect.scatter.add.f32 [tilespmem:s28], [sflag:$0x6], $0x40, s9, s19, $0xb8;
	[tilespmem:$0x19C80] =	vst v63  }
0x36: {  	_ =	swait.ge [sflag:s17], $0x1400  }
0x37: {  	s3 =	sadd.s32 $0x1, s3;
	[sflag:s17] =	ssyncset.done $0x0  }
0x38: {  	p1 =	sne.s32 s3, s14;
	[sflag:s17] =	ssyncadd.s32 $0xFFFFEC00  }
.Ltmp1:
0x39: {  	s12 =	sadd.s32 s12, s8;
	[bflag:$0x0] =	sbarrier.arrive $0xFFFF;
	(pc) =	sbr.rel @!p1 .LBB2_9-.Ltmp1, $4  }
0x3a: {  	[hbm:s12], [sflag:s15] =	dma.local [spmem:s16], $0x1388  }
0x3b: {  	_ =	swait.ge [sflag:s17], $0x1388  }
0x3c: {  	[sflag:s17] =	ssyncset.done $0x0  }
0x3d: {  	[sflag:s17] =	ssyncadd.s32 $0xFFFFEC78  }
.LBB2_1:
.Ltmp2:
0x3e: {  	(pc) =	sbr.rel @!p0 .LBB2_2-.Ltmp2, $1  }
0x3f: {  	_ =	sdelay $0x3  }
0x40: {  	s12 =	rddreg [dreg:$0x7]  }
0x41: {  	[spmem:s16], [sflag:s24] =	dma.local [hbm:s12], $0x1388  }
0x42: {  	_ =	swait.ge [sflag:s17], $0x1388  }
0x43: {  	[sflag:s17] =	ssyncset.done $0x0  }
0x44: {  	[sflag:s17] =	ssyncadd.s32 $0xFFFFEC78  }
0x45: {  	s18 =	simm.s32 $0x0;
	[bflag:$0x0] =	sbarrier.arrive $0xFFFF  }
0x46: {  	[tilespmem:s18], [sflag:$0x6] =	stream.linear.gather [hbm4b:s10+s18], $0x4E20, $0x38;
	[tilespmem:$0x19C80] =	vst v63  }
0x47: {  	_ =	swait.ge [sflag:s17], $0x4E20  }
0x48: {  	[sflag:s17] =	ssyncset.done $0x0  }
0x49: {  	[sflag:s17] =	ssyncadd.s32 $0xFFFFB1E0  }
0x4a: {  	[tilespmem:s26], [sflag:$0x6] =	stream.linear.gather [hbm4b:s11+s18], $0x4E20, $0x38;
	[tilespmem:$0x19C80] =	vst v63  }
0x4b: {  	_ =	swait.ge [sflag:s17], $0x4E20  }
0x4c: {  	[sflag:s17] =	ssyncset.done $0x0  }
0x4d: {  	[sflag:s17] =	ssyncadd.s32 $0xFFFFB1E0  }
0x4e: {  	[tilespmem:s20], [sflag:$0x1] =	stream.indirect.gather [hbm4b:s5+s19], $0x40, s18, s19, $0xb8;
	[tilespmem:$0x19C80] =	vst v63  }
0x4f: {  	_ = 	snop  }
0x50: {  	[tilespmem:s21], [sflag:$0x2] =	stream.indirect.gather [hbm4b:s5+s19], $0x40, s19, s19, $0xb8;
	[tilespmem:$0x19C80] =	vst v63  }
0x51: {  	s15 =	simm.s32 $0xA0  }
0x52: {  	[tilespmem:s23], [sflag:$0x3] =	stream.indirect.gather [hbm4b:s5+s19], $0x40, s15, s19, $0xb8;
	[tilespmem:$0x19C80] =	vst v63  }
0x53: {  	s18 =	simm.s32 $0xF0  }
0x54: {  	[tilespmem:s25], [sflag:$0x4] =	stream.indirect.gather [hbm4b:s5+s19], $0x40, s18, s19, $0xb8;
	[tilespmem:$0x19C80] =	vst v63  }
0x55: {  	s15 =	simm.s32 $0x140  }
0x56: {  	[tilespmem:s28], [sflag:$0x5] =	stream.indirect.gather [hbm4b:s5+s19], $0x40, s15, s19, $0xb8;
	[tilespmem:$0x19C80] =	vst v63  }
0x57: {  	_ =	swait.ge [sflag:s29], $0x1400  }
0x58: {  	[sflag:s29] =	ssyncset.done $0x0  }
0x59: {  	s18 =	simm.s32 $0x4E20;
	[sflag:s29] =	ssyncadd.s32 $0xFFFFEC00  }
0x5a: {  	[spmem:s1] =	stream.indirect.scatter.add.f32 [tilespmem:s20], [sflag:$0x6], $0x40, s18, s19, $0xb8;
	[tilespmem:$0x19C80] =	vst v63  }
0x5b: {  	_ =	swait.ge [sflag:s17], $0x1400  }
0x5c: {  	[sflag:s17] =	ssyncset.done $0x0  }
0x5d: {  	s15 =	simm.s32 $0x190;
	[sflag:s17] =	ssyncadd.s32 $0xFFFFEC00  }
0x5e: {  	[tilespmem:s20], [sflag:$0x1] =	stream.indirect.gather [hbm4b:s5+s19], $0x40, s15, s19, $0xb8;
	[tilespmem:$0x19C80] =	vst v63  }
0x5f: {  	_ =	swait.ge [sflag:s30], $0x1400  }
0x60: {  	[sflag:s30] =	ssyncset.done $0x0  }
0x61: {  	s18 =	simm.s32 $0x4E70;
	[sflag:s30] =	ssyncadd.s32 $0xFFFFEC00  }
0x62: {  	[spmem:s1] =	stream.indirect.scatter.add.f32 [tilespmem:s21], [sflag:$0x6], $0x40, s18, s19, $0xb8;
	[tilespmem:$0x19C80] =	vst v63  }
0x63: {  	_ =	swait.ge [sflag:s17], $0x1400  }
0x64: {  	[sflag:s17] =	ssyncset.done $0x0  }
0x65: {  	s15 =	simm.s32 $0x1E0;
	[sflag:s17] =	ssyncadd.s32 $0xFFFFEC00  }
0x66: {  	[tilespmem:s21], [sflag:$0x2] =	stream.indirect.gather [hbm4b:s5+s19], $0x40, s15, s19, $0xb8;
	[tilespmem:$0x19C80] =	vst v63  }
0x67: {  	_ =	swait.ge [sflag:s31], $0x1400  }
0x68: {  	[sflag:s31] =	ssyncset.done $0x0  }
0x69: {  	s18 =	simm.s32 $0x4EC0;
	[sflag:s31] =	ssyncadd.s32 $0xFFFFEC00  }
0x6a: {  	[spmem:s1] =	stream.indirect.scatter.add.f32 [tilespmem:s23], [sflag:$0x6], $0x40, s18, s19, $0xb8;
	[tilespmem:$0x19C80] =	vst v63  }
0x6b: {  	_ =	swait.ge [sflag:s17], $0x1400  }
0x6c: {  	[sflag:s17] =	ssyncset.done $0x0  }
0x6d: {  	s15 =	simm.s32 $0x230;
	[sflag:s17] =	ssyncadd.s32 $0xFFFFEC00  }
0x6e: {  	[tilespmem:s23], [sflag:$0x3] =	stream.indirect.gather [hbm4b:s5+s19], $0x40, s15, s19, $0xb8;
	[tilespmem:$0x19C80] =	vst v63  }
0x6f: {  	_ =	swait.ge [sflag:s0], $0x1400  }
0x70: {  	[sflag:s0] =	ssyncset.done $0x0  }
0x71: {  	s18 =	simm.s32 $0x4F10;
	[sflag:s0] =	ssyncadd.s32 $0xFFFFEC00  }
0x72: {  	[spmem:s1] =	stream.indirect.scatter.add.f32 [tilespmem:s25], [sflag:$0x6], $0x40, s18, s19, $0xb8;
	[tilespmem:$0x19C80] =	vst v63  }
0x73: {  	_ =	swait.ge [sflag:s17], $0x1400  }
0x74: {  	[sflag:s17] =	ssyncset.done $0x0  }
0x75: {  	s15 =	simm.s32 $0x280;
	[sflag:s17] =	ssyncadd.s32 $0xFFFFEC00  }
0x76: {  	[tilespmem:s25], [sflag:$0x4] =	stream.indirect.gather [hbm4b:s5+s19], $0x40, s15, s19, $0xb8;
	[tilespmem:$0x19C80] =	vst v63  }
0x77: {  	_ =	swait.ge [sflag:s2], $0x1400  }
0x78: {  	[sflag:s2] =	ssyncset.done $0x0  }
0x79: {  	s18 =	simm.s32 $0x4F60;
	[sflag:s2] =	ssyncadd.s32 $0xFFFFEC00  }
0x7a: {  	[spmem:s1] =	stream.indirect.scatter.add.f32 [tilespmem:s28], [sflag:$0x6], $0x40, s18, s19, $0xb8;
	[tilespmem:$0x19C80] =	vst v63  }
0x7b: {  	_ =	swait.ge [sflag:s17], $0x1400  }
0x7c: {  	[sflag:s17] =	ssyncset.done $0x0  }
0x7d: {  	s12 =	simm.s32 $0x640;
	s15 =	simm.s32 $0x2D0;
	[sflag:s17] =	ssyncadd.s32 $0xFFFFEC00  }
.LBB2_6:
0x7e: {  	[tilespmem:s28], [sflag:$0x5] =	stream.indirect.gather [hbm4b:s5+s19], $0x40, s15, s19, $0xb8;
	[tilespmem:$0x19C80] =	vst v63  }
0x7f: {  	s15 =	smov.u32 s12  }
0x80: {  	p1 =	sne.s32 s12, $0x12C00;
	s12 =	sadd.s32 $0x640, s12;
	_ =	swait.ge [sflag:s29], $0x1400  }
0x81: {  	s15 =	sshra.s32 s15, $0x2;
	[sflag:s29] =	ssyncset.done $0x0  }
0x82: {  	s18 =	sadd.s32 $0x4E20, s15;
	[sflag:s29] =	ssyncadd.s32 $0xFFFFEC00  }
0x83: {  	[spmem:s1] =	stream.indirect.scatter.add.f32 [tilespmem:s20], [sflag:$0x6], $0x40, s18, s19, $0xb8;
	[tilespmem:$0x19C80] =	vst v63  }
0x84: {  	_ =	swait.ge [sflag:s17], $0x1400  }
0x85: {  	[sflag:s17] =	ssyncset.done $0x0  }
0x86: {  	s18 =	sadd.s32 $0x190, s15;
	[sflag:s17] =	ssyncadd.s32 $0xFFFFEC00  }
0x87: {  	[tilespmem:s20], [sflag:$0x1] =	stream.indirect.gather [hbm4b:s5+s19], $0x40, s18, s19, $0xb8;
	[tilespmem:$0x19C80] =	vst v63  }
0x88: {  	_ =	swait.ge [sflag:s30], $0x1400  }
0x89: {  	[sflag:s30] =	ssyncset.done $0x0  }
0x8a: {  	s18 =	sadd.s32 $0x4E70, s15;
	[sflag:s30] =	ssyncadd.s32 $0xFFFFEC00  }
0x8b: {  	[spmem:s1] =	stream.indirect.scatter.add.f32 [tilespmem:s21], [sflag:$0x6], $0x40, s18, s19, $0xb8;
	[tilespmem:$0x19C80] =	vst v63  }
0x8c: {  	_ =	swait.ge [sflag:s17], $0x1400  }
0x8d: {  	[sflag:s17] =	ssyncset.done $0x0  }
0x8e: {  	s18 =	sadd.s32 $0x1E0, s15;
	[sflag:s17] =	ssyncadd.s32 $0xFFFFEC00  }
0x8f: {  	[tilespmem:s21], [sflag:$0x2] =	stream.indirect.gather [hbm4b:s5+s19], $0x40, s18, s19, $0xb8;
	[tilespmem:$0x19C80] =	vst v63  }
0x90: {  	_ =	swait.ge [sflag:s31], $0x1400  }
0x91: {  	[sflag:s31] =	ssyncset.done $0x0  }
0x92: {  	s18 =	sadd.s32 $0x4EC0, s15;
	[sflag:s31] =	ssyncadd.s32 $0xFFFFEC00  }
0x93: {  	[spmem:s1] =	stream.indirect.scatter.add.f32 [tilespmem:s23], [sflag:$0x6], $0x40, s18, s19, $0xb8;
	[tilespmem:$0x19C80] =	vst v63  }
0x94: {  	_ =	swait.ge [sflag:s17], $0x1400  }
0x95: {  	[sflag:s17] =	ssyncset.done $0x0  }
0x96: {  	s18 =	sadd.s32 $0x230, s15;
	[sflag:s17] =	ssyncadd.s32 $0xFFFFEC00  }
0x97: {  	[tilespmem:s23], [sflag:$0x3] =	stream.indirect.gather [hbm4b:s5+s19], $0x40, s18, s19, $0xb8;
	[tilespmem:$0x19C80] =	vst v63  }
0x98: {  	_ =	swait.ge [sflag:s0], $0x1400  }
0x99: {  	[sflag:s0] =	ssyncset.done $0x0  }
0x9a: {  	s18 =	sadd.s32 $0x4F10, s15;
	[sflag:s0] =	ssyncadd.s32 $0xFFFFEC00  }
0x9b: {  	[spmem:s1] =	stream.indirect.scatter.add.f32 [tilespmem:s25], [sflag:$0x6], $0x40, s18, s19, $0xb8;
	[tilespmem:$0x19C80] =	vst v63  }
0x9c: {  	_ =	swait.ge [sflag:s17], $0x1400  }
0x9d: {  	[sflag:s17] =	ssyncset.done $0x0  }
0x9e: {  	s18 =	sadd.s32 $0x280, s15;
	[sflag:s17] =	ssyncadd.s32 $0xFFFFEC00  }
0x9f: {  	[tilespmem:s25], [sflag:$0x4] =	stream.indirect.gather [hbm4b:s5+s19], $0x40, s18, s19, $0xb8;
	[tilespmem:$0x19C80] =	vst v63  }
0xa0: {  	_ =	swait.ge [sflag:s2], $0x1400  }
0xa1: {  	[sflag:s2] =	ssyncset.done $0x0  }
.Ltmp3:
0xa2: {  	s18 =	sadd.s32 $0x4F60, s15;
	[sflag:s2] =	ssyncadd.s32 $0xFFFFEC00;
	(pc) =	sbr.rel @p1 .LBB2_6-.Ltmp3, $4  }
0xa3: {  	[spmem:s1] =	stream.indirect.scatter.add.f32 [tilespmem:s28], [sflag:$0x6], $0x40, s18, s19, $0xb8;
	[tilespmem:$0x19C80] =	vst v63  }
0xa4: {  	_ =	swait.ge [sflag:s17], $0x1400  }
0xa5: {  	[sflag:s17] =	ssyncset.done $0x0  }
0xa6: {  	s15 =	sadd.s32 $0x2D0, s15;
	[sflag:s17] =	ssyncadd.s32 $0xFFFFEC00  }
.Ltmp4:
0xa7: {  	_ = 	snop;
	(pc) =	sbr.rel .LBB2_7-.Ltmp4, $1  }
0xa8: {  	_ =	sdelay $0x3  }
.LBB2_2:
0xa9: {  	s15 =	sor.u32 $0x1C06, s13;
	s12 =	rddreg [dreg:$0x6]  }
0xaa: {  	[spmem:s16], [sflag:s15] =	dma.local [hbm:s12], $0x1388  }
0xab: {  	_ =	swait.ge [sflag:s17], $0x1388  }
0xac: {  	[sflag:s17] =	ssyncset.done $0x0  }
0xad: {  	[sflag:s17] =	ssyncadd.s32 $0xFFFFEC78  }
0xae: {  	s18 =	simm.s32 $0x0;
	[bflag:$0x0] =	sbarrier.arrive $0xFFFF  }
0xaf: {  	[tilespmem:s18], [sflag:$0x6] =	stream.linear.gather [hbm4b:s10+s18], $0x4E20, $0x38;
	[tilespmem:$0x19C80] =	vst v63  }
0xb0: {  	_ =	swait.ge [sflag:s17], $0x4E20  }
0xb1: {  	[sflag:s17] =	ssyncset.done $0x0  }
0xb2: {  	[sflag:s17] =	ssyncadd.s32 $0xFFFFB1E0  }
0xb3: {  	[tilespmem:s26], [sflag:$0x6] =	stream.linear.gather [hbm4b:s11+s18], $0x4E20, $0x38;
	[tilespmem:$0x19C80] =	vst v63  }
0xb4: {  	_ =	swait.ge [sflag:s17], $0x4E20  }
0xb5: {  	[sflag:s17] =	ssyncset.done $0x0  }
0xb6: {  	[sflag:s17] =	ssyncadd.s32 $0xFFFFB1E0  }
0xb7: {  	[tilespmem:s20], [sflag:$0x1] =	stream.indirect.gather [hbm4b:s4+s19], $0x40, s18, s19, $0xb8;
	[tilespmem:$0x19C80] =	vst v63  }
0xb8: {  	_ = 	snop  }
0xb9: {  	[tilespmem:s21], [sflag:$0x2] =	stream.indirect.gather [hbm4b:s4+s19], $0x40, s19, s19, $0xb8;
	[tilespmem:$0x19C80] =	vst v63  }
0xba: {  	s18 =	simm.s32 $0xA0  }
0xbb: {  	[tilespmem:s23], [sflag:$0x3] =	stream.indirect.gather [hbm4b:s4+s19], $0x40, s18, s19, $0xb8;
	[tilespmem:$0x19C80] =	vst v63  }
0xbc: {  	s26 =	simm.s32 $0xF0  }
0xbd: {  	[tilespmem:s25], [sflag:$0x4] =	stream.indirect.gather [hbm4b:s4+s19], $0x40, s26, s19, $0xb8;
	[tilespmem:$0x19C80] =	vst v63  }
0xbe: {  	s18 =	simm.s32 $0x140  }
0xbf: {  	[tilespmem:s28], [sflag:$0x5] =	stream.indirect.gather [hbm4b:s4+s19], $0x40, s18, s19, $0xb8;
	[tilespmem:$0x19C80] =	vst v63  }
0xc0: {  	_ =	swait.ge [sflag:s29], $0x1400  }
0xc1: {  	[sflag:s29] =	ssyncset.done $0x0  }
0xc2: {  	s26 =	simm.s32 $0x4E20;
	[sflag:s29] =	ssyncadd.s32 $0xFFFFEC00  }
0xc3: {  	[spmem:s1] =	stream.indirect.scatter.add.f32 [tilespmem:s20], [sflag:$0x6], $0x40, s26, s19, $0xb8;
	[tilespmem:$0x19C80] =	vst v63  }
0xc4: {  	_ =	swait.ge [sflag:s17], $0x1400  }
0xc5: {  	[sflag:s17] =	ssyncset.done $0x0  }
0xc6: {  	s18 =	simm.s32 $0x190;
	[sflag:s17] =	ssyncadd.s32 $0xFFFFEC00  }
0xc7: {  	[tilespmem:s20], [sflag:$0x1] =	stream.indirect.gather [hbm4b:s4+s19], $0x40, s18, s19, $0xb8;
	[tilespmem:$0x19C80] =	vst v63  }
0xc8: {  	_ =	swait.ge [sflag:s30], $0x1400  }
0xc9: {  	[sflag:s30] =	ssyncset.done $0x0  }
0xca: {  	s26 =	simm.s32 $0x4E70;
	[sflag:s30] =	ssyncadd.s32 $0xFFFFEC00  }
0xcb: {  	[spmem:s1] =	stream.indirect.scatter.add.f32 [tilespmem:s21], [sflag:$0x6], $0x40, s26, s19, $0xb8;
	[tilespmem:$0x19C80] =	vst v63  }
0xcc: {  	_ =	swait.ge [sflag:s17], $0x1400  }
0xcd: {  	[sflag:s17] =	ssyncset.done $0x0  }
0xce: {  	s18 =	simm.s32 $0x1E0;
	[sflag:s17] =	ssyncadd.s32 $0xFFFFEC00  }
0xcf: {  	[tilespmem:s21], [sflag:$0x2] =	stream.indirect.gather [hbm4b:s4+s19], $0x40, s18, s19, $0xb8;
	[tilespmem:$0x19C80] =	vst v63  }
0xd0: {  	_ =	swait.ge [sflag:s31], $0x1400  }
0xd1: {  	[sflag:s31] =	ssyncset.done $0x0  }
0xd2: {  	s26 =	simm.s32 $0x4EC0;
	[sflag:s31] =	ssyncadd.s32 $0xFFFFEC00  }
0xd3: {  	[spmem:s1] =	stream.indirect.scatter.add.f32 [tilespmem:s23], [sflag:$0x6], $0x40, s26, s19, $0xb8;
	[tilespmem:$0x19C80] =	vst v63  }
0xd4: {  	_ =	swait.ge [sflag:s17], $0x1400  }
0xd5: {  	[sflag:s17] =	ssyncset.done $0x0  }
0xd6: {  	s18 =	simm.s32 $0x230;
	[sflag:s17] =	ssyncadd.s32 $0xFFFFEC00  }
0xd7: {  	[tilespmem:s23], [sflag:$0x3] =	stream.indirect.gather [hbm4b:s4+s19], $0x40, s18, s19, $0xb8;
	[tilespmem:$0x19C80] =	vst v63  }
0xd8: {  	_ =	swait.ge [sflag:s0], $0x1400  }
0xd9: {  	[sflag:s0] =	ssyncset.done $0x0  }
0xda: {  	s26 =	simm.s32 $0x4F10;
	[sflag:s0] =	ssyncadd.s32 $0xFFFFEC00  }
0xdb: {  	[spmem:s1] =	stream.indirect.scatter.add.f32 [tilespmem:s25], [sflag:$0x6], $0x40, s26, s19, $0xb8;
	[tilespmem:$0x19C80] =	vst v63  }
0xdc: {  	_ =	swait.ge [sflag:s17], $0x1400  }
0xdd: {  	[sflag:s17] =	ssyncset.done $0x0  }
0xde: {  	s18 =	simm.s32 $0x280;
	[sflag:s17] =	ssyncadd.s32 $0xFFFFEC00  }
0xdf: {  	[tilespmem:s25], [sflag:$0x4] =	stream.indirect.gather [hbm4b:s4+s19], $0x40, s18, s19, $0xb8;
	[tilespmem:$0x19C80] =	vst v63  }
0xe0: {  	_ =	swait.ge [sflag:s2], $0x1400  }
0xe1: {  	[sflag:s2] =	ssyncset.done $0x0  }
0xe2: {  	s26 =	simm.s32 $0x4F60;
	[sflag:s2] =	ssyncadd.s32 $0xFFFFEC00  }
0xe3: {  	[spmem:s1] =	stream.indirect.scatter.add.f32 [tilespmem:s28], [sflag:$0x6], $0x40, s26, s19, $0xb8;
	[tilespmem:$0x19C80] =	vst v63  }
0xe4: {  	_ =	swait.ge [sflag:s17], $0x1400  }
0xe5: {  	[sflag:s17] =	ssyncset.done $0x0  }
0xe6: {  	s12 =	simm.s32 $0x640;
	s26 =	simm.s32 $0x2D0;
	[sflag:s17] =	ssyncadd.s32 $0xFFFFEC00  }
.LBB2_3:
0xe7: {  	[tilespmem:s28], [sflag:$0x5] =	stream.indirect.gather [hbm4b:s4+s19], $0x40, s26, s19, $0xb8;
	[tilespmem:$0x19C80] =	vst v63  }
0xe8: {  	s26 =	smov.u32 s12  }
0xe9: {  	p1 =	seq.s32 s12, $0x12C00;
	s12 =	sadd.s32 $0x640, s12;
	_ =	swait.ge [sflag:s29], $0x1400  }
0xea: {  	s26 =	sshra.s32 s26, $0x2;
	[sflag:s29] =	ssyncset.done $0x0  }
0xeb: {  	s18 =	sadd.s32 $0x4E20, s26;
	[sflag:s29] =	ssyncadd.s32 $0xFFFFEC00  }
0xec: {  	[spmem:s1] =	stream.indirect.scatter.add.f32 [tilespmem:s20], [sflag:$0x6], $0x40, s18, s19, $0xb8;
	[tilespmem:$0x19C80] =	vst v63  }
0xed: {  	_ =	swait.ge [sflag:s17], $0x1400  }
0xee: {  	[sflag:s17] =	ssyncset.done $0x0  }
0xef: {  	s18 =	sadd.s32 $0x190, s26;
	[sflag:s17] =	ssyncadd.s32 $0xFFFFEC00  }
0xf0: {  	[tilespmem:s20], [sflag:$0x1] =	stream.indirect.gather [hbm4b:s4+s19], $0x40, s18, s19, $0xb8;
	[tilespmem:$0x19C80] =	vst v63  }
0xf1: {  	_ =	swait.ge [sflag:s30], $0x1400  }
0xf2: {  	[sflag:s30] =	ssyncset.done $0x0  }
0xf3: {  	s18 =	sadd.s32 $0x4E70, s26;
	[sflag:s30] =	ssyncadd.s32 $0xFFFFEC00  }
0xf4: {  	[spmem:s1] =	stream.indirect.scatter.add.f32 [tilespmem:s21], [sflag:$0x6], $0x40, s18, s19, $0xb8;
	[tilespmem:$0x19C80] =	vst v63  }
0xf5: {  	_ =	swait.ge [sflag:s17], $0x1400  }
0xf6: {  	[sflag:s17] =	ssyncset.done $0x0  }
0xf7: {  	s18 =	sadd.s32 $0x1E0, s26;
	[sflag:s17] =	ssyncadd.s32 $0xFFFFEC00  }
0xf8: {  	[tilespmem:s21], [sflag:$0x2] =	stream.indirect.gather [hbm4b:s4+s19], $0x40, s18, s19, $0xb8;
	[tilespmem:$0x19C80] =	vst v63  }
0xf9: {  	_ =	swait.ge [sflag:s31], $0x1400  }
0xfa: {  	[sflag:s31] =	ssyncset.done $0x0  }
0xfb: {  	s18 =	sadd.s32 $0x4EC0, s26;
	[sflag:s31] =	ssyncadd.s32 $0xFFFFEC00  }
0xfc: {  	[spmem:s1] =	stream.indirect.scatter.add.f32 [tilespmem:s23], [sflag:$0x6], $0x40, s18, s19, $0xb8;
	[tilespmem:$0x19C80] =	vst v63  }
0xfd: {  	_ =	swait.ge [sflag:s17], $0x1400  }
0xfe: {  	[sflag:s17] =	ssyncset.done $0x0  }
0xff: {  	s18 =	sadd.s32 $0x230, s26;
	[sflag:s17] =	ssyncadd.s32 $0xFFFFEC00  }
0x100: {  	[tilespmem:s23], [sflag:$0x3] =	stream.indirect.gather [hbm4b:s4+s19], $0x40, s18, s19, $0xb8;
	[tilespmem:$0x19C80] =	vst v63  }
0x101: {  	_ =	swait.ge [sflag:s0], $0x1400  }
0x102: {  	[sflag:s0] =	ssyncset.done $0x0  }
0x103: {  	s18 =	sadd.s32 $0x4F10, s26;
	[sflag:s0] =	ssyncadd.s32 $0xFFFFEC00  }
0x104: {  	[spmem:s1] =	stream.indirect.scatter.add.f32 [tilespmem:s25], [sflag:$0x6], $0x40, s18, s19, $0xb8;
	[tilespmem:$0x19C80] =	vst v63  }
0x105: {  	_ =	swait.ge [sflag:s17], $0x1400  }
0x106: {  	[sflag:s17] =	ssyncset.done $0x0  }
0x107: {  	s18 =	sadd.s32 $0x280, s26;
	[sflag:s17] =	ssyncadd.s32 $0xFFFFEC00  }
0x108: {  	[tilespmem:s25], [sflag:$0x4] =	stream.indirect.gather [hbm4b:s4+s19], $0x40, s18, s19, $0xb8;
	[tilespmem:$0x19C80] =	vst v63  }
0x109: {  	_ =	swait.ge [sflag:s2], $0x1400  }
0x10a: {  	[sflag:s2] =	ssyncset.done $0x0  }
.Ltmp5:
0x10b: {  	s18 =	sadd.s32 $0x4F60, s26;
	[sflag:s2] =	ssyncadd.s32 $0xFFFFEC00;
	(pc) =	sbr.rel @!p1 .LBB2_3-.Ltmp5, $4  }
0x10c: {  	[spmem:s1] =	stream.indirect.scatter.add.f32 [tilespmem:s28], [sflag:$0x6], $0x40, s18, s19, $0xb8;
	[tilespmem:$0x19C80] =	vst v63  }
0x10d: {  	_ =	swait.ge [sflag:s17], $0x1400  }
0x10e: {  	[sflag:s17] =	ssyncset.done $0x0  }
0x10f: {  	s26 =	sadd.s32 $0x2D0, s26;
	[sflag:s17] =	ssyncadd.s32 $0xFFFFEC00  }
.Ltmp6:
0x110: {  	(pc) =	sbr.rel .LBB2_8-.Ltmp6, $3  }
0x111: {  	_ =	sdelay $0x1  }
0x112: {  	[tilespmem:s28], [sflag:$0x5] =	stream.indirect.gather [hbm4b:s4+s19], $0x40, s26, s19, $0xb8;
	[tilespmem:$0x19C80] =	vst v63  }
0x113: {  	s12 =	rddreg [dreg:$0x4];
	s26 =	simm.s32 $0x4E20  }
.LBB2_9:
0x114: {  	_ =	sfence.sel $0x180000  }
0x115: {  	[bflag:$0x0] =	sbarrier.arrive $0xFFFF  }
0x116: {  	_ =	strace $0x9000004A  }
0x117: {  	s0 =	stileid.u32;
	[bflag:$0x2] =	sbarrier.arrive $0xFFFF  }
0x118: {  	p0 =	sne.s32 s0, $0x0;
	s0 =	rddreg [dreg:$0x3]  }
0x119: {  	s0 =	sadd.s32 @!p0 $0x100000, s0  }
0x11a: {  	[sflag:s0] =	ssyncadd.tile.s32 @!p0 $0x1;
	_ =	shalt  }
.Lfunc_end2:
_tile_overlayer_lowered:
.L_overlay_start_2:
0x11b: {  	(tag) =	ssettag $0x2  }
0x11c: {  	s0 =	rddreg [dreg:$0x0];
	s2 =	stileid.u32  }
0x11d: {  	s1 =	rddreg [dreg:$0x1];
	p0 =	sne.s32 s2, $0x0  }
0x11e: {  	s3 =	rddreg [dreg:$0x2];
	[bflag:$0x3] =	sbarrier.arrive $0xFFFF;
	s2 =	simm.s32 @!p0 $0x1C06  }
0x11f: {  	[timem:s3], [sflag:s2] =	dma.local @!p0 [hbm:s0], s1  }
0x120: {  	s0 =	simm.s32 @!p0 $0x6  }
0x121: {  	_ =	swait.ge @!p0 [sflag:s0], s1  }
0x122: {  	s1 =	ssub.s32 @!p0 $0x0, s1;
	[sflag:s0] =	ssyncset.done @!p0 $0x0  }
0x123: {  	[sflag:s0] =	ssyncadd.s32 @!p0 s1  }
0x124: {  	[bflag:$0x3] =	sbarrier.arrive $0xFFFF  }
0x125: {  	_ =	shalt  }

// kernel: kernel.15.cloned.1.call-start
scs
__scs_entry_jumppad:
0x0: {  	(pc) =	sbr.rel $0x88, $3  }
0x1: {  	(tag) =	ssettag $0x0;
	lr =	simm.s32 $0x1  }
0x2: {  	[smem:$0x3F9B] =	sst lr;
	_ =	strace $0xD0000000  }
0x3: {  	_ = 	snop  }
0x4: {  	_ = 	snop  }
0x5: {  	_ = 	snop  }
0x6: {  	_ = 	snop  }
0x7: {  	_ = 	snop  }
__scs_overlays_trampoline_lowered:
0x8: {  	[smem:$0x3FAA] =	sst s0  }
0x9: {  	[smem:$0x3FAB] =	sst s1  }
0xa: {  	[smem:$0x3FAC] =	sst s2  }
0xb: {  	[smem:$0x3FAD] =	sst s3  }
0xc: {  	[smem:$0x3FAE] =	sst s4  }
0xd: {  	[smem:$0x3FAF] =	sst s5  }
0xe: {  	[smem:$0x3FB0] =	sst s6  }
0xf: {  	[smem:$0x3FB1] =	sst s7  }
0x10: {  	[smem:$0x3FB2] =	sst s8  }
0x11: {  	[smem:$0x3FB3] =	sst s9;
	s0 =	simm.s32 @!p0 $0x0  }
0x12: {  	s1 =	sld [smem:$0x3F99];
	s0 =	simm.s32 @p0 $0x1  }
0x13: {  	[smem:$0x3FB4] =	sst s0;
	s0 =	simm.s32 @!p1 $0x0  }
0x14: {  	s2 =	sld [smem:$0x3F98];
	s0 =	simm.s32 @p1 $0x1  }
0x15: {  	[smem:$0x3FB5] =	sst s0;
	s0 =	simm.s32 @!p2 $0x0  }
0x16: {  	s3 =	sld [smem:$0x3FDB];
	s0 =	simm.s32 @p2 $0x1  }
0x17: {  	s4 =	simm.s32 $0x1BF5;
	[smem:$0x3FB7] =	sst s0  }
0x18: {  	s0 =	sld [smem:$0x3F9A];
	_ =	swait.ge [sflag:s4], $0x0  }
0x19: {  	s7 =	sld [smem:$0x3F9B]  }
0x1a: {  	s8 =	sadd.s32 $0xFFFFE003, lr  }
0x1b: {  	s9 =	sadd.s32 $0xFFFFFEF7, lr;
	s5 =	simm.s32 $0xFFFFFFFF;
	p2 =	slt.u32 s8, $0xFFFFF086  }
0x1c: {  	p1 =	slt.u32 s9, $0xF7A;
	s5 =	simm.s32 @!p2 $0x0  }
0x1d: {  	s5 =	simm.s32 @p1 $0x1;
	p0 =	seq.s32 s7, s2  }
0x1e: {  	s7 =	smul.u32 @!p0 $0xF7A, s2;
	p2 =	seq.s32 @!p0 s5, $0x0  }
0x1f: {  	s9 =	smul.u32 $0xF7A, s1;
	s8 =	simm.s32 @!p0 $0x1BF5;
	p2 =	por !p2, p0  }
0x20: {  	[sflag:s8] =	ssyncset.s32 @!p0 $0xFFFFF086;
	s6 =	sadd.s32 @!p0 s3, s7;
	s7 =	simm.s32 @!p0 $0x108  }
0x21: {  	s3 =	sadd.s32 s3, s9;
	s6 =	sadd.s32 @!p0 $0x88, s6;
	s7 =	simm.s32 @p2 $0x1082  }
0x22: {  	[simem:s7], [sflag:s8] =	dma.local @!p0 [hbm:s6], $0xF7A  }
0x23: {  	s9 =	sor.u32 $0xD0000000, s2;
	s6 =	simm.s32 $0x108;
	_ =	swait.ge @!p0 [sflag:s8], $0x0  }
0x24: {  	s3 =	sadd.s32 $0x88, s3;
	s6 =	simm.s32 @!p1 $0x1082;
	[sflag:s4] =	ssyncset.s32 $0xFFFFF086  }
0x25: {  	[simem:s6], [sflag:s4] =	dma.local [hbm:s3], $0xF7A  }
0x26: {  	[smem:$0x3F9B] =	sst s1;
	(tag) =	ssettag s2;
	_ =	strace s9  }
0x27: {  	s1 =	sld [smem:$0x3FAB]  }
0x28: {  	s2 =	sld [smem:$0x3FAC]  }
0x29: {  	s4 =	sld [smem:$0x3FAE]  }
0x2a: {  	p0 =	seq.s32 s5, $0x0;
	s5 =	sld [smem:$0x3FAF]  }
0x2b: {  	s6 =	sld [smem:$0x3FB0]  }
0x2c: {  	s7 =	sld [smem:$0x3FB1]  }
0x2d: {  	s3 =	simm.s32 $0x108;
	s8 =	sld [smem:$0x3FB2]  }
0x2e: {  	s3 =	simm.s32 @!p0 $0x1082;
	s9 =	sld [smem:$0x3FB3]  }
0x2f: {  	lr =	sadd.s32 s0, s3;
	s0 =	sld [smem:$0x3FAA]  }
0x30: {  	s3 =	sld [smem:$0x3FAD]  }
0x31: {  	[smem:$0x3FB6] =	sst s10  }
0x32: {  	s10 =	sld [smem:$0x3FB4];
	_ =	sdelay $0x3  }
0x33: {  	p0 =	seq.s32 s10, $0x1;
	s10 =	sld [smem:$0x3FB6];
	_ =	sdelay $0x3  }
0x34: {  	[smem:$0x3FB6] =	sst s10  }
0x35: {  	s10 =	sld [smem:$0x3FB5];
	_ =	sdelay $0x3  }
0x36: {  	p1 =	seq.s32 s10, $0x1;
	s10 =	sld [smem:$0x3FB6];
	_ =	sdelay $0x3  }
0x37: {  	[smem:$0x3FB6] =	sst s10  }
0x38: {  	s10 =	sld [smem:$0x3FB7]  }
0x39: {  	_ = 	snop;
	(pc) =	sbr.ind lr, $3  }
0x3a: {  	_ = 	snop  }
0x3b: {  	_ = 	snop  }
0x3c: {  	p2 =	seq.s32 s10, $0x1;
	s10 =	sld [smem:$0x3FB6]  }
0x3d: {  	_ =	shalt  }
0x3e: {  	_ =	shalt  }
0x3f: {  	_ =	shalt  }
0x40: {  	_ =	shalt  }
0x41: {  	_ =	shalt  }
0x42: {  	_ =	shalt  }
0x43: {  	_ =	shalt  }
0x44: {  	_ =	shalt  }
0x45: {  	_ =	shalt  }
0x46: {  	_ =	shalt  }
0x47: {  	_ =	shalt  }
0x48: {  	_ =	shalt  }
0x49: {  	_ =	shalt  }
0x4a: {  	_ =	shalt  }
0x4b: {  	_ =	shalt  }
0x4c: {  	_ =	shalt  }
0x4d: {  	_ =	shalt  }
0x4e: {  	_ =	shalt  }
0x4f: {  	_ =	shalt  }
0x50: {  	_ =	shalt  }
0x51: {  	_ =	shalt  }
0x52: {  	_ =	shalt  }
0x53: {  	_ =	shalt  }
0x54: {  	_ =	shalt  }
0x55: {  	_ =	shalt  }
0x56: {  	_ =	shalt  }
0x57: {  	_ =	shalt  }
0x58: {  	_ =	shalt  }
0x59: {  	_ =	shalt  }
0x5a: {  	_ =	shalt  }
0x5b: {  	_ =	shalt  }
0x5c: {  	_ =	shalt  }
0x5d: {  	_ =	shalt  }
0x5e: {  	_ =	shalt  }
0x5f: {  	_ =	shalt  }
0x60: {  	_ =	shalt  }
0x61: {  	_ =	shalt  }
0x62: {  	_ =	shalt  }
0x63: {  	_ =	shalt  }
0x64: {  	_ =	shalt  }
0x65: {  	_ =	shalt  }
0x66: {  	_ =	shalt  }
0x67: {  	_ =	shalt  }
0x68: {  	_ =	shalt  }
0x69: {  	_ =	shalt  }
0x6a: {  	_ =	shalt  }
0x6b: {  	_ =	shalt  }
0x6c: {  	_ =	shalt  }
0x6d: {  	_ =	shalt  }
0x6e: {  	_ =	shalt  }
0x6f: {  	_ =	shalt  }
0x70: {  	_ =	shalt  }
0x71: {  	_ =	shalt  }
0x72: {  	_ =	shalt  }
0x73: {  	_ =	shalt  }
0x74: {  	_ =	shalt  }
0x75: {  	_ =	shalt  }
0x76: {  	_ =	shalt  }
0x77: {  	_ =	shalt  }
0x78: {  	_ =	shalt  }
0x79: {  	_ =	shalt  }
0x7a: {  	_ =	shalt  }
0x7b: {  	_ =	shalt  }
0x7c: {  	_ =	shalt  }
0x7d: {  	_ =	shalt  }
0x7e: {  	_ =	shalt  }
0x7f: {  	_ =	shalt  }
0x80: {  	_ =	shalt  }
0x81: {  	_ =	shalt  }
0x82: {  	_ =	shalt  }
0x83: {  	_ =	shalt  }
0x84: {  	_ =	shalt  }
0x85: {  	_ =	shalt  }
0x86: {  	_ =	shalt  }
0x87: {  	_ =	shalt  }
.Lfunc_end0:
.L_simem_size_0:
called_computation.2_lowered:
.L_overlay_start_0:
0x88: {  	s2 =	sld [smem:$0x3FD9]  }
0x89: {  	s3 =	sld [smem:$0x3FFE];
	_ =	sdelay $0x1  }
0x8a: {  	s1 =	srdreg.scid  }
0x8b: {  	s0 =	sand.u32 $0x1, s1  }
0x8c: {  	s14 =	sshll.u32 s0, $0xA;
	s2 =	sadd.s32 s3, s2  }
0x8d: {  	s2 =	sadd.s32 s2, s14  }
0x8e: {  	[smem:$0x3FC2] =	sst s2  }
0x8f: {  	_ = 	snop  }
0x90: {  	s2 =	sld [smem:$0x3FD0];
	_ =	sdelay $0x2  }
0x91: {  	s15 =	simm.s32 $0xA;
	s4 =	simm.s32 $0x10  }
0x92: {  	[smem:s4], [sflag:s15] =	dma.local [hbm:s2], $0x1  }
0x93: {  	_ =	swait.eq [sflag:s15], $0x1  }
0x94: {  	[sflag:s15] =	ssyncset.done $0x0  }
0x95: {  	s16 =	sld [smem:$0x10];
	[sflag:s15] =	ssyncadd.s32 $0xFFFFFFFF  }
0x96: {  	s17 =	sld [smem:$0x11];
	(tm) =	ssettm $0x1  }
0x97: {  	s18 =	sld [smem:$0x3FFB];
	_ =	sdelay $0x3  }
0x98: {  	_ =	strace s18  }
0x99: {  	s4 =	sld [smem:$0x3FFC];
	_ =	sdelay $0x3  }
0x9a: {  	_ =	strace s4  }
0x9b: {  	s4 =	sld [smem:$0x3FFD];
	_ =	sdelay $0x3  }
0x9c: {  	_ =	strace s4  }
0x9d: {  	_ =	strace $0x8FFFFFFF  }
0x9e: {  	s19 =	sld [smem:$0x3FDB];
	_ =	sdelay $0x1  }
0x9f: {  	s5 =	simm.s32 $_scs_section_size  }
0xa0: {  	s6 =	simm.s32 $_size__tile_overlayer_lowered;
	s7 =	simm.s32 $_tile_overlayer_lowered  }
0xa1: {  	s22 =	simm.s32 $0x1BFF;
	s21 =	sshll.u32 s7, $0x1;
	s4 =	sadd.s32 s5, s19  }
0xa2: {  	s8 =	simm.s32 $0x0;
	s20 =	sshll.u32 s6, $0x1;
	s6 =	sadd.s32 s21, s4  }
0xa3: {  	[timem:s8], [sflag:s22] =	dma.local [hbm:s6], s20  }
0xa4: {  	_ =	swait.ge [sflag:s22], s20  }
0xa5: {  	s5 =	ssub.s32 $0x0, s20;
	[sflag:s22] =	ssyncset.done $0x0  }
0xa6: {  	[sflag:s22] =	ssyncadd.s32 s5;
	_ =	sdelay $0x1  }
0xa7: {  	s23 =	simm.s32 $0x1B8B  }
0xa8: {  	_ =	swait.ge [sflag:s23], $0x1  }
0xa9: {  	[sflag:s23] =	ssyncset.done $0x0  }
0xaa: {  	s25 =	simm.s32 $0x1B8E;
	s24 =	sld [smem:$0x3FFE];
	[sflag:s23] =	ssyncadd.s32 $0xFFFFFFFF  }
0xab: {  	s26 =	simm.s32 $execute0_lowered;
	[smem:$0x3FD2] =	sst s25  }
0xac: {  	s6 =	sshll.u32 s26, $0x1;
	_ =	strace $0x8000004C;
	[dreg:$0x1] =	wrdreg $0xFFFFFFFF  }
0xad: {  	s28 =	simm.s32 $_size_execute0_lowered;
	s4 =	sadd.s32 s4, s6;
	[dreg:$0x0] =	wrdreg $0x0  }
0xae: {  	s6 =	sshll.u32 s28, $0x1;
	[dreg:$0x2] =	wrdreg s4  }
0xaf: {  	[dreg:$0x3] =	wrdreg s6  }
0xb0: {  	[dreg:$0x4] =	wrdreg $0xC0  }
0xb1: {  	_ =	task [dreg:s8], $0x5FFFF  }
0xb2: {  	[dreg:$0x1] =	wrdreg $0xFFFFFFFF  }
0xb3: {  	[dreg:$0x0] =	wrdreg $0x60  }
0xb4: {  	[dreg:$0x2] =	wrdreg s16  }
0xb5: {  	[dreg:$0x3] =	wrdreg s17  }
0xb6: {  	[dreg:$0x4] =	wrdreg s24  }
0xb7: {  	[dreg:$0x5] =	wrdreg $0x8CA00  }
0xb8: {  	[dreg:$0x6] =	wrdreg $0x9  }
0xb9: {  	_ =	task.clear_ibuf [dreg:s8], $0x7FFFF;
	_ =	strace $0x9000004C  }
0xba: {  	s29 =	simm.s32 $0x9;
	_ =	strace $0x8000004E  }
0xbb: {  	_ =	swait.ge [sflag:s29], $0x1  }
0xbc: {  	[sflag:s29] =	ssyncadd.s32 $0xFFFFFFFF  }
0xbd: {  	_ =	strace $0x9000004E  }
0xbe: {  	_ =	sfence  }
0xbf: {  	s30 =	sld [smem:$0x0];
	_ =	sdelay $0x2  }
0xc0: {  	s31 =	sshll.u32 s1, $0xD;
	s1 =	sshrl.u32 s1, $0x2  }
0xc1: {  	s3 =	sand.u32 $0x4000, s31;
	s1 =	sadd.s32 s1, s30  }
0xc2: {  	s0 =	sor.u32 s3, s0;
	s1 =	sshll.u32 s1, $0x11  }
0xc3: {  	s0 =	sor.u32 s1, s0  }
0xc4: {  	s0 =	sadd.s32 $0x8F2B, s0  }
0xc5: {  	[sflag:s0] =	ssyncadd.remote.s32 $0x1  }
0xc6: {  	_ =	sfence.sel $0xFFFF  }
0xc7: {  	[dreg:$0x0] =	wrdreg $0xFFFFFFFF;
	(pc) =	sbr.abs _section_cstart, $3  }
0xc8: {  	[dreg:$0x1] =	wrdreg $0xFFFFFFFF  }
0xc9: {  	_ =	task.clear_ibuf [dreg:s8], $0x2FFFF;
	_ =	strace $0x9FFFFFFF  }
0xca: {  	(tm) =	ssettm $0x7FFFFFFF  }
0xcb: {  	_ =	shalt  }
tec
execute0_lowered:
.L_overlay_start_1:
0x0: {  	(tag) =	ssettag $0x1  }
0x1: {  	s1 =	rddreg [dreg:$0x0]  }
0x2: {  	s0 =	rddreg [dreg:$0x1]  }
0x3: {  	s4 =	rddreg [dreg:$0x2]  }
0x4: {  	s2 =	rddreg [dreg:$0x3]  }
0x5: {  	s3 =	simm.s32 $0x0;
	s5 =	srdreg.scid;
	s11 =	stileid.u32  }
0x6: {  	s13 =	simm.s32 $0xC8;
	s14 =	simm.s32 $0x4E20;
	s15 =	simm.s32 $0x5AA0  }
0x7: {  	s17 =	simm.s32 $0x6720;
	s19 =	simm.s32 $0x73A0;
	s21 =	simm.s32 $0x8020  }
0x8: {  	s22 =	simm.s32 $0x1;
	s23 =	simm.s32 $0x2;
	s28 =	simm.s32 $0x5  }
0x9: {  	s29 =	simm.s32 $0x4A38;
	s30 =	simm.s32 $0x4B00;
	s31 =	simm.s32 $0x4BC8  }
0xa: {  	[smem:$0x7FF] =	sst s3;
	s5 =	sand.u32 $0x1, s5;
	s8 =	smul.u32 $0x2710, s11  }
0xb: {  	s25 =	sshll.u32 s11, $0x6;
	s6 =	smul.u32 $0x4E20, s5;
	s7 =	sshll.u32 s5, $0x4  }
0xc: {  	s5 =	ssub.s32 $0x2, s5;
	_ =	strace $0x8000004D;
	s7 =	sor.u32 s11, s7  }
0xd: {  	s9 =	sshrl.u32 s5, $0x1;
	s10 =	sadd.s32 s8, s2;
	s12 =	sshrl.u32 s8, $0x3  }
0xe: {  	s11 =	simm.s32 $0x6;
	s7 =	smul.u32 $0x2710, s7;
	s4 =	sadd.s32 s6, s4  }
0xf: {  	s9 =	ssub.s32 s5, s9;
	s5 =	sadd.s32 s1, s12;
	s6 =	sor.u32 $0x1C06, s25  }
0x10: {  	s10 =	sshrl.u32 s10, $0x3;
	s25 =	simm.s32 $0x3;
	s26 =	sadd.s32 $0x2600, s4  }
0x11: {  	s9 =	smax.u32 s9, $0x1;
	s4 =	simm.s32 $0x4D58;
	s7 =	sshrl.u32 s7, $0x3  }
0x12: {  	s24 =	sadd.s32 s12, s26;
	s26 =	simm.s32 $0x4;
	s7 =	sadd.s32 s0, s7  }
0x13: {  	s12 =	simm.s32 $0x0;
	s0 =	simm.s32 $0x4C90;
	s8 =	sadd.s32 $0x9C40, s7  }
.LBB2_1:
0x14: {  	[spmem:s10], [sflag:s6] =	dma.local [hbm:s5], $0x4E2  }
0x15: {  	_ =	swait.ge [sflag:s11], $0x4E2  }
0x16: {  	[sflag:s11] =	ssyncset.done $0x0  }
0x17: {  	[sflag:s11] =	ssyncadd.s32 $0xFFFFFB1E  }
0x18: {  	[bflag:$0x0] =	sbarrier.arrive $0xFFFF  }
0x19: {  	[tilespmem:s3], [sflag:$0x6] =	stream.linear.gather [hbm4b:s7+s3], $0x2710, $0x38;
	[tilespmem:$0xB3B0] =	vst v63  }
0x1a: {  	_ =	swait.ge [sflag:s11], $0x2710  }
0x1b: {  	[sflag:s11] =	ssyncset.done $0x0  }
0x1c: {  	s16 =	simm.s32 $0x2710;
	[sflag:s11] =	ssyncadd.s32 $0xFFFFD8F0  }
0x1d: {  	[tilespmem:s16], [sflag:$0x6] =	stream.linear.gather [hbm4b:s8+s3], $0x2710, $0x38;
	[tilespmem:$0xB3B0] =	vst v63  }
0x1e: {  	_ =	swait.ge [sflag:s11], $0x2710  }
0x1f: {  	[sflag:s11] =	ssyncset.done $0x0  }
0x20: {  	[sflag:s11] =	ssyncadd.s32 $0xFFFFD8F0  }
0x21: {  	[tilespmem:s14], [sflag:$0x1] =	stream.indirect.gather [hbm4b:s1+s13], $0x10, s3, s13, $0xb8;
	[tilespmem:$0xB3B0] =	vst v63  }
0x22: {  	_ = 	snop  }
0x23: {  	[tilespmem:s15], [sflag:$0x2] =	stream.indirect.gather [hbm4b:s1+s13], $0x10, s13, s13, $0xb8;
	[tilespmem:$0xB3B0] =	vst v63  }
0x24: {  	s18 =	simm.s32 $0x190  }
0x25: {  	[tilespmem:s17], [sflag:$0x3] =	stream.indirect.gather [hbm4b:s1+s13], $0x10, s18, s13, $0xb8;
	[tilespmem:$0xB3B0] =	vst v63  }
0x26: {  	s20 =	simm.s32 $0x258  }
0x27: {  	[tilespmem:s19], [sflag:$0x4] =	stream.indirect.gather [hbm4b:s1+s13], $0x10, s20, s13, $0xb8;
	[tilespmem:$0xB3B0] =	vst v63  }
0x28: {  	s18 =	simm.s32 $0x320  }
0x29: {  	[tilespmem:s21], [sflag:$0x5] =	stream.indirect.gather [hbm4b:s1+s13], $0x10, s18, s13, $0xb8;
	[tilespmem:$0xB3B0] =	vst v63  }
0x2a: {  	_ =	swait.ge [sflag:s22], $0xC80  }
0x2b: {  	[sflag:s22] =	ssyncset.done $0x0  }
0x2c: {  	s20 =	simm.s32 $0x2710;
	[sflag:s22] =	ssyncadd.s32 $0xFFFFF380  }
0x2d: {  	[spmem:s2] =	stream.indirect.scatter.add.f32 [tilespmem:s14], [sflag:$0x6], $0x10, s20, s13, $0xb8;
	[tilespmem:$0xB3B0] =	vst v63  }
0x2e: {  	_ =	swait.ge [sflag:s11], $0xC80  }
0x2f: {  	[sflag:s11] =	ssyncset.done $0x0  }
0x30: {  	s18 =	simm.s32 $0x3E8;
	[sflag:s11] =	ssyncadd.s32 $0xFFFFF380  }
0x31: {  	[tilespmem:s14], [sflag:$0x1] =	stream.indirect.gather [hbm4b:s1+s13], $0x10, s18, s13, $0xb8;
	[tilespmem:$0xB3B0] =	vst v63  }
0x32: {  	_ =	swait.ge [sflag:s23], $0xC80  }
0x33: {  	[sflag:s23] =	ssyncset.done $0x0  }
0x34: {  	s20 =	simm.s32 $0x27D8;
	[sflag:s23] =	ssyncadd.s32 $0xFFFFF380  }
0x35: {  	[spmem:s2] =	stream.indirect.scatter.add.f32 [tilespmem:s15], [sflag:$0x6], $0x10, s20, s13, $0xb8;
	[tilespmem:$0xB3B0] =	vst v63  }
0x36: {  	_ =	swait.ge [sflag:s11], $0xC80  }
0x37: {  	[sflag:s11] =	ssyncset.done $0x0  }
0x38: {  	s18 =	simm.s32 $0x4B0;
	[sflag:s11] =	ssyncadd.s32 $0xFFFFF380  }
0x39: {  	[tilespmem:s15], [sflag:$0x2] =	stream.indirect.gather [hbm4b:s1+s13], $0x10, s18, s13, $0xb8;
	[tilespmem:$0xB3B0] =	vst v63  }
0x3a: {  	_ =	swait.ge [sflag:s25], $0xC80  }
0x3b: {  	[sflag:s25] =	ssyncset.done $0x0  }
0x3c: {  	s20 =	simm.s32 $0x28A0;
	[sflag:s25] =	ssyncadd.s32 $0xFFFFF380  }
0x3d: {  	[spmem:s2] =	stream.indirect.scatter.add.f32 [tilespmem:s17], [sflag:$0x6], $0x10, s20, s13, $0xb8;
	[tilespmem:$0xB3B0] =	vst v63  }
0x3e: {  	_ =	swait.ge [sflag:s11], $0xC80  }
0x3f: {  	[sflag:s11] =	ssyncset.done $0x0  }
0x40: {  	s18 =	simm.s32 $0x578;
	[sflag:s11] =	ssyncadd.s32 $0xFFFFF380  }
0x41: {  	[tilespmem:s17], [sflag:$0x3] =	stream.indirect.gather [hbm4b:s1+s13], $0x10, s18, s13, $0xb8;
	[tilespmem:$0xB3B0] =	vst v63  }
0x42: {  	_ =	swait.ge [sflag:s26], $0xC80  }
0x43: {  	[sflag:s26] =	ssyncset.done $0x0  }
0x44: {  	s20 =	simm.s32 $0x2968;
	[sflag:s26] =	ssyncadd.s32 $0xFFFFF380  }
0x45: {  	[spmem:s2] =	stream.indirect.scatter.add.f32 [tilespmem:s19], [sflag:$0x6], $0x10, s20, s13, $0xb8;
	[tilespmem:$0xB3B0] =	vst v63  }
0x46: {  	_ =	swait.ge [sflag:s11], $0xC80  }
0x47: {  	[sflag:s11] =	ssyncset.done $0x0  }
0x48: {  	s18 =	simm.s32 $0x640;
	[sflag:s11] =	ssyncadd.s32 $0xFFFFF380  }
0x49: {  	[tilespmem:s19], [sflag:$0x4] =	stream.indirect.gather [hbm4b:s1+s13], $0x10, s18, s13, $0xb8;
	[tilespmem:$0xB3B0] =	vst v63  }
0x4a: {  	_ =	swait.ge [sflag:s28], $0xC80  }
0x4b: {  	[sflag:s28] =	ssyncset.done $0x0  }
0x4c: {  	s20 =	simm.s32 $0x2A30;
	[sflag:s28] =	ssyncadd.s32 $0xFFFFF380  }
0x4d: {  	[spmem:s2] =	stream.indirect.scatter.add.f32 [tilespmem:s21], [sflag:$0x6], $0x10, s20, s13, $0xb8;
	[tilespmem:$0xB3B0] =	vst v63  }
0x4e: {  	_ =	swait.ge [sflag:s11], $0xC80  }
0x4f: {  	[sflag:s11] =	ssyncset.done $0x0  }
0x50: {  	s16 =	simm.s32 $0xFA0;
	s18 =	simm.s32 $0x708;
	[sflag:s11] =	ssyncadd.s32 $0xFFFFF380  }
.LBB2_2:
0x51: {  	[tilespmem:s21], [sflag:$0x5] =	stream.indirect.gather [hbm4b:s1+s13], $0x10, s18, s13, $0xb8;
	[tilespmem:$0xB3B0] =	vst v63  }
0x52: {  	s18 =	smov.u32 s16  }
0x53: {  	p0 =	sne.s32 s16, $0x7D00;
	s16 =	sadd.s32 $0xFA0, s16;
	_ =	swait.ge [sflag:s22], $0xC80  }
0x54: {  	s18 =	sshra.s32 s18, $0x2;
	[sflag:s22] =	ssyncset.done $0x0  }
0x55: {  	s20 =	sadd.s32 $0x2710, s18;
	[sflag:s22] =	ssyncadd.s32 $0xFFFFF380  }
0x56: {  	[spmem:s2] =	stream.indirect.scatter.add.f32 [tilespmem:s14], [sflag:$0x6], $0x10, s20, s13, $0xb8;
	[tilespmem:$0xB3B0] =	vst v63  }
0x57: {  	_ =	swait.ge [sflag:s11], $0xC80  }
0x58: {  	[sflag:s11] =	ssyncset.done $0x0  }
0x59: {  	s20 =	sadd.s32 $0x3E8, s18;
	[sflag:s11] =	ssyncadd.s32 $0xFFFFF380  }
0x5a: {  	[tilespmem:s14], [sflag:$0x1] =	stream.indirect.gather [hbm4b:s1+s13], $0x10, s20, s13, $0xb8;
	[tilespmem:$0xB3B0] =	vst v63  }
0x5b: {  	_ =	swait.ge [sflag:s23], $0xC80  }
0x5c: {  	[sflag:s23] =	ssyncset.done $0x0  }
0x5d: {  	s20 =	sadd.s32 $0x27D8, s18;
	[sflag:s23] =	ssyncadd.s32 $0xFFFFF380  }
0x5e: {  	[spmem:s2] =	stream.indirect.scatter.add.f32 [tilespmem:s15], [sflag:$0x6], $0x10, s20, s13, $0xb8;
	[tilespmem:$0xB3B0] =	vst v63  }
0x5f: {  	_ =	swait.ge [sflag:s11], $0xC80  }
0x60: {  	[sflag:s11] =	ssyncset.done $0x0  }
0x61: {  	s20 =	sadd.s32 $0x4B0, s18;
	[sflag:s11] =	ssyncadd.s32 $0xFFFFF380  }
0x62: {  	[tilespmem:s15], [sflag:$0x2] =	stream.indirect.gather [hbm4b:s1+s13], $0x10, s20, s13, $0xb8;
	[tilespmem:$0xB3B0] =	vst v63  }
0x63: {  	_ =	swait.ge [sflag:s25], $0xC80  }
0x64: {  	[sflag:s25] =	ssyncset.done $0x0  }
0x65: {  	s20 =	sadd.s32 $0x28A0, s18;
	[sflag:s25] =	ssyncadd.s32 $0xFFFFF380  }
0x66: {  	[spmem:s2] =	stream.indirect.scatter.add.f32 [tilespmem:s17], [sflag:$0x6], $0x10, s20, s13, $0xb8;
	[tilespmem:$0xB3B0] =	vst v63  }
0x67: {  	_ =	swait.ge [sflag:s11], $0xC80  }
0x68: {  	[sflag:s11] =	ssyncset.done $0x0  }
0x69: {  	s20 =	sadd.s32 $0x578, s18;
	[sflag:s11] =	ssyncadd.s32 $0xFFFFF380  }
0x6a: {  	[tilespmem:s17], [sflag:$0x3] =	stream.indirect.gather [hbm4b:s1+s13], $0x10, s20, s13, $0xb8;
	[tilespmem:$0xB3B0] =	vst v63  }
0x6b: {  	_ =	swait.ge [sflag:s26], $0xC80  }
0x6c: {  	[sflag:s26] =	ssyncset.done $0x0  }
0x6d: {  	s20 =	sadd.s32 $0x2968, s18;
	[sflag:s26] =	ssyncadd.s32 $0xFFFFF380  }
0x6e: {  	[spmem:s2] =	stream.indirect.scatter.add.f32 [tilespmem:s19], [sflag:$0x6], $0x10, s20, s13, $0xb8;
	[tilespmem:$0xB3B0] =	vst v63  }
0x6f: {  	_ =	swait.ge [sflag:s11], $0xC80  }
0x70: {  	[sflag:s11] =	ssyncset.done $0x0  }
0x71: {  	s20 =	sadd.s32 $0x640, s18;
	[sflag:s11] =	ssyncadd.s32 $0xFFFFF380  }
0x72: {  	[tilespmem:s19], [sflag:$0x4] =	stream.indirect.gather [hbm4b:s1+s13], $0x10, s20, s13, $0xb8;
	[tilespmem:$0xB3B0] =	vst v63  }
0x73: {  	_ =	swait.ge [sflag:s28], $0xC80  }
0x74: {  	[sflag:s28] =	ssyncset.done $0x0  }
.Ltmp0:
0x75: {  	s20 =	sadd.s32 $0x2A30, s18;
	[sflag:s28] =	ssyncadd.s32 $0xFFFFF380;
	(pc) =	sbr.rel @p0 .LBB2_2-.Ltmp0, $4  }
0x76: {  	[spmem:s2] =	stream.indirect.scatter.add.f32 [tilespmem:s21], [sflag:$0x6], $0x10, s20, s13, $0xb8;
	[tilespmem:$0xB3B0] =	vst v63  }
0x77: {  	_ =	swait.ge [sflag:s11], $0xC80  }
0x78: {  	[sflag:s11] =	ssyncset.done $0x0  }
0x79: {  	s18 =	sadd.s32 $0x708, s18;
	[sflag:s11] =	ssyncadd.s32 $0xFFFFF380  }
0x7a: {  	[tilespmem:s21], [sflag:$0x5] =	stream.indirect.gather [hbm4b:s1+s13], $0x10, s18, s13, $0xb8;
	[tilespmem:$0xB3B0] =	vst v63  }
0x7b: {  	_ =	swait.ge [sflag:s22], $0xC80  }
0x7c: {  	[sflag:s22] =	ssyncset.done $0x0  }
0x7d: {  	[sflag:s22] =	ssyncadd.s32 $0xFFFFF380  }
0x7e: {  	[spmem:s2] =	stream.indirect.scatter.add.f32 [tilespmem:s14], [sflag:$0x6], $0x10, s29, s13, $0xb8;
	[tilespmem:$0xB3B0] =	vst v63  }
0x7f: {  	_ =	swait.ge [sflag:s11], $0xC80  }
0x80: {  	[sflag:s11] =	ssyncset.done $0x0  }
0x81: {  	[sflag:s11] =	ssyncadd.s32 $0xFFFFF380  }
0x82: {  	_ =	swait.ge [sflag:s23], $0xC80  }
0x83: {  	[sflag:s23] =	ssyncset.done $0x0  }
0x84: {  	[sflag:s23] =	ssyncadd.s32 $0xFFFFF380  }
0x85: {  	[spmem:s2] =	stream.indirect.scatter.add.f32 [tilespmem:s15], [sflag:$0x6], $0x10, s30, s13, $0xb8;
	[tilespmem:$0xB3B0] =	vst v63  }
0x86: {  	_ =	swait.ge [sflag:s11], $0xC80  }
0x87: {  	[sflag:s11] =	ssyncset.done $0x0  }
0x88: {  	[sflag:s11] =	ssyncadd.s32 $0xFFFFF380  }
0x89: {  	_ =	swait.ge [sflag:s25], $0xC80  }
0x8a: {  	[sflag:s25] =	ssyncset.done $0x0  }
0x8b: {  	[sflag:s25] =	ssyncadd.s32 $0xFFFFF380  }
0x8c: {  	[spmem:s2] =	stream.indirect.scatter.add.f32 [tilespmem:s17], [sflag:$0x6], $0x10, s31, s13, $0xb8;
	[tilespmem:$0xB3B0] =	vst v63  }
0x8d: {  	_ =	swait.ge [sflag:s11], $0xC80  }
0x8e: {  	[sflag:s11] =	ssyncset.done $0x0  }
0x8f: {  	[sflag:s11] =	ssyncadd.s32 $0xFFFFF380  }
0x90: {  	_ =	swait.ge [sflag:s26], $0xC80  }
0x91: {  	[sflag:s26] =	ssyncset.done $0x0  }
0x92: {  	[sflag:s26] =	ssyncadd.s32 $0xFFFFF380  }
0x93: {  	[spmem:s2] =	stream.indirect.scatter.add.f32 [tilespmem:s19], [sflag:$0x6], $0x10, s0, s13, $0xb8;
	[tilespmem:$0xB3B0] =	vst v63  }
0x94: {  	_ =	swait.ge [sflag:s11], $0xC80  }
0x95: {  	[sflag:s11] =	ssyncset.done $0x0  }
0x96: {  	[sflag:s11] =	ssyncadd.s32 $0xFFFFF380  }
0x97: {  	_ =	swait.ge [sflag:s28], $0xC80  }
0x98: {  	[sflag:s28] =	ssyncset.done $0x0  }
0x99: {  	[sflag:s28] =	ssyncadd.s32 $0xFFFFF380  }
0x9a: {  	[spmem:s2] =	stream.indirect.scatter.add.f32 [tilespmem:s21], [sflag:$0x6], $0x10, s4, s13, $0xb8;
	[tilespmem:$0xB3B0] =	vst v63  }
0x9b: {  	_ =	swait.ge [sflag:s11], $0xC80  }
0x9c: {  	s12 =	sadd.s32 $0x1, s12;
	[sflag:s11] =	ssyncset.done $0x0  }
0x9d: {  	p0 =	sne.s32 s12, s9;
	[sflag:s11] =	ssyncadd.s32 $0xFFFFF380  }
.Ltmp1:
0x9e: {  	[bflag:$0x0] =	sbarrier.arrive $0xFFFF;
	(pc) =	sbr.rel @p0 .LBB2_1-.Ltmp1, $4  }
0x9f: {  	[hbm:s24], [sflag:s6] =	dma.local [spmem:s10], $0x4E2  }
0xa0: {  	_ =	swait.ge [sflag:s11], $0x4E2  }
0xa1: {  	[sflag:s11] =	ssyncset.done $0x0  }
0xa2: {  	[sflag:s11] =	ssyncadd.s32 $0xFFFFFB1E  }
0xa3: {  	_ =	sfence.sel $0x180000  }
0xa4: {  	[bflag:$0x0] =	sbarrier.arrive $0xFFFF  }
0xa5: {  	_ =	strace $0x9000004D  }
0xa6: {  	s0 =	stileid.u32;
	[bflag:$0x2] =	sbarrier.arrive $0xFFFF  }
0xa7: {  	p0 =	sne.s32 s0, $0x0;
	s0 =	rddreg [dreg:$0x4]  }
0xa8: {  	s0 =	sadd.s32 @!p0 $0x100000, s0  }
0xa9: {  	[sflag:s0] =	ssyncadd.tile.s32 @!p0 $0x1;
	_ =	shalt  }
.Lfunc_end2:
_tile_overlayer_lowered:
.L_overlay_start_2:
0xaa: {  	(tag) =	ssettag $0x2  }
0xab: {  	s0 =	rddreg [dreg:$0x0];
	s2 =	stileid.u32  }
0xac: {  	s1 =	rddreg [dreg:$0x1];
	p0 =	sne.s32 s2, $0x0  }
0xad: {  	s3 =	rddreg [dreg:$0x2];
	[bflag:$0x3] =	sbarrier.arrive $0xFFFF;
	s2 =	simm.s32 @!p0 $0x1C06  }
0xae: {  	[timem:s3], [sflag:s2] =	dma.local @!p0 [hbm:s0], s1  }
0xaf: {  	s0 =	simm.s32 @!p0 $0x6  }
0xb0: {  	_ =	swait.ge @!p0 [sflag:s0], s1  }
0xb1: {  	s1 =	ssub.s32 @!p0 $0x0, s1;
	[sflag:s0] =	ssyncset.done @!p0 $0x0  }
0xb2: {  	[sflag:s0] =	ssyncadd.s32 @!p0 s1  }
0xb3: {  	[bflag:$0x3] =	sbarrier.arrive $0xFFFF  }
0xb4: {  	_ =	shalt  }

// kernel: kernel.9.cloned.1.call-start
scs
__scs_entry_jumppad:
0x0: {  	(pc) =	sbr.rel $0x88, $3  }
0x1: {  	(tag) =	ssettag $0x0;
	lr =	simm.s32 $0x1  }
0x2: {  	[smem:$0x3F9B] =	sst lr;
	_ =	strace $0xD0000000  }
0x3: {  	_ = 	snop  }
0x4: {  	_ = 	snop  }
0x5: {  	_ = 	snop  }
0x6: {  	_ = 	snop  }
0x7: {  	_ = 	snop  }
__scs_overlays_trampoline_lowered:
0x8: {  	[smem:$0x3FAA] =	sst s0  }
0x9: {  	[smem:$0x3FAB] =	sst s1  }
0xa: {  	[smem:$0x3FAC] =	sst s2  }
0xb: {  	[smem:$0x3FAD] =	sst s3  }
0xc: {  	[smem:$0x3FAE] =	sst s4  }
0xd: {  	[smem:$0x3FAF] =	sst s5  }
0xe: {  	[smem:$0x3FB0] =	sst s6  }
0xf: {  	[smem:$0x3FB1] =	sst s7  }
0x10: {  	[smem:$0x3FB2] =	sst s8  }
0x11: {  	[smem:$0x3FB3] =	sst s9;
	s0 =	simm.s32 @!p0 $0x0  }
0x12: {  	s1 =	sld [smem:$0x3F99];
	s0 =	simm.s32 @p0 $0x1  }
0x13: {  	[smem:$0x3FB4] =	sst s0;
	s0 =	simm.s32 @!p1 $0x0  }
0x14: {  	s2 =	sld [smem:$0x3F98];
	s0 =	simm.s32 @p1 $0x1  }
0x15: {  	[smem:$0x3FB5] =	sst s0;
	s0 =	simm.s32 @!p2 $0x0  }
0x16: {  	s3 =	sld [smem:$0x3FDB];
	s0 =	simm.s32 @p2 $0x1  }
0x17: {  	s4 =	simm.s32 $0x1BF5;
	[smem:$0x3FB7] =	sst s0  }
0x18: {  	s0 =	sld [smem:$0x3F9A];
	_ =	swait.ge [sflag:s4], $0x0  }
0x19: {  	s7 =	sld [smem:$0x3F9B]  }
0x1a: {  	s8 =	sadd.s32 $0xFFFFE003, lr  }
0x1b: {  	s9 =	sadd.s32 $0xFFFFFEF7, lr;
	s5 =	simm.s32 $0xFFFFFFFF;
	p2 =	slt.u32 s8, $0xFFFFF086  }
0x1c: {  	p1 =	slt.u32 s9, $0xF7A;
	s5 =	simm.s32 @!p2 $0x0  }
0x1d: {  	s5 =	simm.s32 @p1 $0x1;
	p0 =	seq.s32 s7, s2  }
0x1e: {  	s7 =	smul.u32 @!p0 $0xF7A, s2;
	p2 =	seq.s32 @!p0 s5, $0x0  }
0x1f: {  	s9 =	smul.u32 $0xF7A, s1;
	s8 =	simm.s32 @!p0 $0x1BF5;
	p2 =	por !p2, p0  }
0x20: {  	[sflag:s8] =	ssyncset.s32 @!p0 $0xFFFFF086;
	s6 =	sadd.s32 @!p0 s3, s7;
	s7 =	simm.s32 @!p0 $0x108  }
0x21: {  	s3 =	sadd.s32 s3, s9;
	s6 =	sadd.s32 @!p0 $0x88, s6;
	s7 =	simm.s32 @p2 $0x1082  }
0x22: {  	[simem:s7], [sflag:s8] =	dma.local @!p0 [hbm:s6], $0xF7A  }
0x23: {  	s9 =	sor.u32 $0xD0000000, s2;
	s6 =	simm.s32 $0x108;
	_ =	swait.ge @!p0 [sflag:s8], $0x0  }
0x24: {  	s3 =	sadd.s32 $0x88, s3;
	s6 =	simm.s32 @!p1 $0x1082;
	[sflag:s4] =	ssyncset.s32 $0xFFFFF086  }
0x25: {  	[simem:s6], [sflag:s4] =	dma.local [hbm:s3], $0xF7A  }
0x26: {  	[smem:$0x3F9B] =	sst s1;
	(tag) =	ssettag s2;
	_ =	strace s9  }
0x27: {  	s1 =	sld [smem:$0x3FAB]  }
0x28: {  	s2 =	sld [smem:$0x3FAC]  }
0x29: {  	s4 =	sld [smem:$0x3FAE]  }
0x2a: {  	p0 =	seq.s32 s5, $0x0;
	s5 =	sld [smem:$0x3FAF]  }
0x2b: {  	s6 =	sld [smem:$0x3FB0]  }
0x2c: {  	s7 =	sld [smem:$0x3FB1]  }
0x2d: {  	s3 =	simm.s32 $0x108;
	s8 =	sld [smem:$0x3FB2]  }
0x2e: {  	s3 =	simm.s32 @!p0 $0x1082;
	s9 =	sld [smem:$0x3FB3]  }
0x2f: {  	lr =	sadd.s32 s0, s3;
	s0 =	sld [smem:$0x3FAA]  }
0x30: {  	s3 =	sld [smem:$0x3FAD]  }
0x31: {  	[smem:$0x3FB6] =	sst s10  }
0x32: {  	s10 =	sld [smem:$0x3FB4];
	_ =	sdelay $0x3  }
0x33: {  	p0 =	seq.s32 s10, $0x1;
	s10 =	sld [smem:$0x3FB6];
	_ =	sdelay $0x3  }
0x34: {  	[smem:$0x3FB6] =	sst s10  }
0x35: {  	s10 =	sld [smem:$0x3FB5];
	_ =	sdelay $0x3  }
0x36: {  	p1 =	seq.s32 s10, $0x1;
	s10 =	sld [smem:$0x3FB6];
	_ =	sdelay $0x3  }
0x37: {  	[smem:$0x3FB6] =	sst s10  }
0x38: {  	s10 =	sld [smem:$0x3FB7]  }
0x39: {  	_ = 	snop;
	(pc) =	sbr.ind lr, $3  }
0x3a: {  	_ = 	snop  }
0x3b: {  	_ = 	snop  }
0x3c: {  	p2 =	seq.s32 s10, $0x1;
	s10 =	sld [smem:$0x3FB6]  }
0x3d: {  	_ =	shalt  }
0x3e: {  	_ =	shalt  }
0x3f: {  	_ =	shalt  }
0x40: {  	_ =	shalt  }
0x41: {  	_ =	shalt  }
0x42: {  	_ =	shalt  }
0x43: {  	_ =	shalt  }
0x44: {  	_ =	shalt  }
0x45: {  	_ =	shalt  }
0x46: {  	_ =	shalt  }
0x47: {  	_ =	shalt  }
0x48: {  	_ =	shalt  }
0x49: {  	_ =	shalt  }
0x4a: {  	_ =	shalt  }
0x4b: {  	_ =	shalt  }
0x4c: {  	_ =	shalt  }
0x4d: {  	_ =	shalt  }
0x4e: {  	_ =	shalt  }
0x4f: {  	_ =	shalt  }
0x50: {  	_ =	shalt  }
0x51: {  	_ =	shalt  }
0x52: {  	_ =	shalt  }
0x53: {  	_ =	shalt  }
0x54: {  	_ =	shalt  }
0x55: {  	_ =	shalt  }
0x56: {  	_ =	shalt  }
0x57: {  	_ =	shalt  }
0x58: {  	_ =	shalt  }
0x59: {  	_ =	shalt  }
0x5a: {  	_ =	shalt  }
0x5b: {  	_ =	shalt  }
0x5c: {  	_ =	shalt  }
0x5d: {  	_ =	shalt  }
0x5e: {  	_ =	shalt  }
0x5f: {  	_ =	shalt  }
0x60: {  	_ =	shalt  }
0x61: {  	_ =	shalt  }
0x62: {  	_ =	shalt  }
0x63: {  	_ =	shalt  }
0x64: {  	_ =	shalt  }
0x65: {  	_ =	shalt  }
0x66: {  	_ =	shalt  }
0x67: {  	_ =	shalt  }
0x68: {  	_ =	shalt  }
0x69: {  	_ =	shalt  }
0x6a: {  	_ =	shalt  }
0x6b: {  	_ =	shalt  }
0x6c: {  	_ =	shalt  }
0x6d: {  	_ =	shalt  }
0x6e: {  	_ =	shalt  }
0x6f: {  	_ =	shalt  }
0x70: {  	_ =	shalt  }
0x71: {  	_ =	shalt  }
0x72: {  	_ =	shalt  }
0x73: {  	_ =	shalt  }
0x74: {  	_ =	shalt  }
0x75: {  	_ =	shalt  }
0x76: {  	_ =	shalt  }
0x77: {  	_ =	shalt  }
0x78: {  	_ =	shalt  }
0x79: {  	_ =	shalt  }
0x7a: {  	_ =	shalt  }
0x7b: {  	_ =	shalt  }
0x7c: {  	_ =	shalt  }
0x7d: {  	_ =	shalt  }
0x7e: {  	_ =	shalt  }
0x7f: {  	_ =	shalt  }
0x80: {  	_ =	shalt  }
0x81: {  	_ =	shalt  }
0x82: {  	_ =	shalt  }
0x83: {  	_ =	shalt  }
0x84: {  	_ =	shalt  }
0x85: {  	_ =	shalt  }
0x86: {  	_ =	shalt  }
0x87: {  	_ =	shalt  }
.Lfunc_end0:
.L_simem_size_0:
called_computation_lowered:
.L_overlay_start_0:
0x88: {  	s2 =	sld [smem:$0x3FD9]  }
0x89: {  	s3 =	sld [smem:$0x3FFE];
	_ =	sdelay $0x1  }
0x8a: {  	s1 =	srdreg.scid  }
0x8b: {  	s0 =	sand.u32 $0x1, s1  }
0x8c: {  	s14 =	sshll.u32 s0, $0xA;
	s2 =	sadd.s32 s3, s2  }
0x8d: {  	s2 =	sadd.s32 s2, s14  }
0x8e: {  	[smem:$0x3FC2] =	sst s2  }
0x8f: {  	_ = 	snop  }
0x90: {  	s2 =	sld [smem:$0x3FD0];
	_ =	sdelay $0x2  }
0x91: {  	s15 =	simm.s32 $0xA;
	s4 =	simm.s32 $0x10  }
0x92: {  	[smem:s4], [sflag:s15] =	dma.local [hbm:s2], $0x1  }
0x93: {  	_ =	swait.eq [sflag:s15], $0x1  }
0x94: {  	[sflag:s15] =	ssyncset.done $0x0  }
0x95: {  	[sflag:s15] =	ssyncadd.s32 $0xFFFFFFFF  }
0x96: {  	s16 =	sld [smem:$0x11];
	(tm) =	ssettm $0x1  }
0x97: {  	s17 =	sld [smem:$0x3FFB];
	_ =	sdelay $0x3  }
0x98: {  	_ =	strace s17  }
0x99: {  	s3 =	sld [smem:$0x3FFC];
	_ =	sdelay $0x3  }
0x9a: {  	_ =	strace s3  }
0x9b: {  	s3 =	sld [smem:$0x3FFD];
	_ =	sdelay $0x3  }
0x9c: {  	_ =	strace s3  }
0x9d: {  	_ =	strace $0x8FFFFFFF  }
0x9e: {  	s18 =	sld [smem:$0x3FDB];
	_ =	sdelay $0x1  }
0x9f: {  	s19 =	simm.s32 $_scs_section_size  }
0xa0: {  	s5 =	simm.s32 $_size__tile_overlayer_lowered;
	s6 =	simm.s32 $_tile_overlayer_lowered  }
0xa1: {  	s22 =	simm.s32 $0x1BFF;
	s21 =	sshll.u32 s6, $0x1;
	s3 =	sadd.s32 s19, s18  }
0xa2: {  	s7 =	simm.s32 $0x0;
	s20 =	sshll.u32 s5, $0x1;
	s5 =	sadd.s32 s21, s3  }
0xa3: {  	[timem:s7], [sflag:s22] =	dma.local [hbm:s5], s20  }
0xa4: {  	_ =	swait.ge [sflag:s22], s20  }
0xa5: {  	s4 =	ssub.s32 $0x0, s20;
	[sflag:s22] =	ssyncset.done $0x0  }
0xa6: {  	[sflag:s22] =	ssyncadd.s32 s4;
	_ =	sdelay $0x1  }
0xa7: {  	s23 =	simm.s32 $0x1B8B  }
0xa8: {  	_ =	swait.ge [sflag:s23], $0x1  }
0xa9: {  	[sflag:s23] =	ssyncset.done $0x0  }
0xaa: {  	s25 =	simm.s32 $0x1B8E;
	s24 =	sld [smem:$0x3FFE];
	[sflag:s23] =	ssyncadd.s32 $0xFFFFFFFF  }
0xab: {  	s26 =	simm.s32 $execute0_lowered;
	[smem:$0x3FD2] =	sst s25  }
0xac: {  	s5 =	sshll.u32 s26, $0x1;
	_ =	strace $0x80000046;
	[dreg:$0x1] =	wrdreg $0xFFFFFFFF  }
0xad: {  	s28 =	simm.s32 $_size_execute0_lowered;
	s3 =	sadd.s32 s3, s5;
	[dreg:$0x0] =	wrdreg $0x0  }
0xae: {  	s5 =	sshll.u32 s28, $0x1;
	[dreg:$0x2] =	wrdreg s3  }
0xaf: {  	[dreg:$0x3] =	wrdreg s5  }
0xb0: {  	[dreg:$0x4] =	wrdreg $0xC0  }
0xb1: {  	_ =	task [dreg:s7], $0x5FFFF  }
0xb2: {  	[dreg:$0x1] =	wrdreg $0xFFFFFFFF  }
0xb3: {  	[dreg:$0x0] =	wrdreg $0x60  }
0xb4: {  	[dreg:$0x2] =	wrdreg s16  }
0xb5: {  	[dreg:$0x3] =	wrdreg s24  }
0xb6: {  	[dreg:$0x4] =	wrdreg $0x9  }
0xb7: {  	_ =	task.clear_ibuf [dreg:s7], $0x5FFFF;
	_ =	strace $0x90000046  }
0xb8: {  	s29 =	simm.s32 $0x9;
	_ =	strace $0x80000048  }
0xb9: {  	_ =	swait.ge [sflag:s29], $0x1  }
0xba: {  	[sflag:s29] =	ssyncadd.s32 $0xFFFFFFFF  }
0xbb: {  	_ =	strace $0x90000048  }
0xbc: {  	_ =	sfence  }
0xbd: {  	s30 =	sld [smem:$0x0];
	_ =	sdelay $0x2  }
0xbe: {  	s31 =	sshll.u32 s1, $0xD;
	s1 =	sshrl.u32 s1, $0x2  }
0xbf: {  	s3 =	sand.u32 $0x4000, s31;
	s1 =	sadd.s32 s1, s30  }
0xc0: {  	s0 =	sor.u32 s3, s0;
	s1 =	sshll.u32 s1, $0x11  }
0xc1: {  	s0 =	sor.u32 s1, s0  }
0xc2: {  	s0 =	sadd.s32 $0x8F2B, s0  }
0xc3: {  	[sflag:s0] =	ssyncadd.remote.s32 $0x1  }
0xc4: {  	_ =	sfence.sel $0xFFFF  }
0xc5: {  	[dreg:$0x0] =	wrdreg $0xFFFFFFFF;
	(pc) =	sbr.abs _section_cstart, $3  }
0xc6: {  	[dreg:$0x1] =	wrdreg $0xFFFFFFFF  }
0xc7: {  	_ =	task.clear_ibuf [dreg:s7], $0x2FFFF;
	_ =	strace $0x9FFFFFFF  }
0xc8: {  	(tm) =	ssettm $0x7FFFFFFF  }
0xc9: {  	_ =	shalt  }
tec
execute0_lowered:
.L_overlay_start_1:
0x0: {  	(tag) =	ssettag $0x1  }
0x1: {  	s0 =	srdreg.scid  }
0x2: {  	s3 =	sand.u32 $0x1, s0  }
0x3: {  	s0 =	stileid.u32;
	s1 =	sshll.u32 s3, $0x4  }
0x4: {  	s4 =	rddreg [dreg:$0x0];
	s6 =	sor.u32 s0, s1  }
0x5: {  	s5 =	rddreg [dreg:$0x1];
	s2 =	simm.s32 $0x0;
	s6 =	smul.u32 $0x2710, s6  }
0x6: {  	s8 =	simm.s32 $0x0;
	[smem:$0x7FF] =	sst s2;
	s3 =	ssub.s32 $0x2, s3  }
0x7: {  	s1 =	rddreg [dreg:$0x2];
	s7 =	sshrl.u32 s3, $0x1;
	s6 =	sshrl.u32 s6, $0x3  }
0x8: {  	_ =	strace $0x80000047;
	s7 =	ssub.s32 s3, s7;
	s31 =	sadd.s32 s4, s6  }
0x9: {  	s5 =	sadd.s32 s6, s5;
	s6 =	simm.s32 $0x1;
	s3 =	sadd.s32 $0x9C40, s31  }
0xa: {  	v0 =	vimm.f32 $0.0e+00;
	v1 =	vimm.f32 $1.000000000e+00;
	s4 =	sadd.s32 $0x2600, s5;
	s5 =	smax.u32 s7, $0x1;
	s7 =	simm.s32 $0x2710  }
.LBB2_1:
0xb: {  	[tilespmem:s2], [sflag:$0x1] =	stream.linear.gather [hbm4b:s3+s2], $0x2710, $0x38;
	[tilespmem:$0x4E20] =	vst v63  }
0xc: {  	_ =	swait.ge [sflag:s6], $0x2710  }
0xd: {  	[sflag:s6] =	ssyncset.done $0x0  }
0xe: {  	s9 =	simm.s32 $0x0;
	[sflag:s6] =	ssyncadd.s32 $0xFFFFD8F0  }
.LBB2_2:
0xf: {  	p0 =	sne.s32 s9, $0x9C00  }
.Ltmp0:
0x10: {  	_ = 	snop;
	(pc) =	sbr.rel @p0 .LBB2_2-.Ltmp0, $3  }
0x11: {  	_ =	sdelay $0x1  }
0x12: {  	s10 =	sshra.s32 s9, $0x2  }
0x13: {  	s9 =	sadd.s32 $0x40, s9;
	[tilespmem:s10+$0x2710] =	vst v0  }
0x14: {  	s10 =	simm.s32 $0x0;
	s9 =	simm.s32 $0x40  }
.LBB2_4:
0x15: {  	p0 =	sne.s32 s9, $0x9C00;
	v2 =	vld [tilespmem:s10+$0x0];
	_ =	sdelay $0x3  }
.Ltmp1:
0x16: {  	(pc) =	sbr.rel @p0 .LBB2_4-.Ltmp1, $2  }
0x17: {  	_ =	sdelay $0x2  }
0x18: {  	s10 =	sshra.s32 s9, $0x2;
	s9 =	sadd.s32 $0x40, s9;
	[tilespmem:v2+s7+$0x0] =	vst.idx.add.f32.msk $0xffff, v1  }
0x19: {  	v2 =	vld [tilespmem:s10+$0x0];
	_ =	sdelay $0x5  }
0x1a: {  	s8 =	sadd.s32 $0x1, s8  }
0x1b: {  	p0 =	sne.s32 s8, s5  }
.Ltmp2:
0x1c: {  	[tilespmem:v2+s7+$0x0] =	vst.idx.add.f32.msk $0xffff, v1;
	(pc) =	sbr.rel @p0 .LBB2_1-.Ltmp2, $4  }
0x1d: {  	[hbm4b:s4+s2] =	stream.linear.scatter [tilespmem:s7], [sflag:$0x1], $0x2710, $0x38;
	[tilespmem:$0x4E20] =	vst v63  }
0x1e: {  	_ =	swait.ge [sflag:s6], $0x2710  }
0x1f: {  	[sflag:s6] =	ssyncset.done $0x0  }
0x20: {  	[sflag:s6] =	ssyncadd.s32 $0xFFFFD8F0  }
0x21: {  	_ =	sfence.sel $0x180000  }
0x22: {  	[bflag:$0x0] =	sbarrier.arrive $0xFFFF  }
0x23: {  	p0 =	sne.s32 s0, $0x0;
	_ =	strace $0x90000047  }
0x24: {  	s0 =	sadd.s32 @!p0 $0x100000, s1;
	[bflag:$0x2] =	sbarrier.arrive $0xFFFF  }
0x25: {  	[sflag:s0] =	ssyncadd.tile.s32 @!p0 $0x1;
	_ =	shalt  }
.Lfunc_end2:
_tile_overlayer_lowered:
.L_overlay_start_2:
0x26: {  	(tag) =	ssettag $0x2  }
0x27: {  	s0 =	rddreg [dreg:$0x0];
	s2 =	stileid.u32  }
0x28: {  	s1 =	rddreg [dreg:$0x1];
	p0 =	sne.s32 s2, $0x0  }
0x29: {  	s3 =	rddreg [dreg:$0x2];
	[bflag:$0x3] =	sbarrier.arrive $0xFFFF;
	s2 =	simm.s32 @!p0 $0x1C01  }
0x2a: {  	[timem:s3], [sflag:s2] =	dma.local @!p0 [hbm:s0], s1  }
0x2b: {  	s0 =	simm.s32 @!p0 $0x1  }
0x2c: {  	_ =	swait.ge @!p0 [sflag:s0], s1  }
0x2d: {  	s1 =	ssub.s32 @!p0 $0x0, s1;
	[sflag:s0] =	ssyncset.done @!p0 $0x0  }
0x2e: {  	[sflag:s0] =	ssyncadd.s32 @!p0 s1  }
0x2f: {  	[bflag:$0x3] =	sbarrier.arrive $0xFFFF  }
0x30: {  	_ =	shalt  }

</sc_bundles>
